<compile_context>
chip_gen: v7x
topology: tpu7x:2x2x1
jax: 0.10.2.dev20260603
libtpu: 0.0.44.dev20260713+nightly
codegen_flags: <defaults>
</compile_context>

<pallas_src>
import functools

import jax
import jax.numpy as jnp
from jax import lax
from jax.experimental import pallas as pl
from jax.experimental.pallas import tpu as pltpu
from jax.experimental.pallas import tpu_sc as plsc

B = 16384
D = 16
H1 = 64
H2 = 32


@functools.cache
def _sc_gather(nb):
    info = plsc.get_sparse_core_info()
    nw = info.num_cores * info.num_subcores
    bpw = nb // nw
    mesh = plsc.VectorSubcoreMesh(core_axis_name="c", subcore_axis_name="s")

    @functools.partial(
        pl.kernel,
        out_type=(
            jax.ShapeDtypeStruct((D, nb), jnp.float32),
            jax.ShapeDtypeStruct((D, nb), jnp.float32),
        ),
        mesh=mesh,
        compiler_params=pltpu.CompilerParams(use_tc_tiling_on_sc=True,
                                             needs_layout_passes=False),
        scratch_types=[
            pltpu.VMEM((bpw,), jnp.int32),
            pltpu.VMEM((bpw,), jnp.int32),
            pltpu.VMEM((D, 16 * 128), jnp.float32),
            pltpu.VMEM((D, 16 * 128), jnp.float32),
            pltpu.VMEM((D, bpw), jnp.float32),
            pltpu.VMEM((D, bpw), jnp.float32),
            pltpu.SemaphoreType.DMA,
            pltpu.SemaphoreType.DMA,
            pltpu.SemaphoreType.DMA,
            pltpu.SemaphoreType.DMA,
        ],
    )
    def gather_kernel(uid_hbm, iid_hbm, utab_hbm, itab_hbm, uout_hbm, iout_hbm,
                      uidx_v, iidx_v, ubuf_v, ibuf_v, urows_v, irows_v,
                      usem_a, isem_a, usem_b, isem_b):
        wid = lax.axis_index("s") * info.num_cores + lax.axis_index("c")
        base = wid * bpw
        pltpu.sync_copy(uid_hbm.at[pl.ds(base, bpw)], uidx_v)
        pltpu.sync_copy(iid_hbm.at[pl.ds(base, bpw)], iidx_v)
        lanes = lax.iota(jnp.int32, 16)
        ngrp = bpw // 8

        def tile_col(r):
            return pl.multiple_of(
                lax.shift_left(lax.shift_right_logical(r, 7), 7), 128)

        def issue(uvec, ivec, half, slot, usem, isem):
            for j in range(8):
                ru = uvec[half * 8 + j]
                ri = ivec[half * 8 + j]
                dst = pl.ds(slot * 1024 + j * 128, 128)
                pltpu.async_copy(utab_hbm.at[:, pl.ds(tile_col(ru), 128)],
                                 ubuf_v.at[:, dst], usem)
                pltpu.async_copy(itab_hbm.at[:, pl.ds(tile_col(ri), 128)],
                                 ibuf_v.at[:, dst], isem)

        def drain(slot, usem, isem):
            sl = pl.ds(slot * 1024, 1024)
            pltpu.make_async_copy(utab_hbm.at[:, pl.ds(0, 1024)],
                                  ubuf_v.at[:, sl], usem).wait()
            pltpu.make_async_copy(itab_hbm.at[:, pl.ds(0, 1024)],
                                  ibuf_v.at[:, sl], isem).wait()

        def extract(g, uvec, ivec, half, slot):
            for j in range(8):
                ru = uvec[half * 8 + j]
                ri = ivec[half * 8 + j]
                off = slot * 1024 + j * 128
                lu = lanes * 0 + (off + lax.bitwise_and(ru, 127))
                li = lanes * 0 + (off + lax.bitwise_and(ri, 127))
                col = lanes * 0 + (g * 8 + j)
                uval = plsc.load_gather(ubuf_v, [lanes, lu])
                plsc.store_scatter(urows_v, [lanes, col], uval)
                ival = plsc.load_gather(ibuf_v, [lanes, li])
                plsc.store_scatter(irows_v, [lanes, col], ival)

        def vecs_for_pair(mm):
            uvec = uidx_v[pl.ds(mm * 16, 16)]
            ivec = iidx_v[pl.ds(mm * 16, 16)]
            return uvec, ivec

        uvec0, ivec0 = vecs_for_pair(0)
        issue(uvec0, ivec0, 0, 0, usem_a, isem_a)
        issue(uvec0, ivec0, 1, 1, usem_b, isem_b)

        def pipe(mm, _):
            uvec, ivec = vecs_for_pair(mm)
            nxt = jnp.minimum(mm + 1, ngrp // 2 - 1)
            uvn, ivn = vecs_for_pair(nxt)
            drain(0, usem_a, isem_a)
            extract(2 * mm, uvec, ivec, 0, 0)
            issue(uvn, ivn, 0, 0, usem_a, isem_a)
            drain(1, usem_b, isem_b)
            extract(2 * mm + 1, uvec, ivec, 1, 1)
            issue(uvn, ivn, 1, 1, usem_b, isem_b)
            return 0

        lax.fori_loop(0, ngrp // 2, pipe, 0)
        drain(0, usem_a, isem_a)
        drain(1, usem_b, isem_b)
        aligned_base = pl.multiple_of(base, 128)
        pltpu.sync_copy(urows_v, uout_hbm.at[:, pl.ds(aligned_base, bpw)])
        pltpu.sync_copy(irows_v, iout_hbm.at[:, pl.ds(aligned_base, bpw)])

    return gather_kernel


_BB = 8192


def _tc_body(u_ref, i_ref, w1ut_ref, w1it_ref, b1_ref, w2t_ref, b2_ref,
             w3_ref, c0_ref, out_ref):
    uT = u_ref[...]
    iT = i_ref[...]
    inter = jnp.sum(uT * iT, axis=0)
    h1 = jnp.dot(w1ut_ref[...], uT, preferred_element_type=jnp.float32)
    h1 = h1 + jnp.dot(w1it_ref[...], iT, preferred_element_type=jnp.float32)
    h1 = jnp.maximum(h1 + b1_ref[...], 0.0)
    h2 = jnp.dot(w2t_ref[...], h1, preferred_element_type=jnp.float32)
    h2 = jnp.maximum(h2 + b2_ref[...], 0.0)
    deep = jnp.sum(h2 * w3_ref[...], axis=0)
    out_ref[...] = inter + deep + c0_ref[0]


def _tc_mlp(uT, iT, w1ut, w1it, b1col, w2t, b2col, w3col, c0):
    nb = uT.shape[1]
    rep = lambda shape: pl.BlockSpec(shape, lambda i: (0,) * len(shape))
    return pl.pallas_call(
        _tc_body,
        grid=(nb // _BB,),
        in_specs=[
            pl.BlockSpec((D, _BB), lambda i: (0, i)),
            pl.BlockSpec((D, _BB), lambda i: (0, i)),
            rep((H1, D)),
            rep((H1, D)),
            rep((H1, 1)),
            rep((H2, H1)),
            rep((H2, 1)),
            rep((H2, 1)),
            pl.BlockSpec(memory_space=pltpu.SMEM),
        ],
        out_specs=pl.BlockSpec((_BB,), lambda i: (i,)),
        out_shape=jax.ShapeDtypeStruct((nb,), jnp.float32),
    )(uT, iT, w1ut, w1it, b1col, w2t, b2col, w3col, c0)


_NSPLIT = 1


def kernel(user_id, item_id, user_table, item_table, fm_bias, W1, b1, W2, b2,
           W3, b3):
    uid = user_id.astype(jnp.int32)
    iid = item_id.astype(jnp.int32)
    utabT = user_table.T
    itabT = item_table.T
    c0 = fm_bias + b3
    W1t = W1.T
    nb = B // _NSPLIT
    gather = _sc_gather(nb)
    outs = []
    for k in range(_NSPLIT):
        uT, iT = gather(lax.dynamic_slice_in_dim(uid, k * nb, nb),
                        lax.dynamic_slice_in_dim(iid, k * nb, nb),
                        utabT, itabT)
        outs.append(_tc_mlp(uT, iT, W1t[:, :D], W1t[:, D:],
                            b1.reshape(H1, 1), W2.T, b2.reshape(H2, 1), W3,
                            c0))
    return outs[0] if _NSPLIT == 1 else jnp.concatenate(outs)

# --- scband reference (transcript-rebuilt; emitter-appended) ---
"""Pipeline reference for scband-deep-fm-85426899517689 (READ-ONLY COPY).

The authoritative reference and input builder live on the scoring server;
editing this copy changes nothing except your own understanding.
"""

import jax, jax.numpy as jnp
import numpy as np

B = 16384
U = 1000000
I = 1000000
D = 16

def setup_inputs(seed: int = 0) -> dict:
    key = jax.random.key(seed)
    ks = jax.random.split(key, 12)
    user_id = jax.random.randint(ks[0], (B,), 0, U)
    item_id = jax.random.randint(ks[1], (B,), 0, I)
    user_table = jax.random.normal(ks[2], (U, D), dtype=jnp.float32) * 0.02
    item_table = jax.random.normal(ks[3], (I, D), dtype=jnp.float32) * 0.02
    fm_bias = jnp.zeros((1,), dtype=jnp.float32)
    W1 = jax.random.normal(ks[4], (2 * D, 64), dtype=jnp.float32) * (1.0 / np.sqrt(2 * D))
    b1 = jnp.zeros((64,), dtype=jnp.float32)
    W2 = jax.random.normal(ks[5], (64, 32), dtype=jnp.float32) * (1.0 / np.sqrt(64))
    b2 = jnp.zeros((32,), dtype=jnp.float32)
    W3 = jax.random.normal(ks[6], (32, 1), dtype=jnp.float32) * (1.0 / np.sqrt(32))
    b3 = jnp.zeros((1,), dtype=jnp.float32)
    return {"user_id": user_id, "item_id": item_id, "user_table": user_table,
            "item_table": item_table, "fm_bias": fm_bias,
            "W1": W1, "b1": b1, "W2": W2, "b2": b2, "W3": W3, "b3": b3}

def reference(user_id, item_id, user_table, item_table, fm_bias, W1, b1, W2, b2, W3, b3):
    user_emb = jnp.take(user_table, user_id, axis=0)
    item_emb = jnp.take(item_table, item_id, axis=0)
    first_order = fm_bias
    interaction = jnp.sum(user_emb * item_emb, axis=1, keepdims=True)
    x = jnp.concatenate([user_emb, item_emb], axis=-1)
    h = jax.nn.relu(x @ W1 + b1)
    h = jax.nn.relu(h @ W2 + b2)
    deep_output = h @ W3 + b3
    return jnp.squeeze(first_order + interaction + deep_output, axis=-1)

if __name__ == "__main__":
    import jax
    _d = setup_inputs()
    print(jax.jit(kernel)(*tuple(_d.values())))

</pallas_src>

<mosaic_0001>
#map = affine_map<(d0, d1) -> (0)>
#map1 = affine_map<(d0, d1) -> (0, 0)>
module attributes {stable_mosaic.version = 14 : i64} {
  func.func @gather_kernel(%arg0: i32, %arg1: i32, %arg2: memref<16384xi32, #tpu.memory_space<hbm>>, %arg3: memref<16384xi32, #tpu.memory_space<hbm>>, %arg4: memref<16x1000000xf32, #tpu.memory_space<hbm>>, %arg5: memref<16x1000000xf32, #tpu.memory_space<hbm>>, %arg6: memref<16x16384xf32, #tpu.memory_space<hbm>>, %arg7: memref<16x16384xf32, #tpu.memory_space<hbm>>, %arg8: memref<512xi32, #tpu.memory_space<vmem>>, %arg9: memref<512xi32, #tpu.memory_space<vmem>>, %arg10: memref<16x2048xf32, #tpu.memory_space<vmem>>, %arg11: memref<16x2048xf32, #tpu.memory_space<vmem>>, %arg12: memref<16x512xf32, #tpu.memory_space<vmem>>, %arg13: memref<16x512xf32, #tpu.memory_space<vmem>>, %arg14: memref<!tpu.dma_semaphore, #tpu.memory_space<semaphore_mem>>, %arg15: memref<!tpu.dma_semaphore, #tpu.memory_space<semaphore_mem>>, %arg16: memref<!tpu.dma_semaphore, #tpu.memory_space<semaphore_mem>>, %arg17: memref<!tpu.dma_semaphore, #tpu.memory_space<semaphore_mem>>) attributes {dimension_semantics = [#tpu.dimension_semantics<core_parallel>, #tpu.dimension_semantics<subcore_parallel>], iteration_bounds = array<i64: 2, 16>, scalar_prefetch = 0 : i64, scratch_operands = 10 : i64, tpu.core_type = #tpu.core_type<sc_vector_subcore>, window_params = [{transform_indices = #map}, {transform_indices = #map}, {transform_indices = #map1}, {transform_indices = #map1}, {transform_indices = #map1}, {transform_indices = #map1}]} {
    %mul3A = arith.constant 2 : i32
    %mul3A_0 = arith.muli %arg1, %mul3A : i32
    %add3A = arith.addi %mul3A_0, %arg0 : i32
    %mul3A_1 = arith.constant 512 : i32
    %mul3A_2 = arith.muli %add3A, %mul3A_1 : i32
    "tpu.region"() ({
      %run_scoped3A = tpu.sem_alloc : memref<!tpu.dma_semaphore, #tpu.memory_space<semaphore_mem>>
      %dma_start3A_598 = tpu.memref_slice %arg2[%mul3A_2] : memref<16384xi32, #tpu.memory_space<hbm>> -> memref<512xi32, #tpu.memory_space<hbm>>
      %dma_start3A_599 = tpu.memref_slice %arg2[%mul3A_2] : memref<16384xi32, #tpu.memory_space<hbm>> -> memref<512xi32, #tpu.memory_space<hbm>>
      tpu.enqueue_dma source(%dma_start3A_599 : memref<512xi32, #tpu.memory_space<hbm>>) target(%arg8 : memref<512xi32, #tpu.memory_space<vmem>>) target_semaphore(%run_scoped3A : memref<!tpu.dma_semaphore, #tpu.memory_space<semaphore_mem>>)
      %dma_wait3A_600 = tpu.memref_slice %arg2[%mul3A_2] : memref<16384xi32, #tpu.memory_space<hbm>> -> memref<512xi32, #tpu.memory_space<hbm>>
      %dma_wait3A_601 = tpu.memref_slice %arg2[%mul3A_2] : memref<16384xi32, #tpu.memory_space<hbm>> -> memref<512xi32, #tpu.memory_space<hbm>>
      tpu.wait_dma2 semaphore(%run_scoped3A : memref<!tpu.dma_semaphore, #tpu.memory_space<semaphore_mem>>) src(%dma_wait3A_601 : memref<512xi32, #tpu.memory_space<hbm>>) dst(%arg8 : memref<512xi32, #tpu.memory_space<vmem>>)
      tpu.yield
    }) : () -> ()
    "tpu.region"() ({
      %run_scoped3A = tpu.sem_alloc : memref<!tpu.dma_semaphore, #tpu.memory_space<semaphore_mem>>
      %dma_start3A_598 = tpu.memref_slice %arg3[%mul3A_2] : memref<16384xi32, #tpu.memory_space<hbm>> -> memref<512xi32, #tpu.memory_space<hbm>>
      %dma_start3A_599 = tpu.memref_slice %arg3[%mul3A_2] : memref<16384xi32, #tpu.memory_space<hbm>> -> memref<512xi32, #tpu.memory_space<hbm>>
      tpu.enqueue_dma source(%dma_start3A_599 : memref<512xi32, #tpu.memory_space<hbm>>) target(%arg9 : memref<512xi32, #tpu.memory_space<vmem>>) target_semaphore(%run_scoped3A : memref<!tpu.dma_semaphore, #tpu.memory_space<semaphore_mem>>)
      %dma_wait3A_600 = tpu.memref_slice %arg3[%mul3A_2] : memref<16384xi32, #tpu.memory_space<hbm>> -> memref<512xi32, #tpu.memory_space<hbm>>
      %dma_wait3A_601 = tpu.memref_slice %arg3[%mul3A_2] : memref<16384xi32, #tpu.memory_space<hbm>> -> memref<512xi32, #tpu.memory_space<hbm>>
      tpu.wait_dma2 semaphore(%run_scoped3A : memref<!tpu.dma_semaphore, #tpu.memory_space<semaphore_mem>>) src(%dma_wait3A_601 : memref<512xi32, #tpu.memory_space<hbm>>) dst(%arg9 : memref<512xi32, #tpu.memory_space<vmem>>)
      tpu.yield
    }) : () -> ()
    %iota3A = tpu.iota {dimensions = array<i32: 0>} : vector<16xi32>
    %get3A = arith.constant 0 : index
    %get3A_3 = tpu.vector_load %arg8[%get3A] {strides = array<i32>} : memref<512xi32, #tpu.memory_space<vmem>>, vector<16xi32>,
    %get3A_4 = arith.constant 0 : index
    %get3A_5 = tpu.vector_load %arg9[%get3A_4] {strides = array<i32>} : memref<512xi32, #tpu.memory_space<vmem>>, vector<16xi32>,
    %slice3A = vector.extract_strided_slice %get3A_3 {offsets = [0], sizes = [1], strides = [1]} : vector<16xi32> to vector<1xi32>
    %squeeze3A = vector.extract %slice3A[0] : i32 from vector<1xi32>
    %slice3A_6 = vector.extract_strided_slice %get3A_5 {offsets = [0], sizes = [1], strides = [1]} : vector<16xi32> to vector<1xi32>
    %squeeze3A_7 = vector.extract %slice3A_6[0] : i32 from vector<1xi32>
    %shift_right_logical3A = arith.constant 7 : i32
    %shift_right_logical3A_8 = arith.shrui %squeeze3A, %shift_right_logical3A : i32
    %shift_left3A = arith.constant 7 : i32
    %shift_left3A_9 = arith.shli %shift_right_logical3A_8, %shift_left3A : i32
    %multiple_of3A = tpu.assume_multiple %shift_left3A_9, 128 : i32
    %dma_start3A = arith.constant 0 : i32
    %dma_start3A_10 = arith.constant 0 : i32
    %dma_start3A_11 = tpu.memref_slice %arg10[%dma_start3A, %dma_start3A_10] : memref<16x2048xf32, #tpu.memory_space<vmem>> -> memref<16x128xf32, #tpu.memory_space<vmem>>
    %dma_start3A_12 = arith.constant 0 : i32
    %dma_start3A_13 = tpu.memref_slice %arg4[%dma_start3A_12, %multiple_of3A] : memref<16x1000000xf32, #tpu.memory_space<hbm>> -> memref<16x128xf32, #tpu.memory_space<hbm>>
    %dma_start3A_14 = arith.constant 0 : i32
    %dma_start3A_15 = arith.constant 0 : i32
    %dma_start3A_16 = tpu.memref_slice %arg10[%dma_start3A_14, %dma_start3A_15] : memref<16x2048xf32, #tpu.memory_space<vmem>> -> memref<16x128xf32, #tpu.memory_space<vmem>>
    %dma_start3A_17 = arith.constant 0 : i32
    %dma_start3A_18 = tpu.memref_slice %arg4[%dma_start3A_17, %multiple_of3A] : memref<16x1000000xf32, #tpu.memory_space<hbm>> -> memref<16x128xf32, #tpu.memory_space<hbm>>
    tpu.enqueue_dma source(%dma_start3A_18 : memref<16x128xf32, #tpu.memory_space<hbm>>) target(%dma_start3A_16 : memref<16x128xf32, #tpu.memory_space<vmem>>) target_semaphore(%arg14 : memref<!tpu.dma_semaphore, #tpu.memory_space<semaphore_mem>>)
    %shift_right_logical3A_19 = arith.constant 7 : i32
    %shift_right_logical3A_20 = arith.shrui %squeeze3A_7, %shift_right_logical3A_19 : i32
    %shift_left3A_21 = arith.constant 7 : i32
    %shift_left3A_22 = arith.shli %shift_right_logical3A_20, %shift_left3A_21 : i32
    %multiple_of3A_23 = tpu.assume_multiple %shift_left3A_22, 128 : i32
    %dma_start3A_24 = arith.constant 0 : i32
    %dma_start3A_25 = arith.constant 0 : i32
    %dma_start3A_26 = tpu.memref_slice %arg11[%dma_start3A_24, %dma_start3A_25] : memref<16x2048xf32, #tpu.memory_space<vmem>> -> memref<16x128xf32, #tpu.memory_space<vmem>>
    %dma_start3A_27 = arith.constant 0 : i32
    %dma_start3A_28 = tpu.memref_slice %arg5[%dma_start3A_27, %multiple_of3A_23] : memref<16x1000000xf32, #tpu.memory_space<hbm>> -> memref<16x128xf32, #tpu.memory_space<hbm>>
    %dma_start3A_29 = arith.constant 0 : i32
    %dma_start3A_30 = arith.constant 0 : i32
    %dma_start3A_31 = tpu.memref_slice %arg11[%dma_start3A_29, %dma_start3A_30] : memref<16x2048xf32, #tpu.memory_space<vmem>> -> memref<16x128xf32, #tpu.memory_space<vmem>>
    %dma_start3A_32 = arith.constant 0 : i32
    %dma_start3A_33 = tpu.memref_slice %arg5[%dma_start3A_32, %multiple_of3A_23] : memref<16x1000000xf32, #tpu.memory_space<hbm>> -> memref<16x128xf32, #tpu.memory_space<hbm>>
    tpu.enqueue_dma source(%dma_start3A_33 : memref<16x128xf32, #tpu.memory_space<hbm>>) target(%dma_start3A_31 : memref<16x128xf32, #tpu.memory_space<vmem>>) target_semaphore(%arg15 : memref<!tpu.dma_semaphore, #tpu.memory_space<semaphore_mem>>)
    %slice3A_34 = vector.extract_strided_slice %get3A_3 {offsets = [1], sizes = [1], strides = [1]} : vector<16xi32> to vector<1xi32>
    %squeeze3A_35 = vector.extract %slice3A_34[0] : i32 from vector<1xi32>
    %slice3A_36 = vector.extract_strided_slice %get3A_5 {offsets = [1], sizes = [1], strides = [1]} : vector<16xi32> to vector<1xi32>
    %squeeze3A_37 = vector.extract %slice3A_36[0] : i32 from vector<1xi32>
    %shift_right_logical3A_38 = arith.constant 7 : i32
    %shift_right_logical3A_39 = arith.shrui %squeeze3A_35, %shift_right_logical3A_38 : i32
    %shift_left3A_40 = arith.constant 7 : i32
    %shift_left3A_41 = arith.shli %shift_right_logical3A_39, %shift_left3A_40 : i32
    %multiple_of3A_42 = tpu.assume_multiple %shift_left3A_41, 128 : i32
    %dma_start3A_43 = arith.constant 0 : i32
    %dma_start3A_44 = arith.constant 128 : i32
    %dma_start3A_45 = tpu.memref_slice %arg10[%dma_start3A_43, %dma_start3A_44] : memref<16x2048xf32, #tpu.memory_space<vmem>> -> memref<16x128xf32, #tpu.memory_space<vmem>>
    %dma_start3A_46 = arith.constant 0 : i32
    %dma_start3A_47 = tpu.memref_slice %arg4[%dma_start3A_46, %multiple_of3A_42] : memref<16x1000000xf32, #tpu.memory_space<hbm>> -> memref<16x128xf32, #tpu.memory_space<hbm>>
    %dma_start3A_48 = arith.constant 0 : i32
    %dma_start3A_49 = arith.constant 128 : i32
    %dma_start3A_50 = tpu.memref_slice %arg10[%dma_start3A_48, %dma_start3A_49] : memref<16x2048xf32, #tpu.memory_space<vmem>> -> memref<16x128xf32, #tpu.memory_space<vmem>>
    %dma_start3A_51 = arith.constant 0 : i32
    %dma_start3A_52 = tpu.memref_slice %arg4[%dma_start3A_51, %multiple_of3A_42] : memref<16x1000000xf32, #tpu.memory_space<hbm>> -> memref<16x128xf32, #tpu.memory_space<hbm>>
    tpu.enqueue_dma source(%dma_start3A_52 : memref<16x128xf32, #tpu.memory_space<hbm>>) target(%dma_start3A_50 : memref<16x128xf32, #tpu.memory_space<vmem>>) target_semaphore(%arg14 : memref<!tpu.dma_semaphore, #tpu.memory_space<semaphore_mem>>)
    %shift_right_logical3A_53 = arith.constant 7 : i32
    %shift_right_logical3A_54 = arith.shrui %squeeze3A_37, %shift_right_logical3A_53 : i32
    %shift_left3A_55 = arith.constant 7 : i32
    %shift_left3A_56 = arith.shli %shift_right_logical3A_54, %shift_left3A_55 : i32
    %multiple_of3A_57 = tpu.assume_multiple %shift_left3A_56, 128 : i32
    %dma_start3A_58 = arith.constant 0 : i32
    %dma_start3A_59 = arith.constant 128 : i32
    %dma_start3A_60 = tpu.memref_slice %arg11[%dma_start3A_58, %dma_start3A_59] : memref<16x2048xf32, #tpu.memory_space<vmem>> -> memref<16x128xf32, #tpu.memory_space<vmem>>
    %dma_start3A_61 = arith.constant 0 : i32
    %dma_start3A_62 = tpu.memref_slice %arg5[%dma_start3A_61, %multiple_of3A_57] : memref<16x1000000xf32, #tpu.memory_space<hbm>> -> memref<16x128xf32, #tpu.memory_space<hbm>>
    %dma_start3A_63 = arith.constant 0 : i32
    %dma_start3A_64 = arith.constant 128 : i32
    %dma_start3A_65 = tpu.memref_slice %arg11[%dma_start3A_63, %dma_start3A_64] : memref<16x2048xf32, #tpu.memory_space<vmem>> -> memref<16x128xf32, #tpu.memory_space<vmem>>
    %dma_start3A_66 = arith.constant 0 : i32
    %dma_start3A_67 = tpu.memref_slice %arg5[%dma_start3A_66, %multiple_of3A_57] : memref<16x1000000xf32, #tpu.memory_space<hbm>> -> memref<16x128xf32, #tpu.memory_space<hbm>>
    tpu.enqueue_dma source(%dma_start3A_67 : memref<16x128xf32, #tpu.memory_space<hbm>>) target(%dma_start3A_65 : memref<16x128xf32, #tpu.memory_space<vmem>>) target_semaphore(%arg15 : memref<!tpu.dma_semaphore, #tpu.memory_space<semaphore_mem>>)
    %slice3A_68 = vector.extract_strided_slice %get3A_3 {offsets = [2], sizes = [1], strides = [1]} : vector<16xi32> to vector<1xi32>
    %squeeze3A_69 = vector.extract %slice3A_68[0] : i32 from vector<1xi32>
    %slice3A_70 = vector.extract_strided_slice %get3A_5 {offsets = [2], sizes = [1], strides = [1]} : vector<16xi32> to vector<1xi32>
    %squeeze3A_71 = vector.extract %slice3A_70[0] : i32 from vector<1xi32>
    %shift_right_logical3A_72 = arith.constant 7 : i32
    %shift_right_logical3A_73 = arith.shrui %squeeze3A_69, %shift_right_logical3A_72 : i32
    %shift_left3A_74 = arith.constant 7 : i32
    %shift_left3A_75 = arith.shli %shift_right_logical3A_73, %shift_left3A_74 : i32
    %multiple_of3A_76 = tpu.assume_multiple %shift_left3A_75, 128 : i32
    %dma_start3A_77 = arith.constant 0 : i32
    %dma_start3A_78 = arith.constant 256 : i32
    %dma_start3A_79 = tpu.memref_slice %arg10[%dma_start3A_77, %dma_start3A_78] : memref<16x2048xf32, #tpu.memory_space<vmem>> -> memref<16x128xf32, #tpu.memory_space<vmem>>
    %dma_start3A_80 = arith.constant 0 : i32
    %dma_start3A_81 = tpu.memref_slice %arg4[%dma_start3A_80, %multiple_of3A_76] : memref<16x1000000xf32, #tpu.memory_space<hbm>> -> memref<16x128xf32, #tpu.memory_space<hbm>>
    %dma_start3A_82 = arith.constant 0 : i32
    %dma_start3A_83 = arith.constant 256 : i32
    %dma_start3A_84 = tpu.memref_slice %arg10[%dma_start3A_82, %dma_start3A_83] : memref<16x2048xf32, #tpu.memory_space<vmem>> -> memref<16x128xf32, #tpu.memory_space<vmem>>
    %dma_start3A_85 = arith.constant 0 : i32
    %dma_start3A_86 = tpu.memref_slice %arg4[%dma_start3A_85, %multiple_of3A_76] : memref<16x1000000xf32, #tpu.memory_space<hbm>> -> memref<16x128xf32, #tpu.memory_space<hbm>>
    tpu.enqueue_dma source(%dma_start3A_86 : memref<16x128xf32, #tpu.memory_space<hbm>>) target(%dma_start3A_84 : memref<16x128xf32, #tpu.memory_space<vmem>>) target_semaphore(%arg14 : memref<!tpu.dma_semaphore, #tpu.memory_space<semaphore_mem>>)
    %shift_right_logical3A_87 = arith.constant 7 : i32
    %shift_right_logical3A_88 = arith.shrui %squeeze3A_71, %shift_right_logical3A_87 : i32
    %shift_left3A_89 = arith.constant 7 : i32
    %shift_left3A_90 = arith.shli %shift_right_logical3A_88, %shift_left3A_89 : i32
    %multiple_of3A_91 = tpu.assume_multiple %shift_left3A_90, 128 : i32
    %dma_start3A_92 = arith.constant 0 : i32
    %dma_start3A_93 = arith.constant 256 : i32
    %dma_start3A_94 = tpu.memref_slice %arg11[%dma_start3A_92, %dma_start3A_93] : memref<16x2048xf32, #tpu.memory_space<vmem>> -> memref<16x128xf32, #tpu.memory_space<vmem>>
    %dma_start3A_95 = arith.constant 0 : i32
    %dma_start3A_96 = tpu.memref_slice %arg5[%dma_start3A_95, %multiple_of3A_91] : memref<16x1000000xf32, #tpu.memory_space<hbm>> -> memref<16x128xf32, #tpu.memory_space<hbm>>
    %dma_start3A_97 = arith.constant 0 : i32
    %dma_start3A_98 = arith.constant 256 : i32
    %dma_start3A_99 = tpu.memref_slice %arg11[%dma_start3A_97, %dma_start3A_98] : memref<16x2048xf32, #tpu.memory_space<vmem>> -> memref<16x128xf32, #tpu.memory_space<vmem>>
    %dma_start3A_100 = arith.constant 0 : i32
    %dma_start3A_101 = tpu.memref_slice %arg5[%dma_start3A_100, %multiple_of3A_91] : memref<16x1000000xf32, #tpu.memory_space<hbm>> -> memref<16x128xf32, #tpu.memory_space<hbm>>
    tpu.enqueue_dma source(%dma_start3A_101 : memref<16x128xf32, #tpu.memory_space<hbm>>) target(%dma_start3A_99 : memref<16x128xf32, #tpu.memory_space<vmem>>) target_semaphore(%arg15 : memref<!tpu.dma_semaphore, #tpu.memory_space<semaphore_mem>>)
    %slice3A_102 = vector.extract_strided_slice %get3A_3 {offsets = [3], sizes = [1], strides = [1]} : vector<16xi32> to vector<1xi32>
    %squeeze3A_103 = vector.extract %slice3A_102[0] : i32 from vector<1xi32>
    %slice3A_104 = vector.extract_strided_slice %get3A_5 {offsets = [3], sizes = [1], strides = [1]} : vector<16xi32> to vector<1xi32>
    %squeeze3A_105 = vector.extract %slice3A_104[0] : i32 from vector<1xi32>
    %shift_right_logical3A_106 = arith.constant 7 : i32
    %shift_right_logical3A_107 = arith.shrui %squeeze3A_103, %shift_right_logical3A_106 : i32
    %shift_left3A_108 = arith.constant 7 : i32
    %shift_left3A_109 = arith.shli %shift_right_logical3A_107, %shift_left3A_108 : i32
    %multiple_of3A_110 = tpu.assume_multiple %shift_left3A_109, 128 : i32
    %dma_start3A_111 = arith.constant 0 : i32
    %dma_start3A_112 = arith.constant 384 : i32
    %dma_start3A_113 = tpu.memref_slice %arg10[%dma_start3A_111, %dma_start3A_112] : memref<16x2048xf32, #tpu.memory_space<vmem>> -> memref<16x128xf32, #tpu.memory_space<vmem>>
    %dma_start3A_114 = arith.constant 0 : i32
    %dma_start3A_115 = tpu.memref_slice %arg4[%dma_start3A_114, %multiple_of3A_110] : memref<16x1000000xf32, #tpu.memory_space<hbm>> -> memref<16x128xf32, #tpu.memory_space<hbm>>
    %dma_start3A_116 = arith.constant 0 : i32
    %dma_start3A_117 = arith.constant 384 : i32
    %dma_start3A_118 = tpu.memref_slice %arg10[%dma_start3A_116, %dma_start3A_117] : memref<16x2048xf32, #tpu.memory_space<vmem>> -> memref<16x128xf32, #tpu.memory_space<vmem>>
    %dma_start3A_119 = arith.constant 0 : i32
    %dma_start3A_120 = tpu.memref_slice %arg4[%dma_start3A_119, %multiple_of3A_110] : memref<16x1000000xf32, #tpu.memory_space<hbm>> -> memref<16x128xf32, #tpu.memory_space<hbm>>
    tpu.enqueue_dma source(%dma_start3A_120 : memref<16x128xf32, #tpu.memory_space<hbm>>) target(%dma_start3A_118 : memref<16x128xf32, #tpu.memory_space<vmem>>) target_semaphore(%arg14 : memref<!tpu.dma_semaphore, #tpu.memory_space<semaphore_mem>>)
    %shift_right_logical3A_121 = arith.constant 7 : i32
    %shift_right_logical3A_122 = arith.shrui %squeeze3A_105, %shift_right_logical3A_121 : i32
    %shift_left3A_123 = arith.constant 7 : i32
    %shift_left3A_124 = arith.shli %shift_right_logical3A_122, %shift_left3A_123 : i32
    %multiple_of3A_125 = tpu.assume_multiple %shift_left3A_124, 128 : i32
    %dma_start3A_126 = arith.constant 0 : i32
    %dma_start3A_127 = arith.constant 384 : i32
    %dma_start3A_128 = tpu.memref_slice %arg11[%dma_start3A_126, %dma_start3A_127] : memref<16x2048xf32, #tpu.memory_space<vmem>> -> memref<16x128xf32, #tpu.memory_space<vmem>>
    %dma_start3A_129 = arith.constant 0 : i32
    %dma_start3A_130 = tpu.memref_slice %arg5[%dma_start3A_129, %multiple_of3A_125] : memref<16x1000000xf32, #tpu.memory_space<hbm>> -> memref<16x128xf32, #tpu.memory_space<hbm>>
    %dma_start3A_131 = arith.constant 0 : i32
    %dma_start3A_132 = arith.constant 384 : i32
    %dma_start3A_133 = tpu.memref_slice %arg11[%dma_start3A_131, %dma_start3A_132] : memref<16x2048xf32, #tpu.memory_space<vmem>> -> memref<16x128xf32, #tpu.memory_space<vmem>>
    %dma_start3A_134 = arith.constant 0 : i32
    %dma_start3A_135 = tpu.memref_slice %arg5[%dma_start3A_134, %multiple_of3A_125] : memref<16x1000000xf32, #tpu.memory_space<hbm>> -> memref<16x128xf32, #tpu.memory_space<hbm>>
    tpu.enqueue_dma source(%dma_start3A_135 : memref<16x128xf32, #tpu.memory_space<hbm>>) target(%dma_start3A_133 : memref<16x128xf32, #tpu.memory_space<vmem>>) target_semaphore(%arg15 : memref<!tpu.dma_semaphore, #tpu.memory_space<semaphore_mem>>)
    %slice3A_136 = vector.extract_strided_slice %get3A_3 {offsets = [4], sizes = [1], strides = [1]} : vector<16xi32> to vector<1xi32>
    %squeeze3A_137 = vector.extract %slice3A_136[0] : i32 from vector<1xi32>
    %slice3A_138 = vector.extract_strided_slice %get3A_5 {offsets = [4], sizes = [1], strides = [1]} : vector<16xi32> to vector<1xi32>
    %squeeze3A_139 = vector.extract %slice3A_138[0] : i32 from vector<1xi32>
    %shift_right_logical3A_140 = arith.constant 7 : i32
    %shift_right_logical3A_141 = arith.shrui %squeeze3A_137, %shift_right_logical3A_140 : i32
    %shift_left3A_142 = arith.constant 7 : i32
    %shift_left3A_143 = arith.shli %shift_right_logical3A_141, %shift_left3A_142 : i32
    %multiple_of3A_144 = tpu.assume_multiple %shift_left3A_143, 128 : i32
    %dma_start3A_145 = arith.constant 0 : i32
    %dma_start3A_146 = arith.constant 512 : i32
    %dma_start3A_147 = tpu.memref_slice %arg10[%dma_start3A_145, %dma_start3A_146] : memref<16x2048xf32, #tpu.memory_space<vmem>> -> memref<16x128xf32, #tpu.memory_space<vmem>>
    %dma_start3A_148 = arith.constant 0 : i32
    %dma_start3A_149 = tpu.memref_slice %arg4[%dma_start3A_148, %multiple_of3A_144] : memref<16x1000000xf32, #tpu.memory_space<hbm>> -> memref<16x128xf32, #tpu.memory_space<hbm>>
    %dma_start3A_150 = arith.constant 0 : i32
    %dma_start3A_151 = arith.constant 512 : i32
    %dma_start3A_152 = tpu.memref_slice %arg10[%dma_start3A_150, %dma_start3A_151] : memref<16x2048xf32, #tpu.memory_space<vmem>> -> memref<16x128xf32, #tpu.memory_space<vmem>>
    %dma_start3A_153 = arith.constant 0 : i32
    %dma_start3A_154 = tpu.memref_slice %arg4[%dma_start3A_153, %multiple_of3A_144] : memref<16x1000000xf32, #tpu.memory_space<hbm>> -> memref<16x128xf32, #tpu.memory_space<hbm>>
    tpu.enqueue_dma source(%dma_start3A_154 : memref<16x128xf32, #tpu.memory_space<hbm>>) target(%dma_start3A_152 : memref<16x128xf32, #tpu.memory_space<vmem>>) target_semaphore(%arg14 : memref<!tpu.dma_semaphore, #tpu.memory_space<semaphore_mem>>)
    %shift_right_logical3A_155 = arith.constant 7 : i32
    %shift_right_logical3A_156 = arith.shrui %squeeze3A_139, %shift_right_logical3A_155 : i32
    %shift_left3A_157 = arith.constant 7 : i32
    %shift_left3A_158 = arith.shli %shift_right_logical3A_156, %shift_left3A_157 : i32
    %multiple_of3A_159 = tpu.assume_multiple %shift_left3A_158, 128 : i32
    %dma_start3A_160 = arith.constant 0 : i32
    %dma_start3A_161 = arith.constant 512 : i32
    %dma_start3A_162 = tpu.memref_slice %arg11[%dma_start3A_160, %dma_start3A_161] : memref<16x2048xf32, #tpu.memory_space<vmem>> -> memref<16x128xf32, #tpu.memory_space<vmem>>
    %dma_start3A_163 = arith.constant 0 : i32
    %dma_start3A_164 = tpu.memref_slice %arg5[%dma_start3A_163, %multiple_of3A_159] : memref<16x1000000xf32, #tpu.memory_space<hbm>> -> memref<16x128xf32, #tpu.memory_space<hbm>>
    %dma_start3A_165 = arith.constant 0 : i32
    %dma_start3A_166 = arith.constant 512 : i32
    %dma_start3A_167 = tpu.memref_slice %arg11[%dma_start3A_165, %dma_start3A_166] : memref<16x2048xf32, #tpu.memory_space<vmem>> -> memref<16x128xf32, #tpu.memory_space<vmem>>
    %dma_start3A_168 = arith.constant 0 : i32
    %dma_start3A_169 = tpu.memref_slice %arg5[%dma_start3A_168, %multiple_of3A_159] : memref<16x1000000xf32, #tpu.memory_space<hbm>> -> memref<16x128xf32, #tpu.memory_space<hbm>>
    tpu.enqueue_dma source(%dma_start3A_169 : memref<16x128xf32, #tpu.memory_space<hbm>>) target(%dma_start3A_167 : memref<16x128xf32, #tpu.memory_space<vmem>>) target_semaphore(%arg15 : memref<!tpu.dma_semaphore, #tpu.memory_space<semaphore_mem>>)
    %slice3A_170 = vector.extract_strided_slice %get3A_3 {offsets = [5], sizes = [1], strides = [1]} : vector<16xi32> to vector<1xi32>
    %squeeze3A_171 = vector.extract %slice3A_170[0] : i32 from vector<1xi32>
    %slice3A_172 = vector.extract_strided_slice %get3A_5 {offsets = [5], sizes = [1], strides = [1]} : vector<16xi32> to vector<1xi32>
    %squeeze3A_173 = vector.extract %slice3A_172[0] : i32 from vector<1xi32>
    %shift_right_logical3A_174 = arith.constant 7 : i32
    %shift_right_logical3A_175 = arith.shrui %squeeze3A_171, %shift_right_logical3A_174 : i32
    %shift_left3A_176 = arith.constant 7 : i32
    %shift_left3A_177 = arith.shli %shift_right_logical3A_175, %shift_left3A_176 : i32
    %multiple_of3A_178 = tpu.assume_multiple %shift_left3A_177, 128 : i32
    %dma_start3A_179 = arith.constant 0 : i32
    %dma_start3A_180 = arith.constant 640 : i32
    %dma_start3A_181 = tpu.memref_slice %arg10[%dma_start3A_179, %dma_start3A_180] : memref<16x2048xf32, #tpu.memory_space<vmem>> -> memref<16x128xf32, #tpu.memory_space<vmem>>
    %dma_start3A_182 = arith.constant 0 : i32
    %dma_start3A_183 = tpu.memref_slice %arg4[%dma_start3A_182, %multiple_of3A_178] : memref<16x1000000xf32, #tpu.memory_space<hbm>> -> memref<16x128xf32, #tpu.memory_space<hbm>>
    %dma_start3A_184 = arith.constant 0 : i32
    %dma_start3A_185 = arith.constant 640 : i32
    %dma_start3A_186 = tpu.memref_slice %arg10[%dma_start3A_184, %dma_start3A_185] : memref<16x2048xf32, #tpu.memory_space<vmem>> -> memref<16x128xf32, #tpu.memory_space<vmem>>
    %dma_start3A_187 = arith.constant 0 : i32
    %dma_start3A_188 = tpu.memref_slice %arg4[%dma_start3A_187, %multiple_of3A_178] : memref<16x1000000xf32, #tpu.memory_space<hbm>> -> memref<16x128xf32, #tpu.memory_space<hbm>>
    tpu.enqueue_dma source(%dma_start3A_188 : memref<16x128xf32, #tpu.memory_space<hbm>>) target(%dma_start3A_186 : memref<16x128xf32, #tpu.memory_space<vmem>>) target_semaphore(%arg14 : memref<!tpu.dma_semaphore, #tpu.memory_space<semaphore_mem>>)
    %shift_right_logical3A_189 = arith.constant 7 : i32
    %shift_right_logical3A_190 = arith.shrui %squeeze3A_173, %shift_right_logical3A_189 : i32
    %shift_left3A_191 = arith.constant 7 : i32
    %shift_left3A_192 = arith.shli %shift_right_logical3A_190, %shift_left3A_191 : i32
    %multiple_of3A_193 = tpu.assume_multiple %shift_left3A_192, 128 : i32
    %dma_start3A_194 = arith.constant 0 : i32
    %dma_start3A_195 = arith.constant 640 : i32
    %dma_start3A_196 = tpu.memref_slice %arg11[%dma_start3A_194, %dma_start3A_195] : memref<16x2048xf32, #tpu.memory_space<vmem>> -> memref<16x128xf32, #tpu.memory_space<vmem>>
    %dma_start3A_197 = arith.constant 0 : i32
    %dma_start3A_198 = tpu.memref_slice %arg5[%dma_start3A_197, %multiple_of3A_193] : memref<16x1000000xf32, #tpu.memory_space<hbm>> -> memref<16x128xf32, #tpu.memory_space<hbm>>
    %dma_start3A_199 = arith.constant 0 : i32
    %dma_start3A_200 = arith.constant 640 : i32
    %dma_start3A_201 = tpu.memref_slice %arg11[%dma_start3A_199, %dma_start3A_200] : memref<16x2048xf32, #tpu.memory_space<vmem>> -> memref<16x128xf32, #tpu.memory_space<vmem>>
    %dma_start3A_202 = arith.constant 0 : i32
    %dma_start3A_203 = tpu.memref_slice %arg5[%dma_start3A_202, %multiple_of3A_193] : memref<16x1000000xf32, #tpu.memory_space<hbm>> -> memref<16x128xf32, #tpu.memory_space<hbm>>
    tpu.enqueue_dma source(%dma_start3A_203 : memref<16x128xf32, #tpu.memory_space<hbm>>) target(%dma_start3A_201 : memref<16x128xf32, #tpu.memory_space<vmem>>) target_semaphore(%arg15 : memref<!tpu.dma_semaphore, #tpu.memory_space<semaphore_mem>>)
    %slice3A_204 = vector.extract_strided_slice %get3A_3 {offsets = [6], sizes = [1], strides = [1]} : vector<16xi32> to vector<1xi32>
    %squeeze3A_205 = vector.extract %slice3A_204[0] : i32 from vector<1xi32>
    %slice3A_206 = vector.extract_strided_slice %get3A_5 {offsets = [6], sizes = [1], strides = [1]} : vector<16xi32> to vector<1xi32>
    %squeeze3A_207 = vector.extract %slice3A_206[0] : i32 from vector<1xi32>
    %shift_right_logical3A_208 = arith.constant 7 : i32
    %shift_right_logical3A_209 = arith.shrui %squeeze3A_205, %shift_right_logical3A_208 : i32
    %shift_left3A_210 = arith.constant 7 : i32
    %shift_left3A_211 = arith.shli %shift_right_logical3A_209, %shift_left3A_210 : i32
    %multiple_of3A_212 = tpu.assume_multiple %shift_left3A_211, 128 : i32
    %dma_start3A_213 = arith.constant 0 : i32
    %dma_start3A_214 = arith.constant 768 : i32
    %dma_start3A_215 = tpu.memref_slice %arg10[%dma_start3A_213, %dma_start3A_214] : memref<16x2048xf32, #tpu.memory_space<vmem>> -> memref<16x128xf32, #tpu.memory_space<vmem>>
    %dma_start3A_216 = arith.constant 0 : i32
    %dma_start3A_217 = tpu.memref_slice %arg4[%dma_start3A_216, %multiple_of3A_212] : memref<16x1000000xf32, #tpu.memory_space<hbm>> -> memref<16x128xf32, #tpu.memory_space<hbm>>
    %dma_start3A_218 = arith.constant 0 : i32
    %dma_start3A_219 = arith.constant 768 : i32
    %dma_start3A_220 = tpu.memref_slice %arg10[%dma_start3A_218, %dma_start3A_219] : memref<16x2048xf32, #tpu.memory_space<vmem>> -> memref<16x128xf32, #tpu.memory_space<vmem>>
    %dma_start3A_221 = arith.constant 0 : i32
    %dma_start3A_222 = tpu.memref_slice %arg4[%dma_start3A_221, %multiple_of3A_212] : memref<16x1000000xf32, #tpu.memory_space<hbm>> -> memref<16x128xf32, #tpu.memory_space<hbm>>
    tpu.enqueue_dma source(%dma_start3A_222 : memref<16x128xf32, #tpu.memory_space<hbm>>) target(%dma_start3A_220 : memref<16x128xf32, #tpu.memory_space<vmem>>) target_semaphore(%arg14 : memref<!tpu.dma_semaphore, #tpu.memory_space<semaphore_mem>>)
    %shift_right_logical3A_223 = arith.constant 7 : i32
    %shift_right_logical3A_224 = arith.shrui %squeeze3A_207, %shift_right_logical3A_223 : i32
    %shift_left3A_225 = arith.constant 7 : i32
    %shift_left3A_226 = arith.shli %shift_right_logical3A_224, %shift_left3A_225 : i32
    %multiple_of3A_227 = tpu.assume_multiple %shift_left3A_226, 128 : i32
    %dma_start3A_228 = arith.constant 0 : i32
    %dma_start3A_229 = arith.constant 768 : i32
    %dma_start3A_230 = tpu.memref_slice %arg11[%dma_start3A_228, %dma_start3A_229] : memref<16x2048xf32, #tpu.memory_space<vmem>> -> memref<16x128xf32, #tpu.memory_space<vmem>>
    %dma_start3A_231 = arith.constant 0 : i32
    %dma_start3A_232 = tpu.memref_slice %arg5[%dma_start3A_231, %multiple_of3A_227] : memref<16x1000000xf32, #tpu.memory_space<hbm>> -> memref<16x128xf32, #tpu.memory_space<hbm>>
    %dma_start3A_233 = arith.constant 0 : i32
    %dma_start3A_234 = arith.constant 768 : i32
    %dma_start3A_235 = tpu.memref_slice %arg11[%dma_start3A_233, %dma_start3A_234] : memref<16x2048xf32, #tpu.memory_space<vmem>> -> memref<16x128xf32, #tpu.memory_space<vmem>>
    %dma_start3A_236 = arith.constant 0 : i32
    %dma_start3A_237 = tpu.memref_slice %arg5[%dma_start3A_236, %multiple_of3A_227] : memref<16x1000000xf32, #tpu.memory_space<hbm>> -> memref<16x128xf32, #tpu.memory_space<hbm>>
    tpu.enqueue_dma source(%dma_start3A_237 : memref<16x128xf32, #tpu.memory_space<hbm>>) target(%dma_start3A_235 : memref<16x128xf32, #tpu.memory_space<vmem>>) target_semaphore(%arg15 : memref<!tpu.dma_semaphore, #tpu.memory_space<semaphore_mem>>)
    %slice3A_238 = vector.extract_strided_slice %get3A_3 {offsets = [7], sizes = [1], strides = [1]} : vector<16xi32> to vector<1xi32>
    %squeeze3A_239 = vector.extract %slice3A_238[0] : i32 from vector<1xi32>
    %slice3A_240 = vector.extract_strided_slice %get3A_5 {offsets = [7], sizes = [1], strides = [1]} : vector<16xi32> to vector<1xi32>
    %squeeze3A_241 = vector.extract %slice3A_240[0] : i32 from vector<1xi32>
    %shift_right_logical3A_242 = arith.constant 7 : i32
    %shift_right_logical3A_243 = arith.shrui %squeeze3A_239, %shift_right_logical3A_242 : i32
    %shift_left3A_244 = arith.constant 7 : i32
    %shift_left3A_245 = arith.shli %shift_right_logical3A_243, %shift_left3A_244 : i32
    %multiple_of3A_246 = tpu.assume_multiple %shift_left3A_245, 128 : i32
    %dma_start3A_247 = arith.constant 0 : i32
    %dma_start3A_248 = arith.constant 896 : i32
    %dma_start3A_249 = tpu.memref_slice %arg10[%dma_start3A_247, %dma_start3A_248] : memref<16x2048xf32, #tpu.memory_space<vmem>> -> memref<16x128xf32, #tpu.memory_space<vmem>>
    %dma_start3A_250 = arith.constant 0 : i32
    %dma_start3A_251 = tpu.memref_slice %arg4[%dma_start3A_250, %multiple_of3A_246] : memref<16x1000000xf32, #tpu.memory_space<hbm>> -> memref<16x128xf32, #tpu.memory_space<hbm>>
    %dma_start3A_252 = arith.constant 0 : i32
    %dma_start3A_253 = arith.constant 896 : i32
    %dma_start3A_254 = tpu.memref_slice %arg10[%dma_start3A_252, %dma_start3A_253] : memref<16x2048xf32, #tpu.memory_space<vmem>> -> memref<16x128xf32, #tpu.memory_space<vmem>>
    %dma_start3A_255 = arith.constant 0 : i32
    %dma_start3A_256 = tpu.memref_slice %arg4[%dma_start3A_255, %multiple_of3A_246] : memref<16x1000000xf32, #tpu.memory_space<hbm>> -> memref<16x128xf32, #tpu.memory_space<hbm>>
    tpu.enqueue_dma source(%dma_start3A_256 : memref<16x128xf32, #tpu.memory_space<hbm>>) target(%dma_start3A_254 : memref<16x128xf32, #tpu.memory_space<vmem>>) target_semaphore(%arg14 : memref<!tpu.dma_semaphore, #tpu.memory_space<semaphore_mem>>)
    %shift_right_logical3A_257 = arith.constant 7 : i32
    %shift_right_logical3A_258 = arith.shrui %squeeze3A_241, %shift_right_logical3A_257 : i32
    %shift_left3A_259 = arith.constant 7 : i32
    %shift_left3A_260 = arith.shli %shift_right_logical3A_258, %shift_left3A_259 : i32
    %multiple_of3A_261 = tpu.assume_multiple %shift_left3A_260, 128 : i32
    %dma_start3A_262 = arith.constant 0 : i32
    %dma_start3A_263 = arith.constant 896 : i32
    %dma_start3A_264 = tpu.memref_slice %arg11[%dma_start3A_262, %dma_start3A_263] : memref<16x2048xf32, #tpu.memory_space<vmem>> -> memref<16x128xf32, #tpu.memory_space<vmem>>
    %dma_start3A_265 = arith.constant 0 : i32
    %dma_start3A_266 = tpu.memref_slice %arg5[%dma_start3A_265, %multiple_of3A_261] : memref<16x1000000xf32, #tpu.memory_space<hbm>> -> memref<16x128xf32, #tpu.memory_space<hbm>>
    %dma_start3A_267 = arith.constant 0 : i32
    %dma_start3A_268 = arith.constant 896 : i32
    %dma_start3A_269 = tpu.memref_slice %arg11[%dma_start3A_267, %dma_start3A_268] : memref<16x2048xf32, #tpu.memory_space<vmem>> -> memref<16x128xf32, #tpu.memory_space<vmem>>
    %dma_start3A_270 = arith.constant 0 : i32
    %dma_start3A_271 = tpu.memref_slice %arg5[%dma_start3A_270, %multiple_of3A_261] : memref<16x1000000xf32, #tpu.memory_space<hbm>> -> memref<16x128xf32, #tpu.memory_space<hbm>>
    tpu.enqueue_dma source(%dma_start3A_271 : memref<16x128xf32, #tpu.memory_space<hbm>>) target(%dma_start3A_269 : memref<16x128xf32, #tpu.memory_space<vmem>>) target_semaphore(%arg15 : memref<!tpu.dma_semaphore, #tpu.memory_space<semaphore_mem>>)
    %slice3A_272 = vector.extract_strided_slice %get3A_3 {offsets = [8], sizes = [1], strides = [1]} : vector<16xi32> to vector<1xi32>
    %squeeze3A_273 = vector.extract %slice3A_272[0] : i32 from vector<1xi32>
    %slice3A_274 = vector.extract_strided_slice %get3A_5 {offsets = [8], sizes = [1], strides = [1]} : vector<16xi32> to vector<1xi32>
    %squeeze3A_275 = vector.extract %slice3A_274[0] : i32 from vector<1xi32>
    %shift_right_logical3A_276 = arith.constant 7 : i32
    %shift_right_logical3A_277 = arith.shrui %squeeze3A_273, %shift_right_logical3A_276 : i32
    %shift_left3A_278 = arith.constant 7 : i32
    %shift_left3A_279 = arith.shli %shift_right_logical3A_277, %shift_left3A_278 : i32
    %multiple_of3A_280 = tpu.assume_multiple %shift_left3A_279, 128 : i32
    %dma_start3A_281 = arith.constant 0 : i32
    %dma_start3A_282 = arith.constant 1024 : i32
    %dma_start3A_283 = tpu.memref_slice %arg10[%dma_start3A_281, %dma_start3A_282] : memref<16x2048xf32, #tpu.memory_space<vmem>> -> memref<16x128xf32, #tpu.memory_space<vmem>>
    %dma_start3A_284 = arith.constant 0 : i32
    %dma_start3A_285 = tpu.memref_slice %arg4[%dma_start3A_284, %multiple_of3A_280] : memref<16x1000000xf32, #tpu.memory_space<hbm>> -> memref<16x128xf32, #tpu.memory_space<hbm>>
    %dma_start3A_286 = arith.constant 0 : i32
    %dma_start3A_287 = arith.constant 1024 : i32
    %dma_start3A_288 = tpu.memref_slice %arg10[%dma_start3A_286, %dma_start3A_287] : memref<16x2048xf32, #tpu.memory_space<vmem>> -> memref<16x128xf32, #tpu.memory_space<vmem>>
    %dma_start3A_289 = arith.constant 0 : i32
    %dma_start3A_290 = tpu.memref_slice %arg4[%dma_start3A_289, %multiple_of3A_280] : memref<16x1000000xf32, #tpu.memory_space<hbm>> -> memref<16x128xf32, #tpu.memory_space<hbm>>
    tpu.enqueue_dma source(%dma_start3A_290 : memref<16x128xf32, #tpu.memory_space<hbm>>) target(%dma_start3A_288 : memref<16x128xf32, #tpu.memory_space<vmem>>) target_semaphore(%arg16 : memref<!tpu.dma_semaphore, #tpu.memory_space<semaphore_mem>>)
    %shift_right_logical3A_291 = arith.constant 7 : i32
    %shift_right_logical3A_292 = arith.shrui %squeeze3A_275, %shift_right_logical3A_291 : i32
    %shift_left3A_293 = arith.constant 7 : i32
    %shift_left3A_294 = arith.shli %shift_right_logical3A_292, %shift_left3A_293 : i32
    %multiple_of3A_295 = tpu.assume_multiple %shift_left3A_294, 128 : i32
    %dma_start3A_296 = arith.constant 0 : i32
    %dma_start3A_297 = arith.constant 1024 : i32
    %dma_start3A_298 = tpu.memref_slice %arg11[%dma_start3A_296, %dma_start3A_297] : memref<16x2048xf32, #tpu.memory_space<vmem>> -> memref<16x128xf32, #tpu.memory_space<vmem>>
    %dma_start3A_299 = arith.constant 0 : i32
    %dma_start3A_300 = tpu.memref_slice %arg5[%dma_start3A_299, %multiple_of3A_295] : memref<16x1000000xf32, #tpu.memory_space<hbm>> -> memref<16x128xf32, #tpu.memory_space<hbm>>
    %dma_start3A_301 = arith.constant 0 : i32
    %dma_start3A_302 = arith.constant 1024 : i32
    %dma_start3A_303 = tpu.memref_slice %arg11[%dma_start3A_301, %dma_start3A_302] : memref<16x2048xf32, #tpu.memory_space<vmem>> -> memref<16x128xf32, #tpu.memory_space<vmem>>
    %dma_start3A_304 = arith.constant 0 : i32
    %dma_start3A_305 = tpu.memref_slice %arg5[%dma_start3A_304, %multiple_of3A_295] : memref<16x1000000xf32, #tpu.memory_space<hbm>> -> memref<16x128xf32, #tpu.memory_space<hbm>>
    tpu.enqueue_dma source(%dma_start3A_305 : memref<16x128xf32, #tpu.memory_space<hbm>>) target(%dma_start3A_303 : memref<16x128xf32, #tpu.memory_space<vmem>>) target_semaphore(%arg17 : memref<!tpu.dma_semaphore, #tpu.memory_space<semaphore_mem>>)
    %slice3A_306 = vector.extract_strided_slice %get3A_3 {offsets = [9], sizes = [1], strides = [1]} : vector<16xi32> to vector<1xi32>
    %squeeze3A_307 = vector.extract %slice3A_306[0] : i32 from vector<1xi32>
    %slice3A_308 = vector.extract_strided_slice %get3A_5 {offsets = [9], sizes = [1], strides = [1]} : vector<16xi32> to vector<1xi32>
    %squeeze3A_309 = vector.extract %slice3A_308[0] : i32 from vector<1xi32>
    %shift_right_logical3A_310 = arith.constant 7 : i32
    %shift_right_logical3A_311 = arith.shrui %squeeze3A_307, %shift_right_logical3A_310 : i32
    %shift_left3A_312 = arith.constant 7 : i32
    %shift_left3A_313 = arith.shli %shift_right_logical3A_311, %shift_left3A_312 : i32
    %multiple_of3A_314 = tpu.assume_multiple %shift_left3A_313, 128 : i32
    %dma_start3A_315 = arith.constant 0 : i32
    %dma_start3A_316 = arith.constant 1152 : i32
    %dma_start3A_317 = tpu.memref_slice %arg10[%dma_start3A_315, %dma_start3A_316] : memref<16x2048xf32, #tpu.memory_space<vmem>> -> memref<16x128xf32, #tpu.memory_space<vmem>>
    %dma_start3A_318 = arith.constant 0 : i32
    %dma_start3A_319 = tpu.memref_slice %arg4[%dma_start3A_318, %multiple_of3A_314] : memref<16x1000000xf32, #tpu.memory_space<hbm>> -> memref<16x128xf32, #tpu.memory_space<hbm>>
    %dma_start3A_320 = arith.constant 0 : i32
    %dma_start3A_321 = arith.constant 1152 : i32
    %dma_start3A_322 = tpu.memref_slice %arg10[%dma_start3A_320, %dma_start3A_321] : memref<16x2048xf32, #tpu.memory_space<vmem>> -> memref<16x128xf32, #tpu.memory_space<vmem>>
    %dma_start3A_323 = arith.constant 0 : i32
    %dma_start3A_324 = tpu.memref_slice %arg4[%dma_start3A_323, %multiple_of3A_314] : memref<16x1000000xf32, #tpu.memory_space<hbm>> -> memref<16x128xf32, #tpu.memory_space<hbm>>
    tpu.enqueue_dma source(%dma_start3A_324 : memref<16x128xf32, #tpu.memory_space<hbm>>) target(%dma_start3A_322 : memref<16x128xf32, #tpu.memory_space<vmem>>) target_semaphore(%arg16 : memref<!tpu.dma_semaphore, #tpu.memory_space<semaphore_mem>>)
    %shift_right_logical3A_325 = arith.constant 7 : i32
    %shift_right_logical3A_326 = arith.shrui %squeeze3A_309, %shift_right_logical3A_325 : i32
    %shift_left3A_327 = arith.constant 7 : i32
    %shift_left3A_328 = arith.shli %shift_right_logical3A_326, %shift_left3A_327 : i32
    %multiple_of3A_329 = tpu.assume_multiple %shift_left3A_328, 128 : i32
    %dma_start3A_330 = arith.constant 0 : i32
    %dma_start3A_331 = arith.constant 1152 : i32
    %dma_start3A_332 = tpu.memref_slice %arg11[%dma_start3A_330, %dma_start3A_331] : memref<16x2048xf32, #tpu.memory_space<vmem>> -> memref<16x128xf32, #tpu.memory_space<vmem>>
    %dma_start3A_333 = arith.constant 0 : i32
    %dma_start3A_334 = tpu.memref_slice %arg5[%dma_start3A_333, %multiple_of3A_329] : memref<16x1000000xf32, #tpu.memory_space<hbm>> -> memref<16x128xf32, #tpu.memory_space<hbm>>
    %dma_start3A_335 = arith.constant 0 : i32
    %dma_start3A_336 = arith.constant 1152 : i32
    %dma_start3A_337 = tpu.memref_slice %arg11[%dma_start3A_335, %dma_start3A_336] : memref<16x2048xf32, #tpu.memory_space<vmem>> -> memref<16x128xf32, #tpu.memory_space<vmem>>
    %dma_start3A_338 = arith.constant 0 : i32
    %dma_start3A_339 = tpu.memref_slice %arg5[%dma_start3A_338, %multiple_of3A_329] : memref<16x1000000xf32, #tpu.memory_space<hbm>> -> memref<16x128xf32, #tpu.memory_space<hbm>>
    tpu.enqueue_dma source(%dma_start3A_339 : memref<16x128xf32, #tpu.memory_space<hbm>>) target(%dma_start3A_337 : memref<16x128xf32, #tpu.memory_space<vmem>>) target_semaphore(%arg17 : memref<!tpu.dma_semaphore, #tpu.memory_space<semaphore_mem>>)
    %slice3A_340 = vector.extract_strided_slice %get3A_3 {offsets = [10], sizes = [1], strides = [1]} : vector<16xi32> to vector<1xi32>
    %squeeze3A_341 = vector.extract %slice3A_340[0] : i32 from vector<1xi32>
    %slice3A_342 = vector.extract_strided_slice %get3A_5 {offsets = [10], sizes = [1], strides = [1]} : vector<16xi32> to vector<1xi32>
    %squeeze3A_343 = vector.extract %slice3A_342[0] : i32 from vector<1xi32>
    %shift_right_logical3A_344 = arith.constant 7 : i32
    %shift_right_logical3A_345 = arith.shrui %squeeze3A_341, %shift_right_logical3A_344 : i32
    %shift_left3A_346 = arith.constant 7 : i32
    %shift_left3A_347 = arith.shli %shift_right_logical3A_345, %shift_left3A_346 : i32
    %multiple_of3A_348 = tpu.assume_multiple %shift_left3A_347, 128 : i32
    %dma_start3A_349 = arith.constant 0 : i32
    %dma_start3A_350 = arith.constant 1280 : i32
    %dma_start3A_351 = tpu.memref_slice %arg10[%dma_start3A_349, %dma_start3A_350] : memref<16x2048xf32, #tpu.memory_space<vmem>> -> memref<16x128xf32, #tpu.memory_space<vmem>>
    %dma_start3A_352 = arith.constant 0 : i32
    %dma_start3A_353 = tpu.memref_slice %arg4[%dma_start3A_352, %multiple_of3A_348] : memref<16x1000000xf32, #tpu.memory_space<hbm>> -> memref<16x128xf32, #tpu.memory_space<hbm>>
    %dma_start3A_354 = arith.constant 0 : i32
    %dma_start3A_355 = arith.constant 1280 : i32
    %dma_start3A_356 = tpu.memref_slice %arg10[%dma_start3A_354, %dma_start3A_355] : memref<16x2048xf32, #tpu.memory_space<vmem>> -> memref<16x128xf32, #tpu.memory_space<vmem>>
    %dma_start3A_357 = arith.constant 0 : i32
    %dma_start3A_358 = tpu.memref_slice %arg4[%dma_start3A_357, %multiple_of3A_348] : memref<16x1000000xf32, #tpu.memory_space<hbm>> -> memref<16x128xf32, #tpu.memory_space<hbm>>
    tpu.enqueue_dma source(%dma_start3A_358 : memref<16x128xf32, #tpu.memory_space<hbm>>) target(%dma_start3A_356 : memref<16x128xf32, #tpu.memory_space<vmem>>) target_semaphore(%arg16 : memref<!tpu.dma_semaphore, #tpu.memory_space<semaphore_mem>>)
    %shift_right_logical3A_359 = arith.constant 7 : i32
    %shift_right_logical3A_360 = arith.shrui %squeeze3A_343, %shift_right_logical3A_359 : i32
    %shift_left3A_361 = arith.constant 7 : i32
    %shift_left3A_362 = arith.shli %shift_right_logical3A_360, %shift_left3A_361 : i32
    %multiple_of3A_363 = tpu.assume_multiple %shift_left3A_362, 128 : i32
    %dma_start3A_364 = arith.constant 0 : i32
    %dma_start3A_365 = arith.constant 1280 : i32
    %dma_start3A_366 = tpu.memref_slice %arg11[%dma_start3A_364, %dma_start3A_365] : memref<16x2048xf32, #tpu.memory_space<vmem>> -> memref<16x128xf32, #tpu.memory_space<vmem>>
    %dma_start3A_367 = arith.constant 0 : i32
    %dma_start3A_368 = tpu.memref_slice %arg5[%dma_start3A_367, %multiple_of3A_363] : memref<16x1000000xf32, #tpu.memory_space<hbm>> -> memref<16x128xf32, #tpu.memory_space<hbm>>
    %dma_start3A_369 = arith.constant 0 : i32
    %dma_start3A_370 = arith.constant 1280 : i32
    %dma_start3A_371 = tpu.memref_slice %arg11[%dma_start3A_369, %dma_start3A_370] : memref<16x2048xf32, #tpu.memory_space<vmem>> -> memref<16x128xf32, #tpu.memory_space<vmem>>
    %dma_start3A_372 = arith.constant 0 : i32
    %dma_start3A_373 = tpu.memref_slice %arg5[%dma_start3A_372, %multiple_of3A_363] : memref<16x1000000xf32, #tpu.memory_space<hbm>> -> memref<16x128xf32, #tpu.memory_space<hbm>>
    tpu.enqueue_dma source(%dma_start3A_373 : memref<16x128xf32, #tpu.memory_space<hbm>>) target(%dma_start3A_371 : memref<16x128xf32, #tpu.memory_space<vmem>>) target_semaphore(%arg17 : memref<!tpu.dma_semaphore, #tpu.memory_space<semaphore_mem>>)
    %slice3A_374 = vector.extract_strided_slice %get3A_3 {offsets = [11], sizes = [1], strides = [1]} : vector<16xi32> to vector<1xi32>
    %squeeze3A_375 = vector.extract %slice3A_374[0] : i32 from vector<1xi32>
    %slice3A_376 = vector.extract_strided_slice %get3A_5 {offsets = [11], sizes = [1], strides = [1]} : vector<16xi32> to vector<1xi32>
    %squeeze3A_377 = vector.extract %slice3A_376[0] : i32 from vector<1xi32>
    %shift_right_logical3A_378 = arith.constant 7 : i32
    %shift_right_logical3A_379 = arith.shrui %squeeze3A_375, %shift_right_logical3A_378 : i32
    %shift_left3A_380 = arith.constant 7 : i32
    %shift_left3A_381 = arith.shli %shift_right_logical3A_379, %shift_left3A_380 : i32
    %multiple_of3A_382 = tpu.assume_multiple %shift_left3A_381, 128 : i32
    %dma_start3A_383 = arith.constant 0 : i32
    %dma_start3A_384 = arith.constant 1408 : i32
    %dma_start3A_385 = tpu.memref_slice %arg10[%dma_start3A_383, %dma_start3A_384] : memref<16x2048xf32, #tpu.memory_space<vmem>> -> memref<16x128xf32, #tpu.memory_space<vmem>>
    %dma_start3A_386 = arith.constant 0 : i32
    %dma_start3A_387 = tpu.memref_slice %arg4[%dma_start3A_386, %multiple_of3A_382] : memref<16x1000000xf32, #tpu.memory_space<hbm>> -> memref<16x128xf32, #tpu.memory_space<hbm>>
    %dma_start3A_388 = arith.constant 0 : i32
    %dma_start3A_389 = arith.constant 1408 : i32
    %dma_start3A_390 = tpu.memref_slice %arg10[%dma_start3A_388, %dma_start3A_389] : memref<16x2048xf32, #tpu.memory_space<vmem>> -> memref<16x128xf32, #tpu.memory_space<vmem>>
    %dma_start3A_391 = arith.constant 0 : i32
    %dma_start3A_392 = tpu.memref_slice %arg4[%dma_start3A_391, %multiple_of3A_382] : memref<16x1000000xf32, #tpu.memory_space<hbm>> -> memref<16x128xf32, #tpu.memory_space<hbm>>
    tpu.enqueue_dma source(%dma_start3A_392 : memref<16x128xf32, #tpu.memory_space<hbm>>) target(%dma_start3A_390 : memref<16x128xf32, #tpu.memory_space<vmem>>) target_semaphore(%arg16 : memref<!tpu.dma_semaphore, #tpu.memory_space<semaphore_mem>>)
    %shift_right_logical3A_393 = arith.constant 7 : i32
    %shift_right_logical3A_394 = arith.shrui %squeeze3A_377, %shift_right_logical3A_393 : i32
    %shift_left3A_395 = arith.constant 7 : i32
    %shift_left3A_396 = arith.shli %shift_right_logical3A_394, %shift_left3A_395 : i32
    %multiple_of3A_397 = tpu.assume_multiple %shift_left3A_396, 128 : i32
    %dma_start3A_398 = arith.constant 0 : i32
    %dma_start3A_399 = arith.constant 1408 : i32
    %dma_start3A_400 = tpu.memref_slice %arg11[%dma_start3A_398, %dma_start3A_399] : memref<16x2048xf32, #tpu.memory_space<vmem>> -> memref<16x128xf32, #tpu.memory_space<vmem>>
    %dma_start3A_401 = arith.constant 0 : i32
    %dma_start3A_402 = tpu.memref_slice %arg5[%dma_start3A_401, %multiple_of3A_397] : memref<16x1000000xf32, #tpu.memory_space<hbm>> -> memref<16x128xf32, #tpu.memory_space<hbm>>
    %dma_start3A_403 = arith.constant 0 : i32
    %dma_start3A_404 = arith.constant 1408 : i32
    %dma_start3A_405 = tpu.memref_slice %arg11[%dma_start3A_403, %dma_start3A_404] : memref<16x2048xf32, #tpu.memory_space<vmem>> -> memref<16x128xf32, #tpu.memory_space<vmem>>
    %dma_start3A_406 = arith.constant 0 : i32
    %dma_start3A_407 = tpu.memref_slice %arg5[%dma_start3A_406, %multiple_of3A_397] : memref<16x1000000xf32, #tpu.memory_space<hbm>> -> memref<16x128xf32, #tpu.memory_space<hbm>>
    tpu.enqueue_dma source(%dma_start3A_407 : memref<16x128xf32, #tpu.memory_space<hbm>>) target(%dma_start3A_405 : memref<16x128xf32, #tpu.memory_space<vmem>>) target_semaphore(%arg17 : memref<!tpu.dma_semaphore, #tpu.memory_space<semaphore_mem>>)
    %slice3A_408 = vector.extract_strided_slice %get3A_3 {offsets = [12], sizes = [1], strides = [1]} : vector<16xi32> to vector<1xi32>
    %squeeze3A_409 = vector.extract %slice3A_408[0] : i32 from vector<1xi32>
    %slice3A_410 = vector.extract_strided_slice %get3A_5 {offsets = [12], sizes = [1], strides = [1]} : vector<16xi32> to vector<1xi32>
    %squeeze3A_411 = vector.extract %slice3A_410[0] : i32 from vector<1xi32>
    %shift_right_logical3A_412 = arith.constant 7 : i32
    %shift_right_logical3A_413 = arith.shrui %squeeze3A_409, %shift_right_logical3A_412 : i32
    %shift_left3A_414 = arith.constant 7 : i32
    %shift_left3A_415 = arith.shli %shift_right_logical3A_413, %shift_left3A_414 : i32
    %multiple_of3A_416 = tpu.assume_multiple %shift_left3A_415, 128 : i32
    %dma_start3A_417 = arith.constant 0 : i32
    %dma_start3A_418 = arith.constant 1536 : i32
    %dma_start3A_419 = tpu.memref_slice %arg10[%dma_start3A_417, %dma_start3A_418] : memref<16x2048xf32, #tpu.memory_space<vmem>> -> memref<16x128xf32, #tpu.memory_space<vmem>>
    %dma_start3A_420 = arith.constant 0 : i32
    %dma_start3A_421 = tpu.memref_slice %arg4[%dma_start3A_420, %multiple_of3A_416] : memref<16x1000000xf32, #tpu.memory_space<hbm>> -> memref<16x128xf32, #tpu.memory_space<hbm>>
    %dma_start3A_422 = arith.constant 0 : i32
    %dma_start3A_423 = arith.constant 1536 : i32
    %dma_start3A_424 = tpu.memref_slice %arg10[%dma_start3A_422, %dma_start3A_423] : memref<16x2048xf32, #tpu.memory_space<vmem>> -> memref<16x128xf32, #tpu.memory_space<vmem>>
    %dma_start3A_425 = arith.constant 0 : i32
    %dma_start3A_426 = tpu.memref_slice %arg4[%dma_start3A_425, %multiple_of3A_416] : memref<16x1000000xf32, #tpu.memory_space<hbm>> -> memref<16x128xf32, #tpu.memory_space<hbm>>
    tpu.enqueue_dma source(%dma_start3A_426 : memref<16x128xf32, #tpu.memory_space<hbm>>) target(%dma_start3A_424 : memref<16x128xf32, #tpu.memory_space<vmem>>) target_semaphore(%arg16 : memref<!tpu.dma_semaphore, #tpu.memory_space<semaphore_mem>>)
    %shift_right_logical3A_427 = arith.constant 7 : i32
    %shift_right_logical3A_428 = arith.shrui %squeeze3A_411, %shift_right_logical3A_427 : i32
    %shift_left3A_429 = arith.constant 7 : i32
    %shift_left3A_430 = arith.shli %shift_right_logical3A_428, %shift_left3A_429 : i32
    %multiple_of3A_431 = tpu.assume_multiple %shift_left3A_430, 128 : i32
    %dma_start3A_432 = arith.constant 0 : i32
    %dma_start3A_433 = arith.constant 1536 : i32
    %dma_start3A_434 = tpu.memref_slice %arg11[%dma_start3A_432, %dma_start3A_433] : memref<16x2048xf32, #tpu.memory_space<vmem>> -> memref<16x128xf32, #tpu.memory_space<vmem>>
    %dma_start3A_435 = arith.constant 0 : i32
    %dma_start3A_436 = tpu.memref_slice %arg5[%dma_start3A_435, %multiple_of3A_431] : memref<16x1000000xf32, #tpu.memory_space<hbm>> -> memref<16x128xf32, #tpu.memory_space<hbm>>
    %dma_start3A_437 = arith.constant 0 : i32
    %dma_start3A_438 = arith.constant 1536 : i32
    %dma_start3A_439 = tpu.memref_slice %arg11[%dma_start3A_437, %dma_start3A_438] : memref<16x2048xf32, #tpu.memory_space<vmem>> -> memref<16x128xf32, #tpu.memory_space<vmem>>
    %dma_start3A_440 = arith.constant 0 : i32
    %dma_start3A_441 = tpu.memref_slice %arg5[%dma_start3A_440, %multiple_of3A_431] : memref<16x1000000xf32, #tpu.memory_space<hbm>> -> memref<16x128xf32, #tpu.memory_space<hbm>>
    tpu.enqueue_dma source(%dma_start3A_441 : memref<16x128xf32, #tpu.memory_space<hbm>>) target(%dma_start3A_439 : memref<16x128xf32, #tpu.memory_space<vmem>>) target_semaphore(%arg17 : memref<!tpu.dma_semaphore, #tpu.memory_space<semaphore_mem>>)
    %slice3A_442 = vector.extract_strided_slice %get3A_3 {offsets = [13], sizes = [1], strides = [1]} : vector<16xi32> to vector<1xi32>
    %squeeze3A_443 = vector.extract %slice3A_442[0] : i32 from vector<1xi32>
    %slice3A_444 = vector.extract_strided_slice %get3A_5 {offsets = [13], sizes = [1], strides = [1]} : vector<16xi32> to vector<1xi32>
    %squeeze3A_445 = vector.extract %slice3A_444[0] : i32 from vector<1xi32>
    %shift_right_logical3A_446 = arith.constant 7 : i32
    %shift_right_logical3A_447 = arith.shrui %squeeze3A_443, %shift_right_logical3A_446 : i32
    %shift_left3A_448 = arith.constant 7 : i32
    %shift_left3A_449 = arith.shli %shift_right_logical3A_447, %shift_left3A_448 : i32
    %multiple_of3A_450 = tpu.assume_multiple %shift_left3A_449, 128 : i32
    %dma_start3A_451 = arith.constant 0 : i32
    %dma_start3A_452 = arith.constant 1664 : i32
    %dma_start3A_453 = tpu.memref_slice %arg10[%dma_start3A_451, %dma_start3A_452] : memref<16x2048xf32, #tpu.memory_space<vmem>> -> memref<16x128xf32, #tpu.memory_space<vmem>>
    %dma_start3A_454 = arith.constant 0 : i32
    %dma_start3A_455 = tpu.memref_slice %arg4[%dma_start3A_454, %multiple_of3A_450] : memref<16x1000000xf32, #tpu.memory_space<hbm>> -> memref<16x128xf32, #tpu.memory_space<hbm>>
    %dma_start3A_456 = arith.constant 0 : i32
    %dma_start3A_457 = arith.constant 1664 : i32
    %dma_start3A_458 = tpu.memref_slice %arg10[%dma_start3A_456, %dma_start3A_457] : memref<16x2048xf32, #tpu.memory_space<vmem>> -> memref<16x128xf32, #tpu.memory_space<vmem>>
    %dma_start3A_459 = arith.constant 0 : i32
    %dma_start3A_460 = tpu.memref_slice %arg4[%dma_start3A_459, %multiple_of3A_450] : memref<16x1000000xf32, #tpu.memory_space<hbm>> -> memref<16x128xf32, #tpu.memory_space<hbm>>
    tpu.enqueue_dma source(%dma_start3A_460 : memref<16x128xf32, #tpu.memory_space<hbm>>) target(%dma_start3A_458 : memref<16x128xf32, #tpu.memory_space<vmem>>) target_semaphore(%arg16 : memref<!tpu.dma_semaphore, #tpu.memory_space<semaphore_mem>>)
    %shift_right_logical3A_461 = arith.constant 7 : i32
    %shift_right_logical3A_462 = arith.shrui %squeeze3A_445, %shift_right_logical3A_461 : i32
    %shift_left3A_463 = arith.constant 7 : i32
    %shift_left3A_464 = arith.shli %shift_right_logical3A_462, %shift_left3A_463 : i32
    %multiple_of3A_465 = tpu.assume_multiple %shift_left3A_464, 128 : i32
    %dma_start3A_466 = arith.constant 0 : i32
    %dma_start3A_467 = arith.constant 1664 : i32
    %dma_start3A_468 = tpu.memref_slice %arg11[%dma_start3A_466, %dma_start3A_467] : memref<16x2048xf32, #tpu.memory_space<vmem>> -> memref<16x128xf32, #tpu.memory_space<vmem>>
    %dma_start3A_469 = arith.constant 0 : i32
    %dma_start3A_470 = tpu.memref_slice %arg5[%dma_start3A_469, %multiple_of3A_465] : memref<16x1000000xf32, #tpu.memory_space<hbm>> -> memref<16x128xf32, #tpu.memory_space<hbm>>
    %dma_start3A_471 = arith.constant 0 : i32
    %dma_start3A_472 = arith.constant 1664 : i32
    %dma_start3A_473 = tpu.memref_slice %arg11[%dma_start3A_471, %dma_start3A_472] : memref<16x2048xf32, #tpu.memory_space<vmem>> -> memref<16x128xf32, #tpu.memory_space<vmem>>
    %dma_start3A_474 = arith.constant 0 : i32
    %dma_start3A_475 = tpu.memref_slice %arg5[%dma_start3A_474, %multiple_of3A_465] : memref<16x1000000xf32, #tpu.memory_space<hbm>> -> memref<16x128xf32, #tpu.memory_space<hbm>>
    tpu.enqueue_dma source(%dma_start3A_475 : memref<16x128xf32, #tpu.memory_space<hbm>>) target(%dma_start3A_473 : memref<16x128xf32, #tpu.memory_space<vmem>>) target_semaphore(%arg17 : memref<!tpu.dma_semaphore, #tpu.memory_space<semaphore_mem>>)
    %slice3A_476 = vector.extract_strided_slice %get3A_3 {offsets = [14], sizes = [1], strides = [1]} : vector<16xi32> to vector<1xi32>
    %squeeze3A_477 = vector.extract %slice3A_476[0] : i32 from vector<1xi32>
    %slice3A_478 = vector.extract_strided_slice %get3A_5 {offsets = [14], sizes = [1], strides = [1]} : vector<16xi32> to vector<1xi32>
    %squeeze3A_479 = vector.extract %slice3A_478[0] : i32 from vector<1xi32>
    %shift_right_logical3A_480 = arith.constant 7 : i32
    %shift_right_logical3A_481 = arith.shrui %squeeze3A_477, %shift_right_logical3A_480 : i32
    %shift_left3A_482 = arith.constant 7 : i32
    %shift_left3A_483 = arith.shli %shift_right_logical3A_481, %shift_left3A_482 : i32
    %multiple_of3A_484 = tpu.assume_multiple %shift_left3A_483, 128 : i32
    %dma_start3A_485 = arith.constant 0 : i32
    %dma_start3A_486 = arith.constant 1792 : i32
    %dma_start3A_487 = tpu.memref_slice %arg10[%dma_start3A_485, %dma_start3A_486] : memref<16x2048xf32, #tpu.memory_space<vmem>> -> memref<16x128xf32, #tpu.memory_space<vmem>>
    %dma_start3A_488 = arith.constant 0 : i32
    %dma_start3A_489 = tpu.memref_slice %arg4[%dma_start3A_488, %multiple_of3A_484] : memref<16x1000000xf32, #tpu.memory_space<hbm>> -> memref<16x128xf32, #tpu.memory_space<hbm>>
    %dma_start3A_490 = arith.constant 0 : i32
    %dma_start3A_491 = arith.constant 1792 : i32
    %dma_start3A_492 = tpu.memref_slice %arg10[%dma_start3A_490, %dma_start3A_491] : memref<16x2048xf32, #tpu.memory_space<vmem>> -> memref<16x128xf32, #tpu.memory_space<vmem>>
    %dma_start3A_493 = arith.constant 0 : i32
    %dma_start3A_494 = tpu.memref_slice %arg4[%dma_start3A_493, %multiple_of3A_484] : memref<16x1000000xf32, #tpu.memory_space<hbm>> -> memref<16x128xf32, #tpu.memory_space<hbm>>
    tpu.enqueue_dma source(%dma_start3A_494 : memref<16x128xf32, #tpu.memory_space<hbm>>) target(%dma_start3A_492 : memref<16x128xf32, #tpu.memory_space<vmem>>) target_semaphore(%arg16 : memref<!tpu.dma_semaphore, #tpu.memory_space<semaphore_mem>>)
    %shift_right_logical3A_495 = arith.constant 7 : i32
    %shift_right_logical3A_496 = arith.shrui %squeeze3A_479, %shift_right_logical3A_495 : i32
    %shift_left3A_497 = arith.constant 7 : i32
    %shift_left3A_498 = arith.shli %shift_right_logical3A_496, %shift_left3A_497 : i32
    %multiple_of3A_499 = tpu.assume_multiple %shift_left3A_498, 128 : i32
    %dma_start3A_500 = arith.constant 0 : i32
    %dma_start3A_501 = arith.constant 1792 : i32
    %dma_start3A_502 = tpu.memref_slice %arg11[%dma_start3A_500, %dma_start3A_501] : memref<16x2048xf32, #tpu.memory_space<vmem>> -> memref<16x128xf32, #tpu.memory_space<vmem>>
    %dma_start3A_503 = arith.constant 0 : i32
    %dma_start3A_504 = tpu.memref_slice %arg5[%dma_start3A_503, %multiple_of3A_499] : memref<16x1000000xf32, #tpu.memory_space<hbm>> -> memref<16x128xf32, #tpu.memory_space<hbm>>
    %dma_start3A_505 = arith.constant 0 : i32
    %dma_start3A_506 = arith.constant 1792 : i32
    %dma_start3A_507 = tpu.memref_slice %arg11[%dma_start3A_505, %dma_start3A_506] : memref<16x2048xf32, #tpu.memory_space<vmem>> -> memref<16x128xf32, #tpu.memory_space<vmem>>
    %dma_start3A_508 = arith.constant 0 : i32
    %dma_start3A_509 = tpu.memref_slice %arg5[%dma_start3A_508, %multiple_of3A_499] : memref<16x1000000xf32, #tpu.memory_space<hbm>> -> memref<16x128xf32, #tpu.memory_space<hbm>>
    tpu.enqueue_dma source(%dma_start3A_509 : memref<16x128xf32, #tpu.memory_space<hbm>>) target(%dma_start3A_507 : memref<16x128xf32, #tpu.memory_space<vmem>>) target_semaphore(%arg17 : memref<!tpu.dma_semaphore, #tpu.memory_space<semaphore_mem>>)
    %slice3A_510 = vector.extract_strided_slice %get3A_3 {offsets = [15], sizes = [1], strides = [1]} : vector<16xi32> to vector<1xi32>
    %squeeze3A_511 = vector.extract %slice3A_510[0] : i32 from vector<1xi32>
    %slice3A_512 = vector.extract_strided_slice %get3A_5 {offsets = [15], sizes = [1], strides = [1]} : vector<16xi32> to vector<1xi32>
    %squeeze3A_513 = vector.extract %slice3A_512[0] : i32 from vector<1xi32>
    %shift_right_logical3A_514 = arith.constant 7 : i32
    %shift_right_logical3A_515 = arith.shrui %squeeze3A_511, %shift_right_logical3A_514 : i32
    %shift_left3A_516 = arith.constant 7 : i32
    %shift_left3A_517 = arith.shli %shift_right_logical3A_515, %shift_left3A_516 : i32
    %multiple_of3A_518 = tpu.assume_multiple %shift_left3A_517, 128 : i32
    %dma_start3A_519 = arith.constant 0 : i32
    %dma_start3A_520 = arith.constant 1920 : i32
    %dma_start3A_521 = tpu.memref_slice %arg10[%dma_start3A_519, %dma_start3A_520] : memref<16x2048xf32, #tpu.memory_space<vmem>> -> memref<16x128xf32, #tpu.memory_space<vmem>>
    %dma_start3A_522 = arith.constant 0 : i32
    %dma_start3A_523 = tpu.memref_slice %arg4[%dma_start3A_522, %multiple_of3A_518] : memref<16x1000000xf32, #tpu.memory_space<hbm>> -> memref<16x128xf32, #tpu.memory_space<hbm>>
    %dma_start3A_524 = arith.constant 0 : i32
    %dma_start3A_525 = arith.constant 1920 : i32
    %dma_start3A_526 = tpu.memref_slice %arg10[%dma_start3A_524, %dma_start3A_525] : memref<16x2048xf32, #tpu.memory_space<vmem>> -> memref<16x128xf32, #tpu.memory_space<vmem>>
    %dma_start3A_527 = arith.constant 0 : i32
    %dma_start3A_528 = tpu.memref_slice %arg4[%dma_start3A_527, %multiple_of3A_518] : memref<16x1000000xf32, #tpu.memory_space<hbm>> -> memref<16x128xf32, #tpu.memory_space<hbm>>
    tpu.enqueue_dma source(%dma_start3A_528 : memref<16x128xf32, #tpu.memory_space<hbm>>) target(%dma_start3A_526 : memref<16x128xf32, #tpu.memory_space<vmem>>) target_semaphore(%arg16 : memref<!tpu.dma_semaphore, #tpu.memory_space<semaphore_mem>>)
    %shift_right_logical3A_529 = arith.constant 7 : i32
    %shift_right_logical3A_530 = arith.shrui %squeeze3A_513, %shift_right_logical3A_529 : i32
    %shift_left3A_531 = arith.constant 7 : i32
    %shift_left3A_532 = arith.shli %shift_right_logical3A_530, %shift_left3A_531 : i32
    %multiple_of3A_533 = tpu.assume_multiple %shift_left3A_532, 128 : i32
    %dma_start3A_534 = arith.constant 0 : i32
    %dma_start3A_535 = arith.constant 1920 : i32
    %dma_start3A_536 = tpu.memref_slice %arg11[%dma_start3A_534, %dma_start3A_535] : memref<16x2048xf32, #tpu.memory_space<vmem>> -> memref<16x128xf32, #tpu.memory_space<vmem>>
    %dma_start3A_537 = arith.constant 0 : i32
    %dma_start3A_538 = tpu.memref_slice %arg5[%dma_start3A_537, %multiple_of3A_533] : memref<16x1000000xf32, #tpu.memory_space<hbm>> -> memref<16x128xf32, #tpu.memory_space<hbm>>
    %dma_start3A_539 = arith.constant 0 : i32
    %dma_start3A_540 = arith.constant 1920 : i32
    %dma_start3A_541 = tpu.memref_slice %arg11[%dma_start3A_539, %dma_start3A_540] : memref<16x2048xf32, #tpu.memory_space<vmem>> -> memref<16x128xf32, #tpu.memory_space<vmem>>
    %dma_start3A_542 = arith.constant 0 : i32
    %dma_start3A_543 = tpu.memref_slice %arg5[%dma_start3A_542, %multiple_of3A_533] : memref<16x1000000xf32, #tpu.memory_space<hbm>> -> memref<16x128xf32, #tpu.memory_space<hbm>>
    tpu.enqueue_dma source(%dma_start3A_543 : memref<16x128xf32, #tpu.memory_space<hbm>>) target(%dma_start3A_541 : memref<16x128xf32, #tpu.memory_space<vmem>>) target_semaphore(%arg17 : memref<!tpu.dma_semaphore, #tpu.memory_space<semaphore_mem>>)
    %scan3A = arith.constant 0 : i32
    %scan3A_544 = arith.constant 0 : i32
    %scan3A_545 = arith.constant 32 : i32
    %scan3A_546 = arith.addi %scan3A_544, %scan3A_545 : i32
    %scan3A_547 = arith.constant 1 : i32
    %scan3A_548 = scf.for %scan3A_598 = %scan3A_544 to %scan3A_546 step %scan3A_547 iter_args(%scan3A_599 = %scan3A) -> (i32)  : i32 {
      %mul3A_600 = arith.constant 16 : i32
      %mul3A_601 = arith.muli %scan3A_598, %mul3A_600 : i32
      %get3A_602 = arith.index_cast %mul3A_601 : i32 to index
      %get3A_603 = tpu.vector_load %arg8[%get3A_602] {strides = array<i32>} : memref<512xi32, #tpu.memory_space<vmem>>, vector<16xi32>,
      %mul3A_604 = arith.constant 16 : i32
      %mul3A_605 = arith.muli %scan3A_598, %mul3A_604 : i32
      %get3A_606 = arith.index_cast %mul3A_605 : i32 to index
      %get3A_607 = tpu.vector_load %arg9[%get3A_606] {strides = array<i32>} : memref<512xi32, #tpu.memory_space<vmem>>, vector<16xi32>,
      %add3A_608 = arith.constant 1 : i32
      %add3A_609 = arith.addi %scan3A_598, %add3A_608 : i32
      %min3A = arith.constant 31 : i32
      %min3A_610 = arith.minsi %add3A_609, %min3A : i32
      %mul3A_611 = arith.constant 16 : i32
      %mul3A_612 = arith.muli %min3A_610, %mul3A_611 : i32
      %get3A_613 = arith.index_cast %mul3A_612 : i32 to index
      %get3A_614 = tpu.vector_load %arg8[%get3A_613] {strides = array<i32>} : memref<512xi32, #tpu.memory_space<vmem>>, vector<16xi32>,
      %mul3A_615 = arith.constant 16 : i32
      %mul3A_616 = arith.muli %min3A_610, %mul3A_615 : i32
      %get3A_617 = arith.index_cast %mul3A_616 : i32 to index
      %get3A_618 = tpu.vector_load %arg9[%get3A_617] {strides = array<i32>} : memref<512xi32, #tpu.memory_space<vmem>>, vector<16xi32>,
      %dma_wait3A_619 = arith.constant 0 : i32
      %dma_wait3A_620 = arith.constant 0 : i32
      %dma_wait3A_621 = tpu.memref_slice %arg10[%dma_wait3A_619, %dma_wait3A_620] : memref<16x2048xf32, #tpu.memory_space<vmem>> -> memref<16x1024xf32, #tpu.memory_space<vmem>>
      %dma_wait3A_622 = arith.constant 0 : i32
      %dma_wait3A_623 = arith.constant 0 : i32
      %dma_wait3A_624 = tpu.memref_slice %arg4[%dma_wait3A_622, %dma_wait3A_623] : memref<16x1000000xf32, #tpu.memory_space<hbm>> -> memref<16x1024xf32, #tpu.memory_space<hbm>>
      %dma_wait3A_625 = arith.constant 0 : i32
      %dma_wait3A_626 = arith.constant 0 : i32
      %dma_wait3A_627 = tpu.memref_slice %arg10[%dma_wait3A_625, %dma_wait3A_626] : memref<16x2048xf32, #tpu.memory_space<vmem>> -> memref<16x1024xf32, #tpu.memory_space<vmem>>
      %dma_wait3A_628 = arith.constant 0 : i32
      %dma_wait3A_629 = arith.constant 0 : i32
      %dma_wait3A_630 = tpu.memref_slice %arg4[%dma_wait3A_628, %dma_wait3A_629] : memref<16x1000000xf32, #tpu.memory_space<hbm>> -> memref<16x1024xf32, #tpu.memory_space<hbm>>
      tpu.wait_dma2 semaphore(%arg14 : memref<!tpu.dma_semaphore, #tpu.memory_space<semaphore_mem>>) src(%dma_wait3A_630 : memref<16x1024xf32, #tpu.memory_space<hbm>>) dst(%dma_wait3A_627 : memref<16x1024xf32, #tpu.memory_space<vmem>>)
      %dma_wait3A_631 = arith.constant 0 : i32
      %dma_wait3A_632 = arith.constant 0 : i32
      %dma_wait3A_633 = tpu.memref_slice %arg11[%dma_wait3A_631, %dma_wait3A_632] : memref<16x2048xf32, #tpu.memory_space<vmem>> -> memref<16x1024xf32, #tpu.memory_space<vmem>>
      %dma_wait3A_634 = arith.constant 0 : i32
      %dma_wait3A_635 = arith.constant 0 : i32
      %dma_wait3A_636 = tpu.memref_slice %arg5[%dma_wait3A_634, %dma_wait3A_635] : memref<16x1000000xf32, #tpu.memory_space<hbm>> -> memref<16x1024xf32, #tpu.memory_space<hbm>>
      %dma_wait3A_637 = arith.constant 0 : i32
      %dma_wait3A_638 = arith.constant 0 : i32
      %dma_wait3A_639 = tpu.memref_slice %arg11[%dma_wait3A_637, %dma_wait3A_638] : memref<16x2048xf32, #tpu.memory_space<vmem>> -> memref<16x1024xf32, #tpu.memory_space<vmem>>
      %dma_wait3A_640 = arith.constant 0 : i32
      %dma_wait3A_641 = arith.constant 0 : i32
      %dma_wait3A_642 = tpu.memref_slice %arg5[%dma_wait3A_640, %dma_wait3A_641] : memref<16x1000000xf32, #tpu.memory_space<hbm>> -> memref<16x1024xf32, #tpu.memory_space<hbm>>
      tpu.wait_dma2 semaphore(%arg15 : memref<!tpu.dma_semaphore, #tpu.memory_space<semaphore_mem>>) src(%dma_wait3A_642 : memref<16x1024xf32, #tpu.memory_space<hbm>>) dst(%dma_wait3A_639 : memref<16x1024xf32, #tpu.memory_space<vmem>>)
      %mul3A_643 = arith.constant 2 : i32
      %mul3A_644 = arith.muli %mul3A_643, %scan3A_598 : i32
      %slice3A_645 = vector.extract_strided_slice %get3A_603 {offsets = [0], sizes = [1], strides = [1]} : vector<16xi32> to vector<1xi32>
      %squeeze3A_646 = vector.extract %slice3A_645[0] : i32 from vector<1xi32>
      %slice3A_647 = vector.extract_strided_slice %get3A_607 {offsets = [0], sizes = [1], strides = [1]} : vector<16xi32> to vector<1xi32>
      %squeeze3A_648 = vector.extract %slice3A_647[0] : i32 from vector<1xi32>
      %mul3A_649 = arith.constant 0 : i32
      %mul3A_650 = vector.broadcast %mul3A_649 : i32 to vector<16xi32>
      %mul3A_651 = arith.muli %iota3A, %mul3A_650 : vector<16xi32>
      %and3A = arith.constant 127 : i32
      %and3A_652 = arith.andi %squeeze3A_646, %and3A : i32
      %add3A_653 = arith.constant 0 : i32
      %add3A_654 = arith.addi %add3A_653, %and3A_652 : i32
      %add3A_655 = vector.broadcast %add3A_654 : i32 to vector<16xi32>
      %add3A_656 = arith.addi %mul3A_651, %add3A_655 : vector<16xi32>
      %mul3A_657 = arith.constant 0 : i32
      %mul3A_658 = vector.broadcast %mul3A_657 : i32 to vector<16xi32>
      %mul3A_659 = arith.muli %iota3A, %mul3A_658 : vector<16xi32>
      %and3A_660 = arith.constant 127 : i32
      %and3A_661 = arith.andi %squeeze3A_648, %and3A_660 : i32
      %add3A_662 = arith.constant 0 : i32
      %add3A_663 = arith.addi %add3A_662, %and3A_661 : i32
      %add3A_664 = vector.broadcast %add3A_663 : i32 to vector<16xi32>
      %add3A_665 = arith.addi %mul3A_659, %add3A_664 : vector<16xi32>
      %mul3A_666 = arith.constant 0 : i32
      %mul3A_667 = vector.broadcast %mul3A_666 : i32 to vector<16xi32>
      %mul3A_668 = arith.muli %iota3A, %mul3A_667 : vector<16xi32>
      %mul3A_669 = arith.constant 8 : i32
      %mul3A_670 = arith.muli %mul3A_644, %mul3A_669 : i32
      %add3A_671 = arith.constant 0 : i32
      %add3A_672 = arith.addi %mul3A_670, %add3A_671 : i32
      %add3A_673 = vector.broadcast %add3A_672 : i32 to vector<16xi32>
      %add3A_674 = arith.addi %mul3A_668, %add3A_673 : vector<16xi32>
      %gather3A = tpu.vector_load_idx %arg10[%iota3A, %add3A_656] : memref<16x2048xf32, #tpu.memory_space<vmem>>[vector<16xi32>, vector<16xi32>], vector<16xf32>,
      tpu.vector_store_idx %arg12[%iota3A, %add3A_674], %gather3A : memref<16x512xf32, #tpu.memory_space<vmem>>[vector<16xi32>, vector<16xi32>], vector<16xf32>,
      %gather3A_675 = tpu.vector_load_idx %arg11[%iota3A, %add3A_665] : memref<16x2048xf32, #tpu.memory_space<vmem>>[vector<16xi32>, vector<16xi32>], vector<16xf32>,
      tpu.vector_store_idx %arg13[%iota3A, %add3A_674], %gather3A_675 : memref<16x512xf32, #tpu.memory_space<vmem>>[vector<16xi32>, vector<16xi32>], vector<16xf32>,
      %slice3A_676 = vector.extract_strided_slice %get3A_603 {offsets = [1], sizes = [1], strides = [1]} : vector<16xi32> to vector<1xi32>
      %squeeze3A_677 = vector.extract %slice3A_676[0] : i32 from vector<1xi32>
      %slice3A_678 = vector.extract_strided_slice %get3A_607 {offsets = [1], sizes = [1], strides = [1]} : vector<16xi32> to vector<1xi32>
      %squeeze3A_679 = vector.extract %slice3A_678[0] : i32 from vector<1xi32>
      %mul3A_680 = arith.constant 0 : i32
      %mul3A_681 = vector.broadcast %mul3A_680 : i32 to vector<16xi32>
      %mul3A_682 = arith.muli %iota3A, %mul3A_681 : vector<16xi32>
      %and3A_683 = arith.constant 127 : i32
      %and3A_684 = arith.andi %squeeze3A_677, %and3A_683 : i32
      %add3A_685 = arith.constant 128 : i32
      %add3A_686 = arith.addi %add3A_685, %and3A_684 : i32
      %add3A_687 = vector.broadcast %add3A_686 : i32 to vector<16xi32>
      %add3A_688 = arith.addi %mul3A_682, %add3A_687 : vector<16xi32>
      %mul3A_689 = arith.constant 0 : i32
      %mul3A_690 = vector.broadcast %mul3A_689 : i32 to vector<16xi32>
      %mul3A_691 = arith.muli %iota3A, %mul3A_690 : vector<16xi32>
      %and3A_692 = arith.constant 127 : i32
      %and3A_693 = arith.andi %squeeze3A_679, %and3A_692 : i32
      %add3A_694 = arith.constant 128 : i32
      %add3A_695 = arith.addi %add3A_694, %and3A_693 : i32
      %add3A_696 = vector.broadcast %add3A_695 : i32 to vector<16xi32>
      %add3A_697 = arith.addi %mul3A_691, %add3A_696 : vector<16xi32>
      %mul3A_698 = arith.constant 0 : i32
      %mul3A_699 = vector.broadcast %mul3A_698 : i32 to vector<16xi32>
      %mul3A_700 = arith.muli %iota3A, %mul3A_699 : vector<16xi32>
      %mul3A_701 = arith.constant 8 : i32
      %mul3A_702 = arith.muli %mul3A_644, %mul3A_701 : i32
      %add3A_703 = arith.constant 1 : i32
      %add3A_704 = arith.addi %mul3A_702, %add3A_703 : i32
      %add3A_705 = vector.broadcast %add3A_704 : i32 to vector<16xi32>
      %add3A_706 = arith.addi %mul3A_700, %add3A_705 : vector<16xi32>
      %gather3A_707 = tpu.vector_load_idx %arg10[%iota3A, %add3A_688] : memref<16x2048xf32, #tpu.memory_space<vmem>>[vector<16xi32>, vector<16xi32>], vector<16xf32>,
      tpu.vector_store_idx %arg12[%iota3A, %add3A_706], %gather3A_707 : memref<16x512xf32, #tpu.memory_space<vmem>>[vector<16xi32>, vector<16xi32>], vector<16xf32>,
      %gather3A_708 = tpu.vector_load_idx %arg11[%iota3A, %add3A_697] : memref<16x2048xf32, #tpu.memory_space<vmem>>[vector<16xi32>, vector<16xi32>], vector<16xf32>,
      tpu.vector_store_idx %arg13[%iota3A, %add3A_706], %gather3A_708 : memref<16x512xf32, #tpu.memory_space<vmem>>[vector<16xi32>, vector<16xi32>], vector<16xf32>,
      %slice3A_709 = vector.extract_strided_slice %get3A_603 {offsets = [2], sizes = [1], strides = [1]} : vector<16xi32> to vector<1xi32>
      %squeeze3A_710 = vector.extract %slice3A_709[0] : i32 from vector<1xi32>
      %slice3A_711 = vector.extract_strided_slice %get3A_607 {offsets = [2], sizes = [1], strides = [1]} : vector<16xi32> to vector<1xi32>
      %squeeze3A_712 = vector.extract %slice3A_711[0] : i32 from vector<1xi32>
      %mul3A_713 = arith.constant 0 : i32
      %mul3A_714 = vector.broadcast %mul3A_713 : i32 to vector<16xi32>
      %mul3A_715 = arith.muli %iota3A, %mul3A_714 : vector<16xi32>
      %and3A_716 = arith.constant 127 : i32
      %and3A_717 = arith.andi %squeeze3A_710, %and3A_716 : i32
      %add3A_718 = arith.constant 256 : i32
      %add3A_719 = arith.addi %add3A_718, %and3A_717 : i32
      %add3A_720 = vector.broadcast %add3A_719 : i32 to vector<16xi32>
      %add3A_721 = arith.addi %mul3A_715, %add3A_720 : vector<16xi32>
      %mul3A_722 = arith.constant 0 : i32
      %mul3A_723 = vector.broadcast %mul3A_722 : i32 to vector<16xi32>
      %mul3A_724 = arith.muli %iota3A, %mul3A_723 : vector<16xi32>
      %and3A_725 = arith.constant 127 : i32
      %and3A_726 = arith.andi %squeeze3A_712, %and3A_725 : i32
      %add3A_727 = arith.constant 256 : i32
      %add3A_728 = arith.addi %add3A_727, %and3A_726 : i32
      %add3A_729 = vector.broadcast %add3A_728 : i32 to vector<16xi32>
      %add3A_730 = arith.addi %mul3A_724, %add3A_729 : vector<16xi32>
      %mul3A_731 = arith.constant 0 : i32
      %mul3A_732 = vector.broadcast %mul3A_731 : i32 to vector<16xi32>
      %mul3A_733 = arith.muli %iota3A, %mul3A_732 : vector<16xi32>
      %mul3A_734 = arith.constant 8 : i32
      %mul3A_735 = arith.muli %mul3A_644, %mul3A_734 : i32
      %add3A_736 = arith.constant 2 : i32
      %add3A_737 = arith.addi %mul3A_735, %add3A_736 : i32
      %add3A_738 = vector.broadcast %add3A_737 : i32 to vector<16xi32>
      %add3A_739 = arith.addi %mul3A_733, %add3A_738 : vector<16xi32>
      %gather3A_740 = tpu.vector_load_idx %arg10[%iota3A, %add3A_721] : memref<16x2048xf32, #tpu.memory_space<vmem>>[vector<16xi32>, vector<16xi32>], vector<16xf32>,
      tpu.vector_store_idx %arg12[%iota3A, %add3A_739], %gather3A_740 : memref<16x512xf32, #tpu.memory_space<vmem>>[vector<16xi32>, vector<16xi32>], vector<16xf32>,
      %gather3A_741 = tpu.vector_load_idx %arg11[%iota3A, %add3A_730] : memref<16x2048xf32, #tpu.memory_space<vmem>>[vector<16xi32>, vector<16xi32>], vector<16xf32>,
      tpu.vector_store_idx %arg13[%iota3A, %add3A_739], %gather3A_741 : memref<16x512xf32, #tpu.memory_space<vmem>>[vector<16xi32>, vector<16xi32>], vector<16xf32>,
      %slice3A_742 = vector.extract_strided_slice %get3A_603 {offsets = [3], sizes = [1], strides = [1]} : vector<16xi32> to vector<1xi32>
      %squeeze3A_743 = vector.extract %slice3A_742[0] : i32 from vector<1xi32>
      %slice3A_744 = vector.extract_strided_slice %get3A_607 {offsets = [3], sizes = [1], strides = [1]} : vector<16xi32> to vector<1xi32>
      %squeeze3A_745 = vector.extract %slice3A_744[0] : i32 from vector<1xi32>
      %mul3A_746 = arith.constant 0 : i32
      %mul3A_747 = vector.broadcast %mul3A_746 : i32 to vector<16xi32>
      %mul3A_748 = arith.muli %iota3A, %mul3A_747 : vector<16xi32>
      %and3A_749 = arith.constant 127 : i32
      %and3A_750 = arith.andi %squeeze3A_743, %and3A_749 : i32
      %add3A_751 = arith.constant 384 : i32
      %add3A_752 = arith.addi %add3A_751, %and3A_750 : i32
      %add3A_753 = vector.broadcast %add3A_752 : i32 to vector<16xi32>
      %add3A_754 = arith.addi %mul3A_748, %add3A_753 : vector<16xi32>
      %mul3A_755 = arith.constant 0 : i32
      %mul3A_756 = vector.broadcast %mul3A_755 : i32 to vector<16xi32>
      %mul3A_757 = arith.muli %iota3A, %mul3A_756 : vector<16xi32>
      %and3A_758 = arith.constant 127 : i32
      %and3A_759 = arith.andi %squeeze3A_745, %and3A_758 : i32
      %add3A_760 = arith.constant 384 : i32
      %add3A_761 = arith.addi %add3A_760, %and3A_759 : i32
      %add3A_762 = vector.broadcast %add3A_761 : i32 to vector<16xi32>
      %add3A_763 = arith.addi %mul3A_757, %add3A_762 : vector<16xi32>
      %mul3A_764 = arith.constant 0 : i32
      %mul3A_765 = vector.broadcast %mul3A_764 : i32 to vector<16xi32>
      %mul3A_766 = arith.muli %iota3A, %mul3A_765 : vector<16xi32>
      %mul3A_767 = arith.constant 8 : i32
      %mul3A_768 = arith.muli %mul3A_644, %mul3A_767 : i32
      %add3A_769 = arith.constant 3 : i32
      %add3A_770 = arith.addi %mul3A_768, %add3A_769 : i32
      %add3A_771 = vector.broadcast %add3A_770 : i32 to vector<16xi32>
      %add3A_772 = arith.addi %mul3A_766, %add3A_771 : vector<16xi32>
      %gather3A_773 = tpu.vector_load_idx %arg10[%iota3A, %add3A_754] : memref<16x2048xf32, #tpu.memory_space<vmem>>[vector<16xi32>, vector<16xi32>], vector<16xf32>,
      tpu.vector_store_idx %arg12[%iota3A, %add3A_772], %gather3A_773 : memref<16x512xf32, #tpu.memory_space<vmem>>[vector<16xi32>, vector<16xi32>], vector<16xf32>,
      %gather3A_774 = tpu.vector_load_idx %arg11[%iota3A, %add3A_763] : memref<16x2048xf32, #tpu.memory_space<vmem>>[vector<16xi32>, vector<16xi32>], vector<16xf32>,
      tpu.vector_store_idx %arg13[%iota3A, %add3A_772], %gather3A_774 : memref<16x512xf32, #tpu.memory_space<vmem>>[vector<16xi32>, vector<16xi32>], vector<16xf32>,
      %slice3A_775 = vector.extract_strided_slice %get3A_603 {offsets = [4], sizes = [1], strides = [1]} : vector<16xi32> to vector<1xi32>
      %squeeze3A_776 = vector.extract %slice3A_775[0] : i32 from vector<1xi32>
      %slice3A_777 = vector.extract_strided_slice %get3A_607 {offsets = [4], sizes = [1], strides = [1]} : vector<16xi32> to vector<1xi32>
      %squeeze3A_778 = vector.extract %slice3A_777[0] : i32 from vector<1xi32>
      %mul3A_779 = arith.constant 0 : i32
      %mul3A_780 = vector.broadcast %mul3A_779 : i32 to vector<16xi32>
      %mul3A_781 = arith.muli %iota3A, %mul3A_780 : vector<16xi32>
      %and3A_782 = arith.constant 127 : i32
      %and3A_783 = arith.andi %squeeze3A_776, %and3A_782 : i32
      %add3A_784 = arith.constant 512 : i32
      %add3A_785 = arith.addi %add3A_784, %and3A_783 : i32
      %add3A_786 = vector.broadcast %add3A_785 : i32 to vector<16xi32>
      %add3A_787 = arith.addi %mul3A_781, %add3A_786 : vector<16xi32>
      %mul3A_788 = arith.constant 0 : i32
      %mul3A_789 = vector.broadcast %mul3A_788 : i32 to vector<16xi32>
      %mul3A_790 = arith.muli %iota3A, %mul3A_789 : vector<16xi32>
      %and3A_791 = arith.constant 127 : i32
      %and3A_792 = arith.andi %squeeze3A_778, %and3A_791 : i32
      %add3A_793 = arith.constant 512 : i32
      %add3A_794 = arith.addi %add3A_793, %and3A_792 : i32
      %add3A_795 = vector.broadcast %add3A_794 : i32 to vector<16xi32>
      %add3A_796 = arith.addi %mul3A_790, %add3A_795 : vector<16xi32>
      %mul3A_797 = arith.constant 0 : i32
      %mul3A_798 = vector.broadcast %mul3A_797 : i32 to vector<16xi32>
      %mul3A_799 = arith.muli %iota3A, %mul3A_798 : vector<16xi32>
      %mul3A_800 = arith.constant 8 : i32
      %mul3A_801 = arith.muli %mul3A_644, %mul3A_800 : i32
      %add3A_802 = arith.constant 4 : i32
      %add3A_803 = arith.addi %mul3A_801, %add3A_802 : i32
      %add3A_804 = vector.broadcast %add3A_803 : i32 to vector<16xi32>
      %add3A_805 = arith.addi %mul3A_799, %add3A_804 : vector<16xi32>
      %gather3A_806 = tpu.vector_load_idx %arg10[%iota3A, %add3A_787] : memref<16x2048xf32, #tpu.memory_space<vmem>>[vector<16xi32>, vector<16xi32>], vector<16xf32>,
      tpu.vector_store_idx %arg12[%iota3A, %add3A_805], %gather3A_806 : memref<16x512xf32, #tpu.memory_space<vmem>>[vector<16xi32>, vector<16xi32>], vector<16xf32>,
      %gather3A_807 = tpu.vector_load_idx %arg11[%iota3A, %add3A_796] : memref<16x2048xf32, #tpu.memory_space<vmem>>[vector<16xi32>, vector<16xi32>], vector<16xf32>,
      tpu.vector_store_idx %arg13[%iota3A, %add3A_805], %gather3A_807 : memref<16x512xf32, #tpu.memory_space<vmem>>[vector<16xi32>, vector<16xi32>], vector<16xf32>,
      %slice3A_808 = vector.extract_strided_slice %get3A_603 {offsets = [5], sizes = [1], strides = [1]} : vector<16xi32> to vector<1xi32>
      %squeeze3A_809 = vector.extract %slice3A_808[0] : i32 from vector<1xi32>
      %slice3A_810 = vector.extract_strided_slice %get3A_607 {offsets = [5], sizes = [1], strides = [1]} : vector<16xi32> to vector<1xi32>
      %squeeze3A_811 = vector.extract %slice3A_810[0] : i32 from vector<1xi32>
      %mul3A_812 = arith.constant 0 : i32
      %mul3A_813 = vector.broadcast %mul3A_812 : i32 to vector<16xi32>
      %mul3A_814 = arith.muli %iota3A, %mul3A_813 : vector<16xi32>
      %and3A_815 = arith.constant 127 : i32
      %and3A_816 = arith.andi %squeeze3A_809, %and3A_815 : i32
      %add3A_817 = arith.constant 640 : i32
      %add3A_818 = arith.addi %add3A_817, %and3A_816 : i32
      %add3A_819 = vector.broadcast %add3A_818 : i32 to vector<16xi32>
      %add3A_820 = arith.addi %mul3A_814, %add3A_819 : vector<16xi32>
      %mul3A_821 = arith.constant 0 : i32
      %mul3A_822 = vector.broadcast %mul3A_821 : i32 to vector<16xi32>
      %mul3A_823 = arith.muli %iota3A, %mul3A_822 : vector<16xi32>
      %and3A_824 = arith.constant 127 : i32
      %and3A_825 = arith.andi %squeeze3A_811, %and3A_824 : i32
      %add3A_826 = arith.constant 640 : i32
      %add3A_827 = arith.addi %add3A_826, %and3A_825 : i32
      %add3A_828 = vector.broadcast %add3A_827 : i32 to vector<16xi32>
      %add3A_829 = arith.addi %mul3A_823, %add3A_828 : vector<16xi32>
      %mul3A_830 = arith.constant 0 : i32
      %mul3A_831 = vector.broadcast %mul3A_830 : i32 to vector<16xi32>
      %mul3A_832 = arith.muli %iota3A, %mul3A_831 : vector<16xi32>
      %mul3A_833 = arith.constant 8 : i32
      %mul3A_834 = arith.muli %mul3A_644, %mul3A_833 : i32
      %add3A_835 = arith.constant 5 : i32
      %add3A_836 = arith.addi %mul3A_834, %add3A_835 : i32
      %add3A_837 = vector.broadcast %add3A_836 : i32 to vector<16xi32>
      %add3A_838 = arith.addi %mul3A_832, %add3A_837 : vector<16xi32>
      %gather3A_839 = tpu.vector_load_idx %arg10[%iota3A, %add3A_820] : memref<16x2048xf32, #tpu.memory_space<vmem>>[vector<16xi32>, vector<16xi32>], vector<16xf32>,
      tpu.vector_store_idx %arg12[%iota3A, %add3A_838], %gather3A_839 : memref<16x512xf32, #tpu.memory_space<vmem>>[vector<16xi32>, vector<16xi32>], vector<16xf32>,
      %gather3A_840 = tpu.vector_load_idx %arg11[%iota3A, %add3A_829] : memref<16x2048xf32, #tpu.memory_space<vmem>>[vector<16xi32>, vector<16xi32>], vector<16xf32>,
      tpu.vector_store_idx %arg13[%iota3A, %add3A_838], %gather3A_840 : memref<16x512xf32, #tpu.memory_space<vmem>>[vector<16xi32>, vector<16xi32>], vector<16xf32>,
      %slice3A_841 = vector.extract_strided_slice %get3A_603 {offsets = [6], sizes = [1], strides = [1]} : vector<16xi32> to vector<1xi32>
      %squeeze3A_842 = vector.extract %slice3A_841[0] : i32 from vector<1xi32>
      %slice3A_843 = vector.extract_strided_slice %get3A_607 {offsets = [6], sizes = [1], strides = [1]} : vector<16xi32> to vector<1xi32>
      %squeeze3A_844 = vector.extract %slice3A_843[0] : i32 from vector<1xi32>
      %mul3A_845 = arith.constant 0 : i32
      %mul3A_846 = vector.broadcast %mul3A_845 : i32 to vector<16xi32>
      %mul3A_847 = arith.muli %iota3A, %mul3A_846 : vector<16xi32>
      %and3A_848 = arith.constant 127 : i32
      %and3A_849 = arith.andi %squeeze3A_842, %and3A_848 : i32
      %add3A_850 = arith.constant 768 : i32
      %add3A_851 = arith.addi %add3A_850, %and3A_849 : i32
      %add3A_852 = vector.broadcast %add3A_851 : i32 to vector<16xi32>
      %add3A_853 = arith.addi %mul3A_847, %add3A_852 : vector<16xi32>
      %mul3A_854 = arith.constant 0 : i32
      %mul3A_855 = vector.broadcast %mul3A_854 : i32 to vector<16xi32>
      %mul3A_856 = arith.muli %iota3A, %mul3A_855 : vector<16xi32>
      %and3A_857 = arith.constant 127 : i32
      %and3A_858 = arith.andi %squeeze3A_844, %and3A_857 : i32
      %add3A_859 = arith.constant 768 : i32
      %add3A_860 = arith.addi %add3A_859, %and3A_858 : i32
      %add3A_861 = vector.broadcast %add3A_860 : i32 to vector<16xi32>
      %add3A_862 = arith.addi %mul3A_856, %add3A_861 : vector<16xi32>
      %mul3A_863 = arith.constant 0 : i32
      %mul3A_864 = vector.broadcast %mul3A_863 : i32 to vector<16xi32>
      %mul3A_865 = arith.muli %iota3A, %mul3A_864 : vector<16xi32>
      %mul3A_866 = arith.constant 8 : i32
      %mul3A_867 = arith.muli %mul3A_644, %mul3A_866 : i32
      %add3A_868 = arith.constant 6 : i32
      %add3A_869 = arith.addi %mul3A_867, %add3A_868 : i32
      %add3A_870 = vector.broadcast %add3A_869 : i32 to vector<16xi32>
      %add3A_871 = arith.addi %mul3A_865, %add3A_870 : vector<16xi32>
      %gather3A_872 = tpu.vector_load_idx %arg10[%iota3A, %add3A_853] : memref<16x2048xf32, #tpu.memory_space<vmem>>[vector<16xi32>, vector<16xi32>], vector<16xf32>,
      tpu.vector_store_idx %arg12[%iota3A, %add3A_871], %gather3A_872 : memref<16x512xf32, #tpu.memory_space<vmem>>[vector<16xi32>, vector<16xi32>], vector<16xf32>,
      %gather3A_873 = tpu.vector_load_idx %arg11[%iota3A, %add3A_862] : memref<16x2048xf32, #tpu.memory_space<vmem>>[vector<16xi32>, vector<16xi32>], vector<16xf32>,
      tpu.vector_store_idx %arg13[%iota3A, %add3A_871], %gather3A_873 : memref<16x512xf32, #tpu.memory_space<vmem>>[vector<16xi32>, vector<16xi32>], vector<16xf32>,
      %slice3A_874 = vector.extract_strided_slice %get3A_603 {offsets = [7], sizes = [1], strides = [1]} : vector<16xi32> to vector<1xi32>
      %squeeze3A_875 = vector.extract %slice3A_874[0] : i32 from vector<1xi32>
      %slice3A_876 = vector.extract_strided_slice %get3A_607 {offsets = [7], sizes = [1], strides = [1]} : vector<16xi32> to vector<1xi32>
      %squeeze3A_877 = vector.extract %slice3A_876[0] : i32 from vector<1xi32>
      %mul3A_878 = arith.constant 0 : i32
      %mul3A_879 = vector.broadcast %mul3A_878 : i32 to vector<16xi32>
      %mul3A_880 = arith.muli %iota3A, %mul3A_879 : vector<16xi32>
      %and3A_881 = arith.constant 127 : i32
      %and3A_882 = arith.andi %squeeze3A_875, %and3A_881 : i32
      %add3A_883 = arith.constant 896 : i32
      %add3A_884 = arith.addi %add3A_883, %and3A_882 : i32
      %add3A_885 = vector.broadcast %add3A_884 : i32 to vector<16xi32>
      %add3A_886 = arith.addi %mul3A_880, %add3A_885 : vector<16xi32>
      %mul3A_887 = arith.constant 0 : i32
      %mul3A_888 = vector.broadcast %mul3A_887 : i32 to vector<16xi32>
      %mul3A_889 = arith.muli %iota3A, %mul3A_888 : vector<16xi32>
      %and3A_890 = arith.constant 127 : i32
      %and3A_891 = arith.andi %squeeze3A_877, %and3A_890 : i32
      %add3A_892 = arith.constant 896 : i32
      %add3A_893 = arith.addi %add3A_892, %and3A_891 : i32
      %add3A_894 = vector.broadcast %add3A_893 : i32 to vector<16xi32>
      %add3A_895 = arith.addi %mul3A_889, %add3A_894 : vector<16xi32>
      %mul3A_896 = arith.constant 0 : i32
      %mul3A_897 = vector.broadcast %mul3A_896 : i32 to vector<16xi32>
      %mul3A_898 = arith.muli %iota3A, %mul3A_897 : vector<16xi32>
      %mul3A_899 = arith.constant 8 : i32
      %mul3A_900 = arith.muli %mul3A_644, %mul3A_899 : i32
      %add3A_901 = arith.constant 7 : i32
      %add3A_902 = arith.addi %mul3A_900, %add3A_901 : i32
      %add3A_903 = vector.broadcast %add3A_902 : i32 to vector<16xi32>
      %add3A_904 = arith.addi %mul3A_898, %add3A_903 : vector<16xi32>
      %gather3A_905 = tpu.vector_load_idx %arg10[%iota3A, %add3A_886] : memref<16x2048xf32, #tpu.memory_space<vmem>>[vector<16xi32>, vector<16xi32>], vector<16xf32>,
      tpu.vector_store_idx %arg12[%iota3A, %add3A_904], %gather3A_905 : memref<16x512xf32, #tpu.memory_space<vmem>>[vector<16xi32>, vector<16xi32>], vector<16xf32>,
      %gather3A_906 = tpu.vector_load_idx %arg11[%iota3A, %add3A_895] : memref<16x2048xf32, #tpu.memory_space<vmem>>[vector<16xi32>, vector<16xi32>], vector<16xf32>,
      tpu.vector_store_idx %arg13[%iota3A, %add3A_904], %gather3A_906 : memref<16x512xf32, #tpu.memory_space<vmem>>[vector<16xi32>, vector<16xi32>], vector<16xf32>,
      %slice3A_907 = vector.extract_strided_slice %get3A_614 {offsets = [0], sizes = [1], strides = [1]} : vector<16xi32> to vector<1xi32>
      %squeeze3A_908 = vector.extract %slice3A_907[0] : i32 from vector<1xi32>
      %slice3A_909 = vector.extract_strided_slice %get3A_618 {offsets = [0], sizes = [1], strides = [1]} : vector<16xi32> to vector<1xi32>
      %squeeze3A_910 = vector.extract %slice3A_909[0] : i32 from vector<1xi32>
      %shift_right_logical3A_911 = arith.constant 7 : i32
      %shift_right_logical3A_912 = arith.shrui %squeeze3A_908, %shift_right_logical3A_911 : i32
      %shift_left3A_913 = arith.constant 7 : i32
      %shift_left3A_914 = arith.shli %shift_right_logical3A_912, %shift_left3A_913 : i32
      %multiple_of3A_915 = tpu.assume_multiple %shift_left3A_914, 128 : i32
      %dma_start3A_916 = arith.constant 0 : i32
      %dma_start3A_917 = arith.constant 0 : i32
      %dma_start3A_918 = tpu.memref_slice %arg10[%dma_start3A_916, %dma_start3A_917] : memref<16x2048xf32, #tpu.memory_space<vmem>> -> memref<16x128xf32, #tpu.memory_space<vmem>>
      %dma_start3A_919 = arith.constant 0 : i32
      %dma_start3A_920 = tpu.memref_slice %arg4[%dma_start3A_919, %multiple_of3A_915] : memref<16x1000000xf32, #tpu.memory_space<hbm>> -> memref<16x128xf32, #tpu.memory_space<hbm>>
      %dma_start3A_921 = arith.constant 0 : i32
      %dma_start3A_922 = arith.constant 0 : i32
      %dma_start3A_923 = tpu.memref_slice %arg10[%dma_start3A_921, %dma_start3A_922] : memref<16x2048xf32, #tpu.memory_space<vmem>> -> memref<16x128xf32, #tpu.memory_space<vmem>>
      %dma_start3A_924 = arith.constant 0 : i32
      %dma_start3A_925 = tpu.memref_slice %arg4[%dma_start3A_924, %multiple_of3A_915] : memref<16x1000000xf32, #tpu.memory_space<hbm>> -> memref<16x128xf32, #tpu.memory_space<hbm>>
      tpu.enqueue_dma source(%dma_start3A_925 : memref<16x128xf32, #tpu.memory_space<hbm>>) target(%dma_start3A_923 : memref<16x128xf32, #tpu.memory_space<vmem>>) target_semaphore(%arg14 : memref<!tpu.dma_semaphore, #tpu.memory_space<semaphore_mem>>)
      %shift_right_logical3A_926 = arith.constant 7 : i32
      %shift_right_logical3A_927 = arith.shrui %squeeze3A_910, %shift_right_logical3A_926 : i32
      %shift_left3A_928 = arith.constant 7 : i32
      %shift_left3A_929 = arith.shli %shift_right_logical3A_927, %shift_left3A_928 : i32
      %multiple_of3A_930 = tpu.assume_multiple %shift_left3A_929, 128 : i32
      %dma_start3A_931 = arith.constant 0 : i32
      %dma_start3A_932 = arith.constant 0 : i32
      %dma_start3A_933 = tpu.memref_slice %arg11[%dma_start3A_931, %dma_start3A_932] : memref<16x2048xf32, #tpu.memory_space<vmem>> -> memref<16x128xf32, #tpu.memory_space<vmem>>
      %dma_start3A_934 = arith.constant 0 : i32
      %dma_start3A_935 = tpu.memref_slice %arg5[%dma_start3A_934, %multiple_of3A_930] : memref<16x1000000xf32, #tpu.memory_space<hbm>> -> memref<16x128xf32, #tpu.memory_space<hbm>>
      %dma_start3A_936 = arith.constant 0 : i32
      %dma_start3A_937 = arith.constant 0 : i32
      %dma_start3A_938 = tpu.memref_slice %arg11[%dma_start3A_936, %dma_start3A_937] : memref<16x2048xf32, #tpu.memory_space<vmem>> -> memref<16x128xf32, #tpu.memory_space<vmem>>
      %dma_start3A_939 = arith.constant 0 : i32
      %dma_start3A_940 = tpu.memref_slice %arg5[%dma_start3A_939, %multiple_of3A_930] : memref<16x1000000xf32, #tpu.memory_space<hbm>> -> memref<16x128xf32, #tpu.memory_space<hbm>>
      tpu.enqueue_dma source(%dma_start3A_940 : memref<16x128xf32, #tpu.memory_space<hbm>>) target(%dma_start3A_938 : memref<16x128xf32, #tpu.memory_space<vmem>>) target_semaphore(%arg15 : memref<!tpu.dma_semaphore, #tpu.memory_space<semaphore_mem>>)
      %slice3A_941 = vector.extract_strided_slice %get3A_614 {offsets = [1], sizes = [1], strides = [1]} : vector<16xi32> to vector<1xi32>
      %squeeze3A_942 = vector.extract %slice3A_941[0] : i32 from vector<1xi32>
      %slice3A_943 = vector.extract_strided_slice %get3A_618 {offsets = [1], sizes = [1], strides = [1]} : vector<16xi32> to vector<1xi32>
      %squeeze3A_944 = vector.extract %slice3A_943[0] : i32 from vector<1xi32>
      %shift_right_logical3A_945 = arith.constant 7 : i32
      %shift_right_logical3A_946 = arith.shrui %squeeze3A_942, %shift_right_logical3A_945 : i32
      %shift_left3A_947 = arith.constant 7 : i32
      %shift_left3A_948 = arith.shli %shift_right_logical3A_946, %shift_left3A_947 : i32
      %multiple_of3A_949 = tpu.assume_multiple %shift_left3A_948, 128 : i32
      %dma_start3A_950 = arith.constant 0 : i32
      %dma_start3A_951 = arith.constant 128 : i32
      %dma_start3A_952 = tpu.memref_slice %arg10[%dma_start3A_950, %dma_start3A_951] : memref<16x2048xf32, #tpu.memory_space<vmem>> -> memref<16x128xf32, #tpu.memory_space<vmem>>
      %dma_start3A_953 = arith.constant 0 : i32
      %dma_start3A_954 = tpu.memref_slice %arg4[%dma_start3A_953, %multiple_of3A_949] : memref<16x1000000xf32, #tpu.memory_space<hbm>> -> memref<16x128xf32, #tpu.memory_space<hbm>>
      %dma_start3A_955 = arith.constant 0 : i32
      %dma_start3A_956 = arith.constant 128 : i32
      %dma_start3A_957 = tpu.memref_slice %arg10[%dma_start3A_955, %dma_start3A_956] : memref<16x2048xf32, #tpu.memory_space<vmem>> -> memref<16x128xf32, #tpu.memory_space<vmem>>
      %dma_start3A_958 = arith.constant 0 : i32
      %dma_start3A_959 = tpu.memref_slice %arg4[%dma_start3A_958, %multiple_of3A_949] : memref<16x1000000xf32, #tpu.memory_space<hbm>> -> memref<16x128xf32, #tpu.memory_space<hbm>>
      tpu.enqueue_dma source(%dma_start3A_959 : memref<16x128xf32, #tpu.memory_space<hbm>>) target(%dma_start3A_957 : memref<16x128xf32, #tpu.memory_space<vmem>>) target_semaphore(%arg14 : memref<!tpu.dma_semaphore, #tpu.memory_space<semaphore_mem>>)
      %shift_right_logical3A_960 = arith.constant 7 : i32
      %shift_right_logical3A_961 = arith.shrui %squeeze3A_944, %shift_right_logical3A_960 : i32
      %shift_left3A_962 = arith.constant 7 : i32
      %shift_left3A_963 = arith.shli %shift_right_logical3A_961, %shift_left3A_962 : i32
      %multiple_of3A_964 = tpu.assume_multiple %shift_left3A_963, 128 : i32
      %dma_start3A_965 = arith.constant 0 : i32
      %dma_start3A_966 = arith.constant 128 : i32
      %dma_start3A_967 = tpu.memref_slice %arg11[%dma_start3A_965, %dma_start3A_966] : memref<16x2048xf32, #tpu.memory_space<vmem>> -> memref<16x128xf32, #tpu.memory_space<vmem>>
      %dma_start3A_968 = arith.constant 0 : i32
      %dma_start3A_969 = tpu.memref_slice %arg5[%dma_start3A_968, %multiple_of3A_964] : memref<16x1000000xf32, #tpu.memory_space<hbm>> -> memref<16x128xf32, #tpu.memory_space<hbm>>
      %dma_start3A_970 = arith.constant 0 : i32
      %dma_start3A_971 = arith.constant 128 : i32
      %dma_start3A_972 = tpu.memref_slice %arg11[%dma_start3A_970, %dma_start3A_971] : memref<16x2048xf32, #tpu.memory_space<vmem>> -> memref<16x128xf32, #tpu.memory_space<vmem>>
      %dma_start3A_973 = arith.constant 0 : i32
      %dma_start3A_974 = tpu.memref_slice %arg5[%dma_start3A_973, %multiple_of3A_964] : memref<16x1000000xf32, #tpu.memory_space<hbm>> -> memref<16x128xf32, #tpu.memory_space<hbm>>
      tpu.enqueue_dma source(%dma_start3A_974 : memref<16x128xf32, #tpu.memory_space<hbm>>) target(%dma_start3A_972 : memref<16x128xf32, #tpu.memory_space<vmem>>) target_semaphore(%arg15 : memref<!tpu.dma_semaphore, #tpu.memory_space<semaphore_mem>>)
      %slice3A_975 = vector.extract_strided_slice %get3A_614 {offsets = [2], sizes = [1], strides = [1]} : vector<16xi32> to vector<1xi32>
      %squeeze3A_976 = vector.extract %slice3A_975[0] : i32 from vector<1xi32>
      %slice3A_977 = vector.extract_strided_slice %get3A_618 {offsets = [2], sizes = [1], strides = [1]} : vector<16xi32> to vector<1xi32>
      %squeeze3A_978 = vector.extract %slice3A_977[0] : i32 from vector<1xi32>
      %shift_right_logical3A_979 = arith.constant 7 : i32
      %shift_right_logical3A_980 = arith.shrui %squeeze3A_976, %shift_right_logical3A_979 : i32
      %shift_left3A_981 = arith.constant 7 : i32
      %shift_left3A_982 = arith.shli %shift_right_logical3A_980, %shift_left3A_981 : i32
      %multiple_of3A_983 = tpu.assume_multiple %shift_left3A_982, 128 : i32
      %dma_start3A_984 = arith.constant 0 : i32
      %dma_start3A_985 = arith.constant 256 : i32
      %dma_start3A_986 = tpu.memref_slice %arg10[%dma_start3A_984, %dma_start3A_985] : memref<16x2048xf32, #tpu.memory_space<vmem>> -> memref<16x128xf32, #tpu.memory_space<vmem>>
      %dma_start3A_987 = arith.constant 0 : i32
      %dma_start3A_988 = tpu.memref_slice %arg4[%dma_start3A_987, %multiple_of3A_983] : memref<16x1000000xf32, #tpu.memory_space<hbm>> -> memref<16x128xf32, #tpu.memory_space<hbm>>
      %dma_start3A_989 = arith.constant 0 : i32
      %dma_start3A_990 = arith.constant 256 : i32
      %dma_start3A_991 = tpu.memref_slice %arg10[%dma_start3A_989, %dma_start3A_990] : memref<16x2048xf32, #tpu.memory_space<vmem>> -> memref<16x128xf32, #tpu.memory_space<vmem>>
      %dma_start3A_992 = arith.constant 0 : i32
      %dma_start3A_993 = tpu.memref_slice %arg4[%dma_start3A_992, %multiple_of3A_983] : memref<16x1000000xf32, #tpu.memory_space<hbm>> -> memref<16x128xf32, #tpu.memory_space<hbm>>
      tpu.enqueue_dma source(%dma_start3A_993 : memref<16x128xf32, #tpu.memory_space<hbm>>) target(%dma_start3A_991 : memref<16x128xf32, #tpu.memory_space<vmem>>) target_semaphore(%arg14 : memref<!tpu.dma_semaphore, #tpu.memory_space<semaphore_mem>>)
      %shift_right_logical3A_994 = arith.constant 7 : i32
      %shift_right_logical3A_995 = arith.shrui %squeeze3A_978, %shift_right_logical3A_994 : i32
      %shift_left3A_996 = arith.constant 7 : i32
      %shift_left3A_997 = arith.shli %shift_right_logical3A_995, %shift_left3A_996 : i32
      %multiple_of3A_998 = tpu.assume_multiple %shift_left3A_997, 128 : i32
      %dma_start3A_999 = arith.constant 0 : i32
      %dma_start3A_1000 = arith.constant 256 : i32
      %dma_start3A_1001 = tpu.memref_slice %arg11[%dma_start3A_999, %dma_start3A_1000] : memref<16x2048xf32, #tpu.memory_space<vmem>> -> memref<16x128xf32, #tpu.memory_space<vmem>>
      %dma_start3A_1002 = arith.constant 0 : i32
      %dma_start3A_1003 = tpu.memref_slice %arg5[%dma_start3A_1002, %multiple_of3A_998] : memref<16x1000000xf32, #tpu.memory_space<hbm>> -> memref<16x128xf32, #tpu.memory_space<hbm>>
      %dma_start3A_1004 = arith.constant 0 : i32
      %dma_start3A_1005 = arith.constant 256 : i32
      %dma_start3A_1006 = tpu.memref_slice %arg11[%dma_start3A_1004, %dma_start3A_1005] : memref<16x2048xf32, #tpu.memory_space<vmem>> -> memref<16x128xf32, #tpu.memory_space<vmem>>
      %dma_start3A_1007 = arith.constant 0 : i32
      %dma_start3A_1008 = tpu.memref_slice %arg5[%dma_start3A_1007, %multiple_of3A_998] : memref<16x1000000xf32, #tpu.memory_space<hbm>> -> memref<16x128xf32, #tpu.memory_space<hbm>>
      tpu.enqueue_dma source(%dma_start3A_1008 : memref<16x128xf32, #tpu.memory_space<hbm>>) target(%dma_start3A_1006 : memref<16x128xf32, #tpu.memory_space<vmem>>) target_semaphore(%arg15 : memref<!tpu.dma_semaphore, #tpu.memory_space<semaphore_mem>>)
      %slice3A_1009 = vector.extract_strided_slice %get3A_614 {offsets = [3], sizes = [1], strides = [1]} : vector<16xi32> to vector<1xi32>
      %squeeze3A_1010 = vector.extract %slice3A_1009[0] : i32 from vector<1xi32>
      %slice3A_1011 = vector.extract_strided_slice %get3A_618 {offsets = [3], sizes = [1], strides = [1]} : vector<16xi32> to vector<1xi32>
      %squeeze3A_1012 = vector.extract %slice3A_1011[0] : i32 from vector<1xi32>
      %shift_right_logical3A_1013 = arith.constant 7 : i32
      %shift_right_logical3A_1014 = arith.shrui %squeeze3A_1010, %shift_right_logical3A_1013 : i32
      %shift_left3A_1015 = arith.constant 7 : i32
      %shift_left3A_1016 = arith.shli %shift_right_logical3A_1014, %shift_left3A_1015 : i32
      %multiple_of3A_1017 = tpu.assume_multiple %shift_left3A_1016, 128 : i32
      %dma_start3A_1018 = arith.constant 0 : i32
      %dma_start3A_1019 = arith.constant 384 : i32
      %dma_start3A_1020 = tpu.memref_slice %arg10[%dma_start3A_1018, %dma_start3A_1019] : memref<16x2048xf32, #tpu.memory_space<vmem>> -> memref<16x128xf32, #tpu.memory_space<vmem>>
      %dma_start3A_1021 = arith.constant 0 : i32
      %dma_start3A_1022 = tpu.memref_slice %arg4[%dma_start3A_1021, %multiple_of3A_1017] : memref<16x1000000xf32, #tpu.memory_space<hbm>> -> memref<16x128xf32, #tpu.memory_space<hbm>>
      %dma_start3A_1023 = arith.constant 0 : i32
      %dma_start3A_1024 = arith.constant 384 : i32
      %dma_start3A_1025 = tpu.memref_slice %arg10[%dma_start3A_1023, %dma_start3A_1024] : memref<16x2048xf32, #tpu.memory_space<vmem>> -> memref<16x128xf32, #tpu.memory_space<vmem>>
      %dma_start3A_1026 = arith.constant 0 : i32
      %dma_start3A_1027 = tpu.memref_slice %arg4[%dma_start3A_1026, %multiple_of3A_1017] : memref<16x1000000xf32, #tpu.memory_space<hbm>> -> memref<16x128xf32, #tpu.memory_space<hbm>>
      tpu.enqueue_dma source(%dma_start3A_1027 : memref<16x128xf32, #tpu.memory_space<hbm>>) target(%dma_start3A_1025 : memref<16x128xf32, #tpu.memory_space<vmem>>) target_semaphore(%arg14 : memref<!tpu.dma_semaphore, #tpu.memory_space<semaphore_mem>>)
      %shift_right_logical3A_1028 = arith.constant 7 : i32
      %shift_right_logical3A_1029 = arith.shrui %squeeze3A_1012, %shift_right_logical3A_1028 : i32
      %shift_left3A_1030 = arith.constant 7 : i32
      %shift_left3A_1031 = arith.shli %shift_right_logical3A_1029, %shift_left3A_1030 : i32
      %multiple_of3A_1032 = tpu.assume_multiple %shift_left3A_1031, 128 : i32
      %dma_start3A_1033 = arith.constant 0 : i32
      %dma_start3A_1034 = arith.constant 384 : i32
      %dma_start3A_1035 = tpu.memref_slice %arg11[%dma_start3A_1033, %dma_start3A_1034] : memref<16x2048xf32, #tpu.memory_space<vmem>> -> memref<16x128xf32, #tpu.memory_space<vmem>>
      %dma_start3A_1036 = arith.constant 0 : i32
      %dma_start3A_1037 = tpu.memref_slice %arg5[%dma_start3A_1036, %multiple_of3A_1032] : memref<16x1000000xf32, #tpu.memory_space<hbm>> -> memref<16x128xf32, #tpu.memory_space<hbm>>
      %dma_start3A_1038 = arith.constant 0 : i32
      %dma_start3A_1039 = arith.constant 384 : i32
      %dma_start3A_1040 = tpu.memref_slice %arg11[%dma_start3A_1038, %dma_start3A_1039] : memref<16x2048xf32, #tpu.memory_space<vmem>> -> memref<16x128xf32, #tpu.memory_space<vmem>>
      %dma_start3A_1041 = arith.constant 0 : i32
      %dma_start3A_1042 = tpu.memref_slice %arg5[%dma_start3A_1041, %multiple_of3A_1032] : memref<16x1000000xf32, #tpu.memory_space<hbm>> -> memref<16x128xf32, #tpu.memory_space<hbm>>
      tpu.enqueue_dma source(%dma_start3A_1042 : memref<16x128xf32, #tpu.memory_space<hbm>>) target(%dma_start3A_1040 : memref<16x128xf32, #tpu.memory_space<vmem>>) target_semaphore(%arg15 : memref<!tpu.dma_semaphore, #tpu.memory_space<semaphore_mem>>)
      %slice3A_1043 = vector.extract_strided_slice %get3A_614 {offsets = [4], sizes = [1], strides = [1]} : vector<16xi32> to vector<1xi32>
      %squeeze3A_1044 = vector.extract %slice3A_1043[0] : i32 from vector<1xi32>
      %slice3A_1045 = vector.extract_strided_slice %get3A_618 {offsets = [4], sizes = [1], strides = [1]} : vector<16xi32> to vector<1xi32>
      %squeeze3A_1046 = vector.extract %slice3A_1045[0] : i32 from vector<1xi32>
      %shift_right_logical3A_1047 = arith.constant 7 : i32
      %shift_right_logical3A_1048 = arith.shrui %squeeze3A_1044, %shift_right_logical3A_1047 : i32
      %shift_left3A_1049 = arith.constant 7 : i32
      %shift_left3A_1050 = arith.shli %shift_right_logical3A_1048, %shift_left3A_1049 : i32
      %multiple_of3A_1051 = tpu.assume_multiple %shift_left3A_1050, 128 : i32
      %dma_start3A_1052 = arith.constant 0 : i32
      %dma_start3A_1053 = arith.constant 512 : i32
      %dma_start3A_1054 = tpu.memref_slice %arg10[%dma_start3A_1052, %dma_start3A_1053] : memref<16x2048xf32, #tpu.memory_space<vmem>> -> memref<16x128xf32, #tpu.memory_space<vmem>>
      %dma_start3A_1055 = arith.constant 0 : i32
      %dma_start3A_1056 = tpu.memref_slice %arg4[%dma_start3A_1055, %multiple_of3A_1051] : memref<16x1000000xf32, #tpu.memory_space<hbm>> -> memref<16x128xf32, #tpu.memory_space<hbm>>
      %dma_start3A_1057 = arith.constant 0 : i32
      %dma_start3A_1058 = arith.constant 512 : i32
      %dma_start3A_1059 = tpu.memref_slice %arg10[%dma_start3A_1057, %dma_start3A_1058] : memref<16x2048xf32, #tpu.memory_space<vmem>> -> memref<16x128xf32, #tpu.memory_space<vmem>>
      %dma_start3A_1060 = arith.constant 0 : i32
      %dma_start3A_1061 = tpu.memref_slice %arg4[%dma_start3A_1060, %multiple_of3A_1051] : memref<16x1000000xf32, #tpu.memory_space<hbm>> -> memref<16x128xf32, #tpu.memory_space<hbm>>
      tpu.enqueue_dma source(%dma_start3A_1061 : memref<16x128xf32, #tpu.memory_space<hbm>>) target(%dma_start3A_1059 : memref<16x128xf32, #tpu.memory_space<vmem>>) target_semaphore(%arg14 : memref<!tpu.dma_semaphore, #tpu.memory_space<semaphore_mem>>)
      %shift_right_logical3A_1062 = arith.constant 7 : i32
      %shift_right_logical3A_1063 = arith.shrui %squeeze3A_1046, %shift_right_logical3A_1062 : i32
      %shift_left3A_1064 = arith.constant 7 : i32
      %shift_left3A_1065 = arith.shli %shift_right_logical3A_1063, %shift_left3A_1064 : i32
      %multiple_of3A_1066 = tpu.assume_multiple %shift_left3A_1065, 128 : i32
      %dma_start3A_1067 = arith.constant 0 : i32
      %dma_start3A_1068 = arith.constant 512 : i32
      %dma_start3A_1069 = tpu.memref_slice %arg11[%dma_start3A_1067, %dma_start3A_1068] : memref<16x2048xf32, #tpu.memory_space<vmem>> -> memref<16x128xf32, #tpu.memory_space<vmem>>
      %dma_start3A_1070 = arith.constant 0 : i32
      %dma_start3A_1071 = tpu.memref_slice %arg5[%dma_start3A_1070, %multiple_of3A_1066] : memref<16x1000000xf32, #tpu.memory_space<hbm>> -> memref<16x128xf32, #tpu.memory_space<hbm>>
      %dma_start3A_1072 = arith.constant 0 : i32
      %dma_start3A_1073 = arith.constant 512 : i32
      %dma_start3A_1074 = tpu.memref_slice %arg11[%dma_start3A_1072, %dma_start3A_1073] : memref<16x2048xf32, #tpu.memory_space<vmem>> -> memref<16x128xf32, #tpu.memory_space<vmem>>
      %dma_start3A_1075 = arith.constant 0 : i32
      %dma_start3A_1076 = tpu.memref_slice %arg5[%dma_start3A_1075, %multiple_of3A_1066] : memref<16x1000000xf32, #tpu.memory_space<hbm>> -> memref<16x128xf32, #tpu.memory_space<hbm>>
      tpu.enqueue_dma source(%dma_start3A_1076 : memref<16x128xf32, #tpu.memory_space<hbm>>) target(%dma_start3A_1074 : memref<16x128xf32, #tpu.memory_space<vmem>>) target_semaphore(%arg15 : memref<!tpu.dma_semaphore, #tpu.memory_space<semaphore_mem>>)
      %slice3A_1077 = vector.extract_strided_slice %get3A_614 {offsets = [5], sizes = [1], strides = [1]} : vector<16xi32> to vector<1xi32>
      %squeeze3A_1078 = vector.extract %slice3A_1077[0] : i32 from vector<1xi32>
      %slice3A_1079 = vector.extract_strided_slice %get3A_618 {offsets = [5], sizes = [1], strides = [1]} : vector<16xi32> to vector<1xi32>
      %squeeze3A_1080 = vector.extract %slice3A_1079[0] : i32 from vector<1xi32>
      %shift_right_logical3A_1081 = arith.constant 7 : i32
      %shift_right_logical3A_1082 = arith.shrui %squeeze3A_1078, %shift_right_logical3A_1081 : i32
      %shift_left3A_1083 = arith.constant 7 : i32
      %shift_left3A_1084 = arith.shli %shift_right_logical3A_1082, %shift_left3A_1083 : i32
      %multiple_of3A_1085 = tpu.assume_multiple %shift_left3A_1084, 128 : i32
      %dma_start3A_1086 = arith.constant 0 : i32
      %dma_start3A_1087 = arith.constant 640 : i32
      %dma_start3A_1088 = tpu.memref_slice %arg10[%dma_start3A_1086, %dma_start3A_1087] : memref<16x2048xf32, #tpu.memory_space<vmem>> -> memref<16x128xf32, #tpu.memory_space<vmem>>
      %dma_start3A_1089 = arith.constant 0 : i32
      %dma_start3A_1090 = tpu.memref_slice %arg4[%dma_start3A_1089, %multiple_of3A_1085] : memref<16x1000000xf32, #tpu.memory_space<hbm>> -> memref<16x128xf32, #tpu.memory_space<hbm>>
      %dma_start3A_1091 = arith.constant 0 : i32
      %dma_start3A_1092 = arith.constant 640 : i32
      %dma_start3A_1093 = tpu.memref_slice %arg10[%dma_start3A_1091, %dma_start3A_1092] : memref<16x2048xf32, #tpu.memory_space<vmem>> -> memref<16x128xf32, #tpu.memory_space<vmem>>
      %dma_start3A_1094 = arith.constant 0 : i32
      %dma_start3A_1095 = tpu.memref_slice %arg4[%dma_start3A_1094, %multiple_of3A_1085] : memref<16x1000000xf32, #tpu.memory_space<hbm>> -> memref<16x128xf32, #tpu.memory_space<hbm>>
      tpu.enqueue_dma source(%dma_start3A_1095 : memref<16x128xf32, #tpu.memory_space<hbm>>) target(%dma_start3A_1093 : memref<16x128xf32, #tpu.memory_space<vmem>>) target_semaphore(%arg14 : memref<!tpu.dma_semaphore, #tpu.memory_space<semaphore_mem>>)
      %shift_right_logical3A_1096 = arith.constant 7 : i32
      %shift_right_logical3A_1097 = arith.shrui %squeeze3A_1080, %shift_right_logical3A_1096 : i32
      %shift_left3A_1098 = arith.constant 7 : i32
      %shift_left3A_1099 = arith.shli %shift_right_logical3A_1097, %shift_left3A_1098 : i32
      %multiple_of3A_1100 = tpu.assume_multiple %shift_left3A_1099, 128 : i32
      %dma_start3A_1101 = arith.constant 0 : i32
      %dma_start3A_1102 = arith.constant 640 : i32
      %dma_start3A_1103 = tpu.memref_slice %arg11[%dma_start3A_1101, %dma_start3A_1102] : memref<16x2048xf32, #tpu.memory_space<vmem>> -> memref<16x128xf32, #tpu.memory_space<vmem>>
      %dma_start3A_1104 = arith.constant 0 : i32
      %dma_start3A_1105 = tpu.memref_slice %arg5[%dma_start3A_1104, %multiple_of3A_1100] : memref<16x1000000xf32, #tpu.memory_space<hbm>> -> memref<16x128xf32, #tpu.memory_space<hbm>>
      %dma_start3A_1106 = arith.constant 0 : i32
      %dma_start3A_1107 = arith.constant 640 : i32
      %dma_start3A_1108 = tpu.memref_slice %arg11[%dma_start3A_1106, %dma_start3A_1107] : memref<16x2048xf32, #tpu.memory_space<vmem>> -> memref<16x128xf32, #tpu.memory_space<vmem>>
      %dma_start3A_1109 = arith.constant 0 : i32
      %dma_start3A_1110 = tpu.memref_slice %arg5[%dma_start3A_1109, %multiple_of3A_1100] : memref<16x1000000xf32, #tpu.memory_space<hbm>> -> memref<16x128xf32, #tpu.memory_space<hbm>>
      tpu.enqueue_dma source(%dma_start3A_1110 : memref<16x128xf32, #tpu.memory_space<hbm>>) target(%dma_start3A_1108 : memref<16x128xf32, #tpu.memory_space<vmem>>) target_semaphore(%arg15 : memref<!tpu.dma_semaphore, #tpu.memory_space<semaphore_mem>>)
      %slice3A_1111 = vector.extract_strided_slice %get3A_614 {offsets = [6], sizes = [1], strides = [1]} : vector<16xi32> to vector<1xi32>
      %squeeze3A_1112 = vector.extract %slice3A_1111[0] : i32 from vector<1xi32>
      %slice3A_1113 = vector.extract_strided_slice %get3A_618 {offsets = [6], sizes = [1], strides = [1]} : vector<16xi32> to vector<1xi32>
      %squeeze3A_1114 = vector.extract %slice3A_1113[0] : i32 from vector<1xi32>
      %shift_right_logical3A_1115 = arith.constant 7 : i32
      %shift_right_logical3A_1116 = arith.shrui %squeeze3A_1112, %shift_right_logical3A_1115 : i32
      %shift_left3A_1117 = arith.constant 7 : i32
      %shift_left3A_1118 = arith.shli %shift_right_logical3A_1116, %shift_left3A_1117 : i32
      %multiple_of3A_1119 = tpu.assume_multiple %shift_left3A_1118, 128 : i32
      %dma_start3A_1120 = arith.constant 0 : i32
      %dma_start3A_1121 = arith.constant 768 : i32
      %dma_start3A_1122 = tpu.memref_slice %arg10[%dma_start3A_1120, %dma_start3A_1121] : memref<16x2048xf32, #tpu.memory_space<vmem>> -> memref<16x128xf32, #tpu.memory_space<vmem>>
      %dma_start3A_1123 = arith.constant 0 : i32
      %dma_start3A_1124 = tpu.memref_slice %arg4[%dma_start3A_1123, %multiple_of3A_1119] : memref<16x1000000xf32, #tpu.memory_space<hbm>> -> memref<16x128xf32, #tpu.memory_space<hbm>>
      %dma_start3A_1125 = arith.constant 0 : i32
      %dma_start3A_1126 = arith.constant 768 : i32
      %dma_start3A_1127 = tpu.memref_slice %arg10[%dma_start3A_1125, %dma_start3A_1126] : memref<16x2048xf32, #tpu.memory_space<vmem>> -> memref<16x128xf32, #tpu.memory_space<vmem>>
      %dma_start3A_1128 = arith.constant 0 : i32
      %dma_start3A_1129 = tpu.memref_slice %arg4[%dma_start3A_1128, %multiple_of3A_1119] : memref<16x1000000xf32, #tpu.memory_space<hbm>> -> memref<16x128xf32, #tpu.memory_space<hbm>>
      tpu.enqueue_dma source(%dma_start3A_1129 : memref<16x128xf32, #tpu.memory_space<hbm>>) target(%dma_start3A_1127 : memref<16x128xf32, #tpu.memory_space<vmem>>) target_semaphore(%arg14 : memref<!tpu.dma_semaphore, #tpu.memory_space<semaphore_mem>>)
      %shift_right_logical3A_1130 = arith.constant 7 : i32
      %shift_right_logical3A_1131 = arith.shrui %squeeze3A_1114, %shift_right_logical3A_1130 : i32
      %shift_left3A_1132 = arith.constant 7 : i32
      %shift_left3A_1133 = arith.shli %shift_right_logical3A_1131, %shift_left3A_1132 : i32
      %multiple_of3A_1134 = tpu.assume_multiple %shift_left3A_1133, 128 : i32
      %dma_start3A_1135 = arith.constant 0 : i32
      %dma_start3A_1136 = arith.constant 768 : i32
      %dma_start3A_1137 = tpu.memref_slice %arg11[%dma_start3A_1135, %dma_start3A_1136] : memref<16x2048xf32, #tpu.memory_space<vmem>> -> memref<16x128xf32, #tpu.memory_space<vmem>>
      %dma_start3A_1138 = arith.constant 0 : i32
      %dma_start3A_1139 = tpu.memref_slice %arg5[%dma_start3A_1138, %multiple_of3A_1134] : memref<16x1000000xf32, #tpu.memory_space<hbm>> -> memref<16x128xf32, #tpu.memory_space<hbm>>
      %dma_start3A_1140 = arith.constant 0 : i32
      %dma_start3A_1141 = arith.constant 768 : i32
      %dma_start3A_1142 = tpu.memref_slice %arg11[%dma_start3A_1140, %dma_start3A_1141] : memref<16x2048xf32, #tpu.memory_space<vmem>> -> memref<16x128xf32, #tpu.memory_space<vmem>>
      %dma_start3A_1143 = arith.constant 0 : i32
      %dma_start3A_1144 = tpu.memref_slice %arg5[%dma_start3A_1143, %multiple_of3A_1134] : memref<16x1000000xf32, #tpu.memory_space<hbm>> -> memref<16x128xf32, #tpu.memory_space<hbm>>
      tpu.enqueue_dma source(%dma_start3A_1144 : memref<16x128xf32, #tpu.memory_space<hbm>>) target(%dma_start3A_1142 : memref<16x128xf32, #tpu.memory_space<vmem>>) target_semaphore(%arg15 : memref<!tpu.dma_semaphore, #tpu.memory_space<semaphore_mem>>)
      %slice3A_1145 = vector.extract_strided_slice %get3A_614 {offsets = [7], sizes = [1], strides = [1]} : vector<16xi32> to vector<1xi32>
      %squeeze3A_1146 = vector.extract %slice3A_1145[0] : i32 from vector<1xi32>
      %slice3A_1147 = vector.extract_strided_slice %get3A_618 {offsets = [7], sizes = [1], strides = [1]} : vector<16xi32> to vector<1xi32>
      %squeeze3A_1148 = vector.extract %slice3A_1147[0] : i32 from vector<1xi32>
      %shift_right_logical3A_1149 = arith.constant 7 : i32
      %shift_right_logical3A_1150 = arith.shrui %squeeze3A_1146, %shift_right_logical3A_1149 : i32
      %shift_left3A_1151 = arith.constant 7 : i32
      %shift_left3A_1152 = arith.shli %shift_right_logical3A_1150, %shift_left3A_1151 : i32
      %multiple_of3A_1153 = tpu.assume_multiple %shift_left3A_1152, 128 : i32
      %dma_start3A_1154 = arith.constant 0 : i32
      %dma_start3A_1155 = arith.constant 896 : i32
      %dma_start3A_1156 = tpu.memref_slice %arg10[%dma_start3A_1154, %dma_start3A_1155] : memref<16x2048xf32, #tpu.memory_space<vmem>> -> memref<16x128xf32, #tpu.memory_space<vmem>>
      %dma_start3A_1157 = arith.constant 0 : i32
      %dma_start3A_1158 = tpu.memref_slice %arg4[%dma_start3A_1157, %multiple_of3A_1153] : memref<16x1000000xf32, #tpu.memory_space<hbm>> -> memref<16x128xf32, #tpu.memory_space<hbm>>
      %dma_start3A_1159 = arith.constant 0 : i32
      %dma_start3A_1160 = arith.constant 896 : i32
      %dma_start3A_1161 = tpu.memref_slice %arg10[%dma_start3A_1159, %dma_start3A_1160] : memref<16x2048xf32, #tpu.memory_space<vmem>> -> memref<16x128xf32, #tpu.memory_space<vmem>>
      %dma_start3A_1162 = arith.constant 0 : i32
      %dma_start3A_1163 = tpu.memref_slice %arg4[%dma_start3A_1162, %multiple_of3A_1153] : memref<16x1000000xf32, #tpu.memory_space<hbm>> -> memref<16x128xf32, #tpu.memory_space<hbm>>
      tpu.enqueue_dma source(%dma_start3A_1163 : memref<16x128xf32, #tpu.memory_space<hbm>>) target(%dma_start3A_1161 : memref<16x128xf32, #tpu.memory_space<vmem>>) target_semaphore(%arg14 : memref<!tpu.dma_semaphore, #tpu.memory_space<semaphore_mem>>)
      %shift_right_logical3A_1164 = arith.constant 7 : i32
      %shift_right_logical3A_1165 = arith.shrui %squeeze3A_1148, %shift_right_logical3A_1164 : i32
      %shift_left3A_1166 = arith.constant 7 : i32
      %shift_left3A_1167 = arith.shli %shift_right_logical3A_1165, %shift_left3A_1166 : i32
      %multiple_of3A_1168 = tpu.assume_multiple %shift_left3A_1167, 128 : i32
      %dma_start3A_1169 = arith.constant 0 : i32
      %dma_start3A_1170 = arith.constant 896 : i32
      %dma_start3A_1171 = tpu.memref_slice %arg11[%dma_start3A_1169, %dma_start3A_1170] : memref<16x2048xf32, #tpu.memory_space<vmem>> -> memref<16x128xf32, #tpu.memory_space<vmem>>
      %dma_start3A_1172 = arith.constant 0 : i32
      %dma_start3A_1173 = tpu.memref_slice %arg5[%dma_start3A_1172, %multiple_of3A_1168] : memref<16x1000000xf32, #tpu.memory_space<hbm>> -> memref<16x128xf32, #tpu.memory_space<hbm>>
      %dma_start3A_1174 = arith.constant 0 : i32
      %dma_start3A_1175 = arith.constant 896 : i32
      %dma_start3A_1176 = tpu.memref_slice %arg11[%dma_start3A_1174, %dma_start3A_1175] : memref<16x2048xf32, #tpu.memory_space<vmem>> -> memref<16x128xf32, #tpu.memory_space<vmem>>
      %dma_start3A_1177 = arith.constant 0 : i32
      %dma_start3A_1178 = tpu.memref_slice %arg5[%dma_start3A_1177, %multiple_of3A_1168] : memref<16x1000000xf32, #tpu.memory_space<hbm>> -> memref<16x128xf32, #tpu.memory_space<hbm>>
      tpu.enqueue_dma source(%dma_start3A_1178 : memref<16x128xf32, #tpu.memory_space<hbm>>) target(%dma_start3A_1176 : memref<16x128xf32, #tpu.memory_space<vmem>>) target_semaphore(%arg15 : memref<!tpu.dma_semaphore, #tpu.memory_space<semaphore_mem>>)
      %dma_wait3A_1179 = arith.constant 0 : i32
      %dma_wait3A_1180 = arith.constant 1024 : i32
      %dma_wait3A_1181 = tpu.memref_slice %arg10[%dma_wait3A_1179, %dma_wait3A_1180] : memref<16x2048xf32, #tpu.memory_space<vmem>> -> memref<16x1024xf32, #tpu.memory_space<vmem>>
      %dma_wait3A_1182 = arith.constant 0 : i32
      %dma_wait3A_1183 = arith.constant 0 : i32
      %dma_wait3A_1184 = tpu.memref_slice %arg4[%dma_wait3A_1182, %dma_wait3A_1183] : memref<16x1000000xf32, #tpu.memory_space<hbm>> -> memref<16x1024xf32, #tpu.memory_space<hbm>>
      %dma_wait3A_1185 = arith.constant 0 : i32
      %dma_wait3A_1186 = arith.constant 1024 : i32
      %dma_wait3A_1187 = tpu.memref_slice %arg10[%dma_wait3A_1185, %dma_wait3A_1186] : memref<16x2048xf32, #tpu.memory_space<vmem>> -> memref<16x1024xf32, #tpu.memory_space<vmem>>
      %dma_wait3A_1188 = arith.constant 0 : i32
      %dma_wait3A_1189 = arith.constant 0 : i32
      %dma_wait3A_1190 = tpu.memref_slice %arg4[%dma_wait3A_1188, %dma_wait3A_1189] : memref<16x1000000xf32, #tpu.memory_space<hbm>> -> memref<16x1024xf32, #tpu.memory_space<hbm>>
      tpu.wait_dma2 semaphore(%arg16 : memref<!tpu.dma_semaphore, #tpu.memory_space<semaphore_mem>>) src(%dma_wait3A_1190 : memref<16x1024xf32, #tpu.memory_space<hbm>>) dst(%dma_wait3A_1187 : memref<16x1024xf32, #tpu.memory_space<vmem>>)
      %dma_wait3A_1191 = arith.constant 0 : i32
      %dma_wait3A_1192 = arith.constant 1024 : i32
      %dma_wait3A_1193 = tpu.memref_slice %arg11[%dma_wait3A_1191, %dma_wait3A_1192] : memref<16x2048xf32, #tpu.memory_space<vmem>> -> memref<16x1024xf32, #tpu.memory_space<vmem>>
      %dma_wait3A_1194 = arith.constant 0 : i32
      %dma_wait3A_1195 = arith.constant 0 : i32
      %dma_wait3A_1196 = tpu.memref_slice %arg5[%dma_wait3A_1194, %dma_wait3A_1195] : memref<16x1000000xf32, #tpu.memory_space<hbm>> -> memref<16x1024xf32, #tpu.memory_space<hbm>>
      %dma_wait3A_1197 = arith.constant 0 : i32
      %dma_wait3A_1198 = arith.constant 1024 : i32
      %dma_wait3A_1199 = tpu.memref_slice %arg11[%dma_wait3A_1197, %dma_wait3A_1198] : memref<16x2048xf32, #tpu.memory_space<vmem>> -> memref<16x1024xf32, #tpu.memory_space<vmem>>
      %dma_wait3A_1200 = arith.constant 0 : i32
      %dma_wait3A_1201 = arith.constant 0 : i32
      %dma_wait3A_1202 = tpu.memref_slice %arg5[%dma_wait3A_1200, %dma_wait3A_1201] : memref<16x1000000xf32, #tpu.memory_space<hbm>> -> memref<16x1024xf32, #tpu.memory_space<hbm>>
      tpu.wait_dma2 semaphore(%arg17 : memref<!tpu.dma_semaphore, #tpu.memory_space<semaphore_mem>>) src(%dma_wait3A_1202 : memref<16x1024xf32, #tpu.memory_space<hbm>>) dst(%dma_wait3A_1199 : memref<16x1024xf32, #tpu.memory_space<vmem>>)
      %mul3A_1203 = arith.constant 2 : i32
      %mul3A_1204 = arith.muli %mul3A_1203, %scan3A_598 : i32
      %add3A_1205 = arith.constant 1 : i32
      %add3A_1206 = arith.addi %mul3A_1204, %add3A_1205 : i32
      %slice3A_1207 = vector.extract_strided_slice %get3A_603 {offsets = [8], sizes = [1], strides = [1]} : vector<16xi32> to vector<1xi32>
      %squeeze3A_1208 = vector.extract %slice3A_1207[0] : i32 from vector<1xi32>
      %slice3A_1209 = vector.extract_strided_slice %get3A_607 {offsets = [8], sizes = [1], strides = [1]} : vector<16xi32> to vector<1xi32>
      %squeeze3A_1210 = vector.extract %slice3A_1209[0] : i32 from vector<1xi32>
      %mul3A_1211 = arith.constant 0 : i32
      %mul3A_1212 = vector.broadcast %mul3A_1211 : i32 to vector<16xi32>
      %mul3A_1213 = arith.muli %iota3A, %mul3A_1212 : vector<16xi32>
      %and3A_1214 = arith.constant 127 : i32
      %and3A_1215 = arith.andi %squeeze3A_1208, %and3A_1214 : i32
      %add3A_1216 = arith.constant 1024 : i32
      %add3A_1217 = arith.addi %add3A_1216, %and3A_1215 : i32
      %add3A_1218 = vector.broadcast %add3A_1217 : i32 to vector<16xi32>
      %add3A_1219 = arith.addi %mul3A_1213, %add3A_1218 : vector<16xi32>
      %mul3A_1220 = arith.constant 0 : i32
      %mul3A_1221 = vector.broadcast %mul3A_1220 : i32 to vector<16xi32>
      %mul3A_1222 = arith.muli %iota3A, %mul3A_1221 : vector<16xi32>
      %and3A_1223 = arith.constant 127 : i32
      %and3A_1224 = arith.andi %squeeze3A_1210, %and3A_1223 : i32
      %add3A_1225 = arith.constant 1024 : i32
      %add3A_1226 = arith.addi %add3A_1225, %and3A_1224 : i32
      %add3A_1227 = vector.broadcast %add3A_1226 : i32 to vector<16xi32>
      %add3A_1228 = arith.addi %mul3A_1222, %add3A_1227 : vector<16xi32>
      %mul3A_1229 = arith.constant 0 : i32
      %mul3A_1230 = vector.broadcast %mul3A_1229 : i32 to vector<16xi32>
      %mul3A_1231 = arith.muli %iota3A, %mul3A_1230 : vector<16xi32>
      %mul3A_1232 = arith.constant 8 : i32
      %mul3A_1233 = arith.muli %add3A_1206, %mul3A_1232 : i32
      %add3A_1234 = arith.constant 0 : i32
      %add3A_1235 = arith.addi %mul3A_1233, %add3A_1234 : i32
      %add3A_1236 = vector.broadcast %add3A_1235 : i32 to vector<16xi32>
      %add3A_1237 = arith.addi %mul3A_1231, %add3A_1236 : vector<16xi32>
      %gather3A_1238 = tpu.vector_load_idx %arg10[%iota3A, %add3A_1219] : memref<16x2048xf32, #tpu.memory_space<vmem>>[vector<16xi32>, vector<16xi32>], vector<16xf32>,
      tpu.vector_store_idx %arg12[%iota3A, %add3A_1237], %gather3A_1238 : memref<16x512xf32, #tpu.memory_space<vmem>>[vector<16xi32>, vector<16xi32>], vector<16xf32>,
      %gather3A_1239 = tpu.vector_load_idx %arg11[%iota3A, %add3A_1228] : memref<16x2048xf32, #tpu.memory_space<vmem>>[vector<16xi32>, vector<16xi32>], vector<16xf32>,
      tpu.vector_store_idx %arg13[%iota3A, %add3A_1237], %gather3A_1239 : memref<16x512xf32, #tpu.memory_space<vmem>>[vector<16xi32>, vector<16xi32>], vector<16xf32>,
      %slice3A_1240 = vector.extract_strided_slice %get3A_603 {offsets = [9], sizes = [1], strides = [1]} : vector<16xi32> to vector<1xi32>
      %squeeze3A_1241 = vector.extract %slice3A_1240[0] : i32 from vector<1xi32>
      %slice3A_1242 = vector.extract_strided_slice %get3A_607 {offsets = [9], sizes = [1], strides = [1]} : vector<16xi32> to vector<1xi32>
      %squeeze3A_1243 = vector.extract %slice3A_1242[0] : i32 from vector<1xi32>
      %mul3A_1244 = arith.constant 0 : i32
      %mul3A_1245 = vector.broadcast %mul3A_1244 : i32 to vector<16xi32>
      %mul3A_1246 = arith.muli %iota3A, %mul3A_1245 : vector<16xi32>
      %and3A_1247 = arith.constant 127 : i32
      %and3A_1248 = arith.andi %squeeze3A_1241, %and3A_1247 : i32
      %add3A_1249 = arith.constant 1152 : i32
      %add3A_1250 = arith.addi %add3A_1249, %and3A_1248 : i32
      %add3A_1251 = vector.broadcast %add3A_1250 : i32 to vector<16xi32>
      %add3A_1252 = arith.addi %mul3A_1246, %add3A_1251 : vector<16xi32>
      %mul3A_1253 = arith.constant 0 : i32
      %mul3A_1254 = vector.broadcast %mul3A_1253 : i32 to vector<16xi32>
      %mul3A_1255 = arith.muli %iota3A, %mul3A_1254 : vector<16xi32>
      %and3A_1256 = arith.constant 127 : i32
      %and3A_1257 = arith.andi %squeeze3A_1243, %and3A_1256 : i32
      %add3A_1258 = arith.constant 1152 : i32
      %add3A_1259 = arith.addi %add3A_1258, %and3A_1257 : i32
      %add3A_1260 = vector.broadcast %add3A_1259 : i32 to vector<16xi32>
      %add3A_1261 = arith.addi %mul3A_1255, %add3A_1260 : vector<16xi32>
      %mul3A_1262 = arith.constant 0 : i32
      %mul3A_1263 = vector.broadcast %mul3A_1262 : i32 to vector<16xi32>
      %mul3A_1264 = arith.muli %iota3A, %mul3A_1263 : vector<16xi32>
      %mul3A_1265 = arith.constant 8 : i32
      %mul3A_1266 = arith.muli %add3A_1206, %mul3A_1265 : i32
      %add3A_1267 = arith.constant 1 : i32
      %add3A_1268 = arith.addi %mul3A_1266, %add3A_1267 : i32
      %add3A_1269 = vector.broadcast %add3A_1268 : i32 to vector<16xi32>
      %add3A_1270 = arith.addi %mul3A_1264, %add3A_1269 : vector<16xi32>
      %gather3A_1271 = tpu.vector_load_idx %arg10[%iota3A, %add3A_1252] : memref<16x2048xf32, #tpu.memory_space<vmem>>[vector<16xi32>, vector<16xi32>], vector<16xf32>,
      tpu.vector_store_idx %arg12[%iota3A, %add3A_1270], %gather3A_1271 : memref<16x512xf32, #tpu.memory_space<vmem>>[vector<16xi32>, vector<16xi32>], vector<16xf32>,
      %gather3A_1272 = tpu.vector_load_idx %arg11[%iota3A, %add3A_1261] : memref<16x2048xf32, #tpu.memory_space<vmem>>[vector<16xi32>, vector<16xi32>], vector<16xf32>,
      tpu.vector_store_idx %arg13[%iota3A, %add3A_1270], %gather3A_1272 : memref<16x512xf32, #tpu.memory_space<vmem>>[vector<16xi32>, vector<16xi32>], vector<16xf32>,
      %slice3A_1273 = vector.extract_strided_slice %get3A_603 {offsets = [10], sizes = [1], strides = [1]} : vector<16xi32> to vector<1xi32>
      %squeeze3A_1274 = vector.extract %slice3A_1273[0] : i32 from vector<1xi32>
      %slice3A_1275 = vector.extract_strided_slice %get3A_607 {offsets = [10], sizes = [1], strides = [1]} : vector<16xi32> to vector<1xi32>
      %squeeze3A_1276 = vector.extract %slice3A_1275[0] : i32 from vector<1xi32>
      %mul3A_1277 = arith.constant 0 : i32
      %mul3A_1278 = vector.broadcast %mul3A_1277 : i32 to vector<16xi32>
      %mul3A_1279 = arith.muli %iota3A, %mul3A_1278 : vector<16xi32>
      %and3A_1280 = arith.constant 127 : i32
      %and3A_1281 = arith.andi %squeeze3A_1274, %and3A_1280 : i32
      %add3A_1282 = arith.constant 1280 : i32
      %add3A_1283 = arith.addi %add3A_1282, %and3A_1281 : i32
      %add3A_1284 = vector.broadcast %add3A_1283 : i32 to vector<16xi32>
      %add3A_1285 = arith.addi %mul3A_1279, %add3A_1284 : vector<16xi32>
      %mul3A_1286 = arith.constant 0 : i32
      %mul3A_1287 = vector.broadcast %mul3A_1286 : i32 to vector<16xi32>
      %mul3A_1288 = arith.muli %iota3A, %mul3A_1287 : vector<16xi32>
      %and3A_1289 = arith.constant 127 : i32
      %and3A_1290 = arith.andi %squeeze3A_1276, %and3A_1289 : i32
      %add3A_1291 = arith.constant 1280 : i32
      %add3A_1292 = arith.addi %add3A_1291, %and3A_1290 : i32
      %add3A_1293 = vector.broadcast %add3A_1292 : i32 to vector<16xi32>
      %add3A_1294 = arith.addi %mul3A_1288, %add3A_1293 : vector<16xi32>
      %mul3A_1295 = arith.constant 0 : i32
      %mul3A_1296 = vector.broadcast %mul3A_1295 : i32 to vector<16xi32>
      %mul3A_1297 = arith.muli %iota3A, %mul3A_1296 : vector<16xi32>
      %mul3A_1298 = arith.constant 8 : i32
      %mul3A_1299 = arith.muli %add3A_1206, %mul3A_1298 : i32
      %add3A_1300 = arith.constant 2 : i32
      %add3A_1301 = arith.addi %mul3A_1299, %add3A_1300 : i32
      %add3A_1302 = vector.broadcast %add3A_1301 : i32 to vector<16xi32>
      %add3A_1303 = arith.addi %mul3A_1297, %add3A_1302 : vector<16xi32>
      %gather3A_1304 = tpu.vector_load_idx %arg10[%iota3A, %add3A_1285] : memref<16x2048xf32, #tpu.memory_space<vmem>>[vector<16xi32>, vector<16xi32>], vector<16xf32>,
      tpu.vector_store_idx %arg12[%iota3A, %add3A_1303], %gather3A_1304 : memref<16x512xf32, #tpu.memory_space<vmem>>[vector<16xi32>, vector<16xi32>], vector<16xf32>,
      %gather3A_1305 = tpu.vector_load_idx %arg11[%iota3A, %add3A_1294] : memref<16x2048xf32, #tpu.memory_space<vmem>>[vector<16xi32>, vector<16xi32>], vector<16xf32>,
      tpu.vector_store_idx %arg13[%iota3A, %add3A_1303], %gather3A_1305 : memref<16x512xf32, #tpu.memory_space<vmem>>[vector<16xi32>, vector<16xi32>], vector<16xf32>,
      %slice3A_1306 = vector.extract_strided_slice %get3A_603 {offsets = [11], sizes = [1], strides = [1]} : vector<16xi32> to vector<1xi32>
      %squeeze3A_1307 = vector.extract %slice3A_1306[0] : i32 from vector<1xi32>
      %slice3A_1308 = vector.extract_strided_slice %get3A_607 {offsets = [11], sizes = [1], strides = [1]} : vector<16xi32> to vector<1xi32>
      %squeeze3A_1309 = vector.extract %slice3A_1308[0] : i32 from vector<1xi32>
      %mul3A_1310 = arith.constant 0 : i32
      %mul3A_1311 = vector.broadcast %mul3A_1310 : i32 to vector<16xi32>
      %mul3A_1312 = arith.muli %iota3A, %mul3A_1311 : vector<16xi32>
      %and3A_1313 = arith.constant 127 : i32
      %and3A_1314 = arith.andi %squeeze3A_1307, %and3A_1313 : i32
      %add3A_1315 = arith.constant 1408 : i32
      %add3A_1316 = arith.addi %add3A_1315, %and3A_1314 : i32
      %add3A_1317 = vector.broadcast %add3A_1316 : i32 to vector<16xi32>
      %add3A_1318 = arith.addi %mul3A_1312, %add3A_1317 : vector<16xi32>
      %mul3A_1319 = arith.constant 0 : i32
      %mul3A_1320 = vector.broadcast %mul3A_1319 : i32 to vector<16xi32>
      %mul3A_1321 = arith.muli %iota3A, %mul3A_1320 : vector<16xi32>
      %and3A_1322 = arith.constant 127 : i32
      %and3A_1323 = arith.andi %squeeze3A_1309, %and3A_1322 : i32
      %add3A_1324 = arith.constant 1408 : i32
      %add3A_1325 = arith.addi %add3A_1324, %and3A_1323 : i32
      %add3A_1326 = vector.broadcast %add3A_1325 : i32 to vector<16xi32>
      %add3A_1327 = arith.addi %mul3A_1321, %add3A_1326 : vector<16xi32>
      %mul3A_1328 = arith.constant 0 : i32
      %mul3A_1329 = vector.broadcast %mul3A_1328 : i32 to vector<16xi32>
      %mul3A_1330 = arith.muli %iota3A, %mul3A_1329 : vector<16xi32>
      %mul3A_1331 = arith.constant 8 : i32
      %mul3A_1332 = arith.muli %add3A_1206, %mul3A_1331 : i32
      %add3A_1333 = arith.constant 3 : i32
      %add3A_1334 = arith.addi %mul3A_1332, %add3A_1333 : i32
      %add3A_1335 = vector.broadcast %add3A_1334 : i32 to vector<16xi32>
      %add3A_1336 = arith.addi %mul3A_1330, %add3A_1335 : vector<16xi32>
      %gather3A_1337 = tpu.vector_load_idx %arg10[%iota3A, %add3A_1318] : memref<16x2048xf32, #tpu.memory_space<vmem>>[vector<16xi32>, vector<16xi32>], vector<16xf32>,
      tpu.vector_store_idx %arg12[%iota3A, %add3A_1336], %gather3A_1337 : memref<16x512xf32, #tpu.memory_space<vmem>>[vector<16xi32>, vector<16xi32>], vector<16xf32>,
      %gather3A_1338 = tpu.vector_load_idx %arg11[%iota3A, %add3A_1327] : memref<16x2048xf32, #tpu.memory_space<vmem>>[vector<16xi32>, vector<16xi32>], vector<16xf32>,
      tpu.vector_store_idx %arg13[%iota3A, %add3A_1336], %gather3A_1338 : memref<16x512xf32, #tpu.memory_space<vmem>>[vector<16xi32>, vector<16xi32>], vector<16xf32>,
      %slice3A_1339 = vector.extract_strided_slice %get3A_603 {offsets = [12], sizes = [1], strides = [1]} : vector<16xi32> to vector<1xi32>
      %squeeze3A_1340 = vector.extract %slice3A_1339[0] : i32 from vector<1xi32>
      %slice3A_1341 = vector.extract_strided_slice %get3A_607 {offsets = [12], sizes = [1], strides = [1]} : vector<16xi32> to vector<1xi32>
      %squeeze3A_1342 = vector.extract %slice3A_1341[0] : i32 from vector<1xi32>
      %mul3A_1343 = arith.constant 0 : i32
      %mul3A_1344 = vector.broadcast %mul3A_1343 : i32 to vector<16xi32>
      %mul3A_1345 = arith.muli %iota3A, %mul3A_1344 : vector<16xi32>
      %and3A_1346 = arith.constant 127 : i32
      %and3A_1347 = arith.andi %squeeze3A_1340, %and3A_1346 : i32
      %add3A_1348 = arith.constant 1536 : i32
      %add3A_1349 = arith.addi %add3A_1348, %and3A_1347 : i32
      %add3A_1350 = vector.broadcast %add3A_1349 : i32 to vector<16xi32>
      %add3A_1351 = arith.addi %mul3A_1345, %add3A_1350 : vector<16xi32>
      %mul3A_1352 = arith.constant 0 : i32
      %mul3A_1353 = vector.broadcast %mul3A_1352 : i32 to vector<16xi32>
      %mul3A_1354 = arith.muli %iota3A, %mul3A_1353 : vector<16xi32>
      %and3A_1355 = arith.constant 127 : i32
      %and3A_1356 = arith.andi %squeeze3A_1342, %and3A_1355 : i32
      %add3A_1357 = arith.constant 1536 : i32
      %add3A_1358 = arith.addi %add3A_1357, %and3A_1356 : i32
      %add3A_1359 = vector.broadcast %add3A_1358 : i32 to vector<16xi32>
      %add3A_1360 = arith.addi %mul3A_1354, %add3A_1359 : vector<16xi32>
      %mul3A_1361 = arith.constant 0 : i32
      %mul3A_1362 = vector.broadcast %mul3A_1361 : i32 to vector<16xi32>
      %mul3A_1363 = arith.muli %iota3A, %mul3A_1362 : vector<16xi32>
      %mul3A_1364 = arith.constant 8 : i32
      %mul3A_1365 = arith.muli %add3A_1206, %mul3A_1364 : i32
      %add3A_1366 = arith.constant 4 : i32
      %add3A_1367 = arith.addi %mul3A_1365, %add3A_1366 : i32
      %add3A_1368 = vector.broadcast %add3A_1367 : i32 to vector<16xi32>
      %add3A_1369 = arith.addi %mul3A_1363, %add3A_1368 : vector<16xi32>
      %gather3A_1370 = tpu.vector_load_idx %arg10[%iota3A, %add3A_1351] : memref<16x2048xf32, #tpu.memory_space<vmem>>[vector<16xi32>, vector<16xi32>], vector<16xf32>,
      tpu.vector_store_idx %arg12[%iota3A, %add3A_1369], %gather3A_1370 : memref<16x512xf32, #tpu.memory_space<vmem>>[vector<16xi32>, vector<16xi32>], vector<16xf32>,
      %gather3A_1371 = tpu.vector_load_idx %arg11[%iota3A, %add3A_1360] : memref<16x2048xf32, #tpu.memory_space<vmem>>[vector<16xi32>, vector<16xi32>], vector<16xf32>,
      tpu.vector_store_idx %arg13[%iota3A, %add3A_1369], %gather3A_1371 : memref<16x512xf32, #tpu.memory_space<vmem>>[vector<16xi32>, vector<16xi32>], vector<16xf32>,
      %slice3A_1372 = vector.extract_strided_slice %get3A_603 {offsets = [13], sizes = [1], strides = [1]} : vector<16xi32> to vector<1xi32>
      %squeeze3A_1373 = vector.extract %slice3A_1372[0] : i32 from vector<1xi32>
      %slice3A_1374 = vector.extract_strided_slice %get3A_607 {offsets = [13], sizes = [1], strides = [1]} : vector<16xi32> to vector<1xi32>
      %squeeze3A_1375 = vector.extract %slice3A_1374[0] : i32 from vector<1xi32>
      %mul3A_1376 = arith.constant 0 : i32
      %mul3A_1377 = vector.broadcast %mul3A_1376 : i32 to vector<16xi32>
      %mul3A_1378 = arith.muli %iota3A, %mul3A_1377 : vector<16xi32>
      %and3A_1379 = arith.constant 127 : i32
      %and3A_1380 = arith.andi %squeeze3A_1373, %and3A_1379 : i32
      %add3A_1381 = arith.constant 1664 : i32
      %add3A_1382 = arith.addi %add3A_1381, %and3A_1380 : i32
      %add3A_1383 = vector.broadcast %add3A_1382 : i32 to vector<16xi32>
      %add3A_1384 = arith.addi %mul3A_1378, %add3A_1383 : vector<16xi32>
      %mul3A_1385 = arith.constant 0 : i32
      %mul3A_1386 = vector.broadcast %mul3A_1385 : i32 to vector<16xi32>
      %mul3A_1387 = arith.muli %iota3A, %mul3A_1386 : vector<16xi32>
      %and3A_1388 = arith.constant 127 : i32
      %and3A_1389 = arith.andi %squeeze3A_1375, %and3A_1388 : i32
      %add3A_1390 = arith.constant 1664 : i32
      %add3A_1391 = arith.addi %add3A_1390, %and3A_1389 : i32
      %add3A_1392 = vector.broadcast %add3A_1391 : i32 to vector<16xi32>
      %add3A_1393 = arith.addi %mul3A_1387, %add3A_1392 : vector<16xi32>
      %mul3A_1394 = arith.constant 0 : i32
      %mul3A_1395 = vector.broadcast %mul3A_1394 : i32 to vector<16xi32>
      %mul3A_1396 = arith.muli %iota3A, %mul3A_1395 : vector<16xi32>
      %mul3A_1397 = arith.constant 8 : i32
      %mul3A_1398 = arith.muli %add3A_1206, %mul3A_1397 : i32
      %add3A_1399 = arith.constant 5 : i32
      %add3A_1400 = arith.addi %mul3A_1398, %add3A_1399 : i32
      %add3A_1401 = vector.broadcast %add3A_1400 : i32 to vector<16xi32>
      %add3A_1402 = arith.addi %mul3A_1396, %add3A_1401 : vector<16xi32>
      %gather3A_1403 = tpu.vector_load_idx %arg10[%iota3A, %add3A_1384] : memref<16x2048xf32, #tpu.memory_space<vmem>>[vector<16xi32>, vector<16xi32>], vector<16xf32>,
      tpu.vector_store_idx %arg12[%iota3A, %add3A_1402], %gather3A_1403 : memref<16x512xf32, #tpu.memory_space<vmem>>[vector<16xi32>, vector<16xi32>], vector<16xf32>,
      %gather3A_1404 = tpu.vector_load_idx %arg11[%iota3A, %add3A_1393] : memref<16x2048xf32, #tpu.memory_space<vmem>>[vector<16xi32>, vector<16xi32>], vector<16xf32>,
      tpu.vector_store_idx %arg13[%iota3A, %add3A_1402], %gather3A_1404 : memref<16x512xf32, #tpu.memory_space<vmem>>[vector<16xi32>, vector<16xi32>], vector<16xf32>,
      %slice3A_1405 = vector.extract_strided_slice %get3A_603 {offsets = [14], sizes = [1], strides = [1]} : vector<16xi32> to vector<1xi32>
      %squeeze3A_1406 = vector.extract %slice3A_1405[0] : i32 from vector<1xi32>
      %slice3A_1407 = vector.extract_strided_slice %get3A_607 {offsets = [14], sizes = [1], strides = [1]} : vector<16xi32> to vector<1xi32>
      %squeeze3A_1408 = vector.extract %slice3A_1407[0] : i32 from vector<1xi32>
      %mul3A_1409 = arith.constant 0 : i32
      %mul3A_1410 = vector.broadcast %mul3A_1409 : i32 to vector<16xi32>
      %mul3A_1411 = arith.muli %iota3A, %mul3A_1410 : vector<16xi32>
      %and3A_1412 = arith.constant 127 : i32
      %and3A_1413 = arith.andi %squeeze3A_1406, %and3A_1412 : i32
      %add3A_1414 = arith.constant 1792 : i32
      %add3A_1415 = arith.addi %add3A_1414, %and3A_1413 : i32
      %add3A_1416 = vector.broadcast %add3A_1415 : i32 to vector<16xi32>
      %add3A_1417 = arith.addi %mul3A_1411, %add3A_1416 : vector<16xi32>
      %mul3A_1418 = arith.constant 0 : i32
      %mul3A_1419 = vector.broadcast %mul3A_1418 : i32 to vector<16xi32>
      %mul3A_1420 = arith.muli %iota3A, %mul3A_1419 : vector<16xi32>
      %and3A_1421 = arith.constant 127 : i32
      %and3A_1422 = arith.andi %squeeze3A_1408, %and3A_1421 : i32
      %add3A_1423 = arith.constant 1792 : i32
      %add3A_1424 = arith.addi %add3A_1423, %and3A_1422 : i32
      %add3A_1425 = vector.broadcast %add3A_1424 : i32 to vector<16xi32>
      %add3A_1426 = arith.addi %mul3A_1420, %add3A_1425 : vector<16xi32>
      %mul3A_1427 = arith.constant 0 : i32
      %mul3A_1428 = vector.broadcast %mul3A_1427 : i32 to vector<16xi32>
      %mul3A_1429 = arith.muli %iota3A, %mul3A_1428 : vector<16xi32>
      %mul3A_1430 = arith.constant 8 : i32
      %mul3A_1431 = arith.muli %add3A_1206, %mul3A_1430 : i32
      %add3A_1432 = arith.constant 6 : i32
      %add3A_1433 = arith.addi %mul3A_1431, %add3A_1432 : i32
      %add3A_1434 = vector.broadcast %add3A_1433 : i32 to vector<16xi32>
      %add3A_1435 = arith.addi %mul3A_1429, %add3A_1434 : vector<16xi32>
      %gather3A_1436 = tpu.vector_load_idx %arg10[%iota3A, %add3A_1417] : memref<16x2048xf32, #tpu.memory_space<vmem>>[vector<16xi32>, vector<16xi32>], vector<16xf32>,
      tpu.vector_store_idx %arg12[%iota3A, %add3A_1435], %gather3A_1436 : memref<16x512xf32, #tpu.memory_space<vmem>>[vector<16xi32>, vector<16xi32>], vector<16xf32>,
      %gather3A_1437 = tpu.vector_load_idx %arg11[%iota3A, %add3A_1426] : memref<16x2048xf32, #tpu.memory_space<vmem>>[vector<16xi32>, vector<16xi32>], vector<16xf32>,
      tpu.vector_store_idx %arg13[%iota3A, %add3A_1435], %gather3A_1437 : memref<16x512xf32, #tpu.memory_space<vmem>>[vector<16xi32>, vector<16xi32>], vector<16xf32>,
      %slice3A_1438 = vector.extract_strided_slice %get3A_603 {offsets = [15], sizes = [1], strides = [1]} : vector<16xi32> to vector<1xi32>
      %squeeze3A_1439 = vector.extract %slice3A_1438[0] : i32 from vector<1xi32>
      %slice3A_1440 = vector.extract_strided_slice %get3A_607 {offsets = [15], sizes = [1], strides = [1]} : vector<16xi32> to vector<1xi32>
      %squeeze3A_1441 = vector.extract %slice3A_1440[0] : i32 from vector<1xi32>
      %mul3A_1442 = arith.constant 0 : i32
      %mul3A_1443 = vector.broadcast %mul3A_1442 : i32 to vector<16xi32>
      %mul3A_1444 = arith.muli %iota3A, %mul3A_1443 : vector<16xi32>
      %and3A_1445 = arith.constant 127 : i32
      %and3A_1446 = arith.andi %squeeze3A_1439, %and3A_1445 : i32
      %add3A_1447 = arith.constant 1920 : i32
      %add3A_1448 = arith.addi %add3A_1447, %and3A_1446 : i32
      %add3A_1449 = vector.broadcast %add3A_1448 : i32 to vector<16xi32>
      %add3A_1450 = arith.addi %mul3A_1444, %add3A_1449 : vector<16xi32>
      %mul3A_1451 = arith.constant 0 : i32
      %mul3A_1452 = vector.broadcast %mul3A_1451 : i32 to vector<16xi32>
      %mul3A_1453 = arith.muli %iota3A, %mul3A_1452 : vector<16xi32>
      %and3A_1454 = arith.constant 127 : i32
      %and3A_1455 = arith.andi %squeeze3A_1441, %and3A_1454 : i32
      %add3A_1456 = arith.constant 1920 : i32
      %add3A_1457 = arith.addi %add3A_1456, %and3A_1455 : i32
      %add3A_1458 = vector.broadcast %add3A_1457 : i32 to vector<16xi32>
      %add3A_1459 = arith.addi %mul3A_1453, %add3A_1458 : vector<16xi32>
      %mul3A_1460 = arith.constant 0 : i32
      %mul3A_1461 = vector.broadcast %mul3A_1460 : i32 to vector<16xi32>
      %mul3A_1462 = arith.muli %iota3A, %mul3A_1461 : vector<16xi32>
      %mul3A_1463 = arith.constant 8 : i32
      %mul3A_1464 = arith.muli %add3A_1206, %mul3A_1463 : i32
      %add3A_1465 = arith.constant 7 : i32
      %add3A_1466 = arith.addi %mul3A_1464, %add3A_1465 : i32
      %add3A_1467 = vector.broadcast %add3A_1466 : i32 to vector<16xi32>
      %add3A_1468 = arith.addi %mul3A_1462, %add3A_1467 : vector<16xi32>
      %gather3A_1469 = tpu.vector_load_idx %arg10[%iota3A, %add3A_1450] : memref<16x2048xf32, #tpu.memory_space<vmem>>[vector<16xi32>, vector<16xi32>], vector<16xf32>,
      tpu.vector_store_idx %arg12[%iota3A, %add3A_1468], %gather3A_1469 : memref<16x512xf32, #tpu.memory_space<vmem>>[vector<16xi32>, vector<16xi32>], vector<16xf32>,
      %gather3A_1470 = tpu.vector_load_idx %arg11[%iota3A, %add3A_1459] : memref<16x2048xf32, #tpu.memory_space<vmem>>[vector<16xi32>, vector<16xi32>], vector<16xf32>,
      tpu.vector_store_idx %arg13[%iota3A, %add3A_1468], %gather3A_1470 : memref<16x512xf32, #tpu.memory_space<vmem>>[vector<16xi32>, vector<16xi32>], vector<16xf32>,
      %slice3A_1471 = vector.extract_strided_slice %get3A_614 {offsets = [8], sizes = [1], strides = [1]} : vector<16xi32> to vector<1xi32>
      %squeeze3A_1472 = vector.extract %slice3A_1471[0] : i32 from vector<1xi32>
      %slice3A_1473 = vector.extract_strided_slice %get3A_618 {offsets = [8], sizes = [1], strides = [1]} : vector<16xi32> to vector<1xi32>
      %squeeze3A_1474 = vector.extract %slice3A_1473[0] : i32 from vector<1xi32>
      %shift_right_logical3A_1475 = arith.constant 7 : i32
      %shift_right_logical3A_1476 = arith.shrui %squeeze3A_1472, %shift_right_logical3A_1475 : i32
      %shift_left3A_1477 = arith.constant 7 : i32
      %shift_left3A_1478 = arith.shli %shift_right_logical3A_1476, %shift_left3A_1477 : i32
      %multiple_of3A_1479 = tpu.assume_multiple %shift_left3A_1478, 128 : i32
      %dma_start3A_1480 = arith.constant 0 : i32
      %dma_start3A_1481 = arith.constant 1024 : i32
      %dma_start3A_1482 = tpu.memref_slice %arg10[%dma_start3A_1480, %dma_start3A_1481] : memref<16x2048xf32, #tpu.memory_space<vmem>> -> memref<16x128xf32, #tpu.memory_space<vmem>>
      %dma_start3A_1483 = arith.constant 0 : i32
      %dma_start3A_1484 = tpu.memref_slice %arg4[%dma_start3A_1483, %multiple_of3A_1479] : memref<16x1000000xf32, #tpu.memory_space<hbm>> -> memref<16x128xf32, #tpu.memory_space<hbm>>
      %dma_start3A_1485 = arith.constant 0 : i32
      %dma_start3A_1486 = arith.constant 1024 : i32
      %dma_start3A_1487 = tpu.memref_slice %arg10[%dma_start3A_1485, %dma_start3A_1486] : memref<16x2048xf32, #tpu.memory_space<vmem>> -> memref<16x128xf32, #tpu.memory_space<vmem>>
      %dma_start3A_1488 = arith.constant 0 : i32
      %dma_start3A_1489 = tpu.memref_slice %arg4[%dma_start3A_1488, %multiple_of3A_1479] : memref<16x1000000xf32, #tpu.memory_space<hbm>> -> memref<16x128xf32, #tpu.memory_space<hbm>>
      tpu.enqueue_dma source(%dma_start3A_1489 : memref<16x128xf32, #tpu.memory_space<hbm>>) target(%dma_start3A_1487 : memref<16x128xf32, #tpu.memory_space<vmem>>) target_semaphore(%arg16 : memref<!tpu.dma_semaphore, #tpu.memory_space<semaphore_mem>>)
      %shift_right_logical3A_1490 = arith.constant 7 : i32
      %shift_right_logical3A_1491 = arith.shrui %squeeze3A_1474, %shift_right_logical3A_1490 : i32
      %shift_left3A_1492 = arith.constant 7 : i32
      %shift_left3A_1493 = arith.shli %shift_right_logical3A_1491, %shift_left3A_1492 : i32
      %multiple_of3A_1494 = tpu.assume_multiple %shift_left3A_1493, 128 : i32
      %dma_start3A_1495 = arith.constant 0 : i32
      %dma_start3A_1496 = arith.constant 1024 : i32
      %dma_start3A_1497 = tpu.memref_slice %arg11[%dma_start3A_1495, %dma_start3A_1496] : memref<16x2048xf32, #tpu.memory_space<vmem>> -> memref<16x128xf32, #tpu.memory_space<vmem>>
      %dma_start3A_1498 = arith.constant 0 : i32
      %dma_start3A_1499 = tpu.memref_slice %arg5[%dma_start3A_1498, %multiple_of3A_1494] : memref<16x1000000xf32, #tpu.memory_space<hbm>> -> memref<16x128xf32, #tpu.memory_space<hbm>>
      %dma_start3A_1500 = arith.constant 0 : i32
      %dma_start3A_1501 = arith.constant 1024 : i32
      %dma_start3A_1502 = tpu.memref_slice %arg11[%dma_start3A_1500, %dma_start3A_1501] : memref<16x2048xf32, #tpu.memory_space<vmem>> -> memref<16x128xf32, #tpu.memory_space<vmem>>
      %dma_start3A_1503 = arith.constant 0 : i32
      %dma_start3A_1504 = tpu.memref_slice %arg5[%dma_start3A_1503, %multiple_of3A_1494] : memref<16x1000000xf32, #tpu.memory_space<hbm>> -> memref<16x128xf32, #tpu.memory_space<hbm>>
      tpu.enqueue_dma source(%dma_start3A_1504 : memref<16x128xf32, #tpu.memory_space<hbm>>) target(%dma_start3A_1502 : memref<16x128xf32, #tpu.memory_space<vmem>>) target_semaphore(%arg17 : memref<!tpu.dma_semaphore, #tpu.memory_space<semaphore_mem>>)
      %slice3A_1505 = vector.extract_strided_slice %get3A_614 {offsets = [9], sizes = [1], strides = [1]} : vector<16xi32> to vector<1xi32>
      %squeeze3A_1506 = vector.extract %slice3A_1505[0] : i32 from vector<1xi32>
      %slice3A_1507 = vector.extract_strided_slice %get3A_618 {offsets = [9], sizes = [1], strides = [1]} : vector<16xi32> to vector<1xi32>
      %squeeze3A_1508 = vector.extract %slice3A_1507[0] : i32 from vector<1xi32>
      %shift_right_logical3A_1509 = arith.constant 7 : i32
      %shift_right_logical3A_1510 = arith.shrui %squeeze3A_1506, %shift_right_logical3A_1509 : i32
      %shift_left3A_1511 = arith.constant 7 : i32
      %shift_left3A_1512 = arith.shli %shift_right_logical3A_1510, %shift_left3A_1511 : i32
      %multiple_of3A_1513 = tpu.assume_multiple %shift_left3A_1512, 128 : i32
      %dma_start3A_1514 = arith.constant 0 : i32
      %dma_start3A_1515 = arith.constant 1152 : i32
      %dma_start3A_1516 = tpu.memref_slice %arg10[%dma_start3A_1514, %dma_start3A_1515] : memref<16x2048xf32, #tpu.memory_space<vmem>> -> memref<16x128xf32, #tpu.memory_space<vmem>>
      %dma_start3A_1517 = arith.constant 0 : i32
      %dma_start3A_1518 = tpu.memref_slice %arg4[%dma_start3A_1517, %multiple_of3A_1513] : memref<16x1000000xf32, #tpu.memory_space<hbm>> -> memref<16x128xf32, #tpu.memory_space<hbm>>
      %dma_start3A_1519 = arith.constant 0 : i32
      %dma_start3A_1520 = arith.constant 1152 : i32
      %dma_start3A_1521 = tpu.memref_slice %arg10[%dma_start3A_1519, %dma_start3A_1520] : memref<16x2048xf32, #tpu.memory_space<vmem>> -> memref<16x128xf32, #tpu.memory_space<vmem>>
      %dma_start3A_1522 = arith.constant 0 : i32
      %dma_start3A_1523 = tpu.memref_slice %arg4[%dma_start3A_1522, %multiple_of3A_1513] : memref<16x1000000xf32, #tpu.memory_space<hbm>> -> memref<16x128xf32, #tpu.memory_space<hbm>>
      tpu.enqueue_dma source(%dma_start3A_1523 : memref<16x128xf32, #tpu.memory_space<hbm>>) target(%dma_start3A_1521 : memref<16x128xf32, #tpu.memory_space<vmem>>) target_semaphore(%arg16 : memref<!tpu.dma_semaphore, #tpu.memory_space<semaphore_mem>>)
      %shift_right_logical3A_1524 = arith.constant 7 : i32
      %shift_right_logical3A_1525 = arith.shrui %squeeze3A_1508, %shift_right_logical3A_1524 : i32
      %shift_left3A_1526 = arith.constant 7 : i32
      %shift_left3A_1527 = arith.shli %shift_right_logical3A_1525, %shift_left3A_1526 : i32
      %multiple_of3A_1528 = tpu.assume_multiple %shift_left3A_1527, 128 : i32
      %dma_start3A_1529 = arith.constant 0 : i32
      %dma_start3A_1530 = arith.constant 1152 : i32
      %dma_start3A_1531 = tpu.memref_slice %arg11[%dma_start3A_1529, %dma_start3A_1530] : memref<16x2048xf32, #tpu.memory_space<vmem>> -> memref<16x128xf32, #tpu.memory_space<vmem>>
      %dma_start3A_1532 = arith.constant 0 : i32
      %dma_start3A_1533 = tpu.memref_slice %arg5[%dma_start3A_1532, %multiple_of3A_1528] : memref<16x1000000xf32, #tpu.memory_space<hbm>> -> memref<16x128xf32, #tpu.memory_space<hbm>>
      %dma_start3A_1534 = arith.constant 0 : i32
      %dma_start3A_1535 = arith.constant 1152 : i32
      %dma_start3A_1536 = tpu.memref_slice %arg11[%dma_start3A_1534, %dma_start3A_1535] : memref<16x2048xf32, #tpu.memory_space<vmem>> -> memref<16x128xf32, #tpu.memory_space<vmem>>
      %dma_start3A_1537 = arith.constant 0 : i32
      %dma_start3A_1538 = tpu.memref_slice %arg5[%dma_start3A_1537, %multiple_of3A_1528] : memref<16x1000000xf32, #tpu.memory_space<hbm>> -> memref<16x128xf32, #tpu.memory_space<hbm>>
      tpu.enqueue_dma source(%dma_start3A_1538 : memref<16x128xf32, #tpu.memory_space<hbm>>) target(%dma_start3A_1536 : memref<16x128xf32, #tpu.memory_space<vmem>>) target_semaphore(%arg17 : memref<!tpu.dma_semaphore, #tpu.memory_space<semaphore_mem>>)
      %slice3A_1539 = vector.extract_strided_slice %get3A_614 {offsets = [10], sizes = [1], strides = [1]} : vector<16xi32> to vector<1xi32>
      %squeeze3A_1540 = vector.extract %slice3A_1539[0] : i32 from vector<1xi32>
      %slice3A_1541 = vector.extract_strided_slice %get3A_618 {offsets = [10], sizes = [1], strides = [1]} : vector<16xi32> to vector<1xi32>
      %squeeze3A_1542 = vector.extract %slice3A_1541[0] : i32 from vector<1xi32>
      %shift_right_logical3A_1543 = arith.constant 7 : i32
      %shift_right_logical3A_1544 = arith.shrui %squeeze3A_1540, %shift_right_logical3A_1543 : i32
      %shift_left3A_1545 = arith.constant 7 : i32
      %shift_left3A_1546 = arith.shli %shift_right_logical3A_1544, %shift_left3A_1545 : i32
      %multiple_of3A_1547 = tpu.assume_multiple %shift_left3A_1546, 128 : i32
      %dma_start3A_1548 = arith.constant 0 : i32
      %dma_start3A_1549 = arith.constant 1280 : i32
      %dma_start3A_1550 = tpu.memref_slice %arg10[%dma_start3A_1548, %dma_start3A_1549] : memref<16x2048xf32, #tpu.memory_space<vmem>> -> memref<16x128xf32, #tpu.memory_space<vmem>>
      %dma_start3A_1551 = arith.constant 0 : i32
      %dma_start3A_1552 = tpu.memref_slice %arg4[%dma_start3A_1551, %multiple_of3A_1547] : memref<16x1000000xf32, #tpu.memory_space<hbm>> -> memref<16x128xf32, #tpu.memory_space<hbm>>
      %dma_start3A_1553 = arith.constant 0 : i32
      %dma_start3A_1554 = arith.constant 1280 : i32
      %dma_start3A_1555 = tpu.memref_slice %arg10[%dma_start3A_1553, %dma_start3A_1554] : memref<16x2048xf32, #tpu.memory_space<vmem>> -> memref<16x128xf32, #tpu.memory_space<vmem>>
      %dma_start3A_1556 = arith.constant 0 : i32
      %dma_start3A_1557 = tpu.memref_slice %arg4[%dma_start3A_1556, %multiple_of3A_1547] : memref<16x1000000xf32, #tpu.memory_space<hbm>> -> memref<16x128xf32, #tpu.memory_space<hbm>>
      tpu.enqueue_dma source(%dma_start3A_1557 : memref<16x128xf32, #tpu.memory_space<hbm>>) target(%dma_start3A_1555 : memref<16x128xf32, #tpu.memory_space<vmem>>) target_semaphore(%arg16 : memref<!tpu.dma_semaphore, #tpu.memory_space<semaphore_mem>>)
      %shift_right_logical3A_1558 = arith.constant 7 : i32
      %shift_right_logical3A_1559 = arith.shrui %squeeze3A_1542, %shift_right_logical3A_1558 : i32
      %shift_left3A_1560 = arith.constant 7 : i32
      %shift_left3A_1561 = arith.shli %shift_right_logical3A_1559, %shift_left3A_1560 : i32
      %multiple_of3A_1562 = tpu.assume_multiple %shift_left3A_1561, 128 : i32
      %dma_start3A_1563 = arith.constant 0 : i32
      %dma_start3A_1564 = arith.constant 1280 : i32
      %dma_start3A_1565 = tpu.memref_slice %arg11[%dma_start3A_1563, %dma_start3A_1564] : memref<16x2048xf32, #tpu.memory_space<vmem>> -> memref<16x128xf32, #tpu.memory_space<vmem>>
      %dma_start3A_1566 = arith.constant 0 : i32
      %dma_start3A_1567 = tpu.memref_slice %arg5[%dma_start3A_1566, %multiple_of3A_1562] : memref<16x1000000xf32, #tpu.memory_space<hbm>> -> memref<16x128xf32, #tpu.memory_space<hbm>>
      %dma_start3A_1568 = arith.constant 0 : i32
      %dma_start3A_1569 = arith.constant 1280 : i32
      %dma_start3A_1570 = tpu.memref_slice %arg11[%dma_start3A_1568, %dma_start3A_1569] : memref<16x2048xf32, #tpu.memory_space<vmem>> -> memref<16x128xf32, #tpu.memory_space<vmem>>
      %dma_start3A_1571 = arith.constant 0 : i32
      %dma_start3A_1572 = tpu.memref_slice %arg5[%dma_start3A_1571, %multiple_of3A_1562] : memref<16x1000000xf32, #tpu.memory_space<hbm>> -> memref<16x128xf32, #tpu.memory_space<hbm>>
      tpu.enqueue_dma source(%dma_start3A_1572 : memref<16x128xf32, #tpu.memory_space<hbm>>) target(%dma_start3A_1570 : memref<16x128xf32, #tpu.memory_space<vmem>>) target_semaphore(%arg17 : memref<!tpu.dma_semaphore, #tpu.memory_space<semaphore_mem>>)
      %slice3A_1573 = vector.extract_strided_slice %get3A_614 {offsets = [11], sizes = [1], strides = [1]} : vector<16xi32> to vector<1xi32>
      %squeeze3A_1574 = vector.extract %slice3A_1573[0] : i32 from vector<1xi32>
      %slice3A_1575 = vector.extract_strided_slice %get3A_618 {offsets = [11], sizes = [1], strides = [1]} : vector<16xi32> to vector<1xi32>
      %squeeze3A_1576 = vector.extract %slice3A_1575[0] : i32 from vector<1xi32>
      %shift_right_logical3A_1577 = arith.constant 7 : i32
      %shift_right_logical3A_1578 = arith.shrui %squeeze3A_1574, %shift_right_logical3A_1577 : i32
      %shift_left3A_1579 = arith.constant 7 : i32
      %shift_left3A_1580 = arith.shli %shift_right_logical3A_1578, %shift_left3A_1579 : i32
      %multiple_of3A_1581 = tpu.assume_multiple %shift_left3A_1580, 128 : i32
      %dma_start3A_1582 = arith.constant 0 : i32
      %dma_start3A_1583 = arith.constant 1408 : i32
      %dma_start3A_1584 = tpu.memref_slice %arg10[%dma_start3A_1582, %dma_start3A_1583] : memref<16x2048xf32, #tpu.memory_space<vmem>> -> memref<16x128xf32, #tpu.memory_space<vmem>>
      %dma_start3A_1585 = arith.constant 0 : i32
      %dma_start3A_1586 = tpu.memref_slice %arg4[%dma_start3A_1585, %multiple_of3A_1581] : memref<16x1000000xf32, #tpu.memory_space<hbm>> -> memref<16x128xf32, #tpu.memory_space<hbm>>
      %dma_start3A_1587 = arith.constant 0 : i32
      %dma_start3A_1588 = arith.constant 1408 : i32
      %dma_start3A_1589 = tpu.memref_slice %arg10[%dma_start3A_1587, %dma_start3A_1588] : memref<16x2048xf32, #tpu.memory_space<vmem>> -> memref<16x128xf32, #tpu.memory_space<vmem>>
      %dma_start3A_1590 = arith.constant 0 : i32
      %dma_start3A_1591 = tpu.memref_slice %arg4[%dma_start3A_1590, %multiple_of3A_1581] : memref<16x1000000xf32, #tpu.memory_space<hbm>> -> memref<16x128xf32, #tpu.memory_space<hbm>>
      tpu.enqueue_dma source(%dma_start3A_1591 : memref<16x128xf32, #tpu.memory_space<hbm>>) target(%dma_start3A_1589 : memref<16x128xf32, #tpu.memory_space<vmem>>) target_semaphore(%arg16 : memref<!tpu.dma_semaphore, #tpu.memory_space<semaphore_mem>>)
      %shift_right_logical3A_1592 = arith.constant 7 : i32
      %shift_right_logical3A_1593 = arith.shrui %squeeze3A_1576, %shift_right_logical3A_1592 : i32
      %shift_left3A_1594 = arith.constant 7 : i32
      %shift_left3A_1595 = arith.shli %shift_right_logical3A_1593, %shift_left3A_1594 : i32
      %multiple_of3A_1596 = tpu.assume_multiple %shift_left3A_1595, 128 : i32
      %dma_start3A_1597 = arith.constant 0 : i32
      %dma_start3A_1598 = arith.constant 1408 : i32
      %dma_start3A_1599 = tpu.memref_slice %arg11[%dma_start3A_1597, %dma_start3A_1598] : memref<16x2048xf32, #tpu.memory_space<vmem>> -> memref<16x128xf32, #tpu.memory_space<vmem>>
      %dma_start3A_1600 = arith.constant 0 : i32
      %dma_start3A_1601 = tpu.memref_slice %arg5[%dma_start3A_1600, %multiple_of3A_1596] : memref<16x1000000xf32, #tpu.memory_space<hbm>> -> memref<16x128xf32, #tpu.memory_space<hbm>>
      %dma_start3A_1602 = arith.constant 0 : i32
      %dma_start3A_1603 = arith.constant 1408 : i32
      %dma_start3A_1604 = tpu.memref_slice %arg11[%dma_start3A_1602, %dma_start3A_1603] : memref<16x2048xf32, #tpu.memory_space<vmem>> -> memref<16x128xf32, #tpu.memory_space<vmem>>
      %dma_start3A_1605 = arith.constant 0 : i32
      %dma_start3A_1606 = tpu.memref_slice %arg5[%dma_start3A_1605, %multiple_of3A_1596] : memref<16x1000000xf32, #tpu.memory_space<hbm>> -> memref<16x128xf32, #tpu.memory_space<hbm>>
      tpu.enqueue_dma source(%dma_start3A_1606 : memref<16x128xf32, #tpu.memory_space<hbm>>) target(%dma_start3A_1604 : memref<16x128xf32, #tpu.memory_space<vmem>>) target_semaphore(%arg17 : memref<!tpu.dma_semaphore, #tpu.memory_space<semaphore_mem>>)
      %slice3A_1607 = vector.extract_strided_slice %get3A_614 {offsets = [12], sizes = [1], strides = [1]} : vector<16xi32> to vector<1xi32>
      %squeeze3A_1608 = vector.extract %slice3A_1607[0] : i32 from vector<1xi32>
      %slice3A_1609 = vector.extract_strided_slice %get3A_618 {offsets = [12], sizes = [1], strides = [1]} : vector<16xi32> to vector<1xi32>
      %squeeze3A_1610 = vector.extract %slice3A_1609[0] : i32 from vector<1xi32>
      %shift_right_logical3A_1611 = arith.constant 7 : i32
      %shift_right_logical3A_1612 = arith.shrui %squeeze3A_1608, %shift_right_logical3A_1611 : i32
      %shift_left3A_1613 = arith.constant 7 : i32
      %shift_left3A_1614 = arith.shli %shift_right_logical3A_1612, %shift_left3A_1613 : i32
      %multiple_of3A_1615 = tpu.assume_multiple %shift_left3A_1614, 128 : i32
      %dma_start3A_1616 = arith.constant 0 : i32
      %dma_start3A_1617 = arith.constant 1536 : i32
      %dma_start3A_1618 = tpu.memref_slice %arg10[%dma_start3A_1616, %dma_start3A_1617] : memref<16x2048xf32, #tpu.memory_space<vmem>> -> memref<16x128xf32, #tpu.memory_space<vmem>>
      %dma_start3A_1619 = arith.constant 0 : i32
      %dma_start3A_1620 = tpu.memref_slice %arg4[%dma_start3A_1619, %multiple_of3A_1615] : memref<16x1000000xf32, #tpu.memory_space<hbm>> -> memref<16x128xf32, #tpu.memory_space<hbm>>
      %dma_start3A_1621 = arith.constant 0 : i32
      %dma_start3A_1622 = arith.constant 1536 : i32
      %dma_start3A_1623 = tpu.memref_slice %arg10[%dma_start3A_1621, %dma_start3A_1622] : memref<16x2048xf32, #tpu.memory_space<vmem>> -> memref<16x128xf32, #tpu.memory_space<vmem>>
      %dma_start3A_1624 = arith.constant 0 : i32
      %dma_start3A_1625 = tpu.memref_slice %arg4[%dma_start3A_1624, %multiple_of3A_1615] : memref<16x1000000xf32, #tpu.memory_space<hbm>> -> memref<16x128xf32, #tpu.memory_space<hbm>>
      tpu.enqueue_dma source(%dma_start3A_1625 : memref<16x128xf32, #tpu.memory_space<hbm>>) target(%dma_start3A_1623 : memref<16x128xf32, #tpu.memory_space<vmem>>) target_semaphore(%arg16 : memref<!tpu.dma_semaphore, #tpu.memory_space<semaphore_mem>>)
      %shift_right_logical3A_1626 = arith.constant 7 : i32
      %shift_right_logical3A_1627 = arith.shrui %squeeze3A_1610, %shift_right_logical3A_1626 : i32
      %shift_left3A_1628 = arith.constant 7 : i32
      %shift_left3A_1629 = arith.shli %shift_right_logical3A_1627, %shift_left3A_1628 : i32
      %multiple_of3A_1630 = tpu.assume_multiple %shift_left3A_1629, 128 : i32
      %dma_start3A_1631 = arith.constant 0 : i32
      %dma_start3A_1632 = arith.constant 1536 : i32
      %dma_start3A_1633 = tpu.memref_slice %arg11[%dma_start3A_1631, %dma_start3A_1632] : memref<16x2048xf32, #tpu.memory_space<vmem>> -> memref<16x128xf32, #tpu.memory_space<vmem>>
      %dma_start3A_1634 = arith.constant 0 : i32
      %dma_start3A_1635 = tpu.memref_slice %arg5[%dma_start3A_1634, %multiple_of3A_1630] : memref<16x1000000xf32, #tpu.memory_space<hbm>> -> memref<16x128xf32, #tpu.memory_space<hbm>>
      %dma_start3A_1636 = arith.constant 0 : i32
      %dma_start3A_1637 = arith.constant 1536 : i32
      %dma_start3A_1638 = tpu.memref_slice %arg11[%dma_start3A_1636, %dma_start3A_1637] : memref<16x2048xf32, #tpu.memory_space<vmem>> -> memref<16x128xf32, #tpu.memory_space<vmem>>
      %dma_start3A_1639 = arith.constant 0 : i32
      %dma_start3A_1640 = tpu.memref_slice %arg5[%dma_start3A_1639, %multiple_of3A_1630] : memref<16x1000000xf32, #tpu.memory_space<hbm>> -> memref<16x128xf32, #tpu.memory_space<hbm>>
      tpu.enqueue_dma source(%dma_start3A_1640 : memref<16x128xf32, #tpu.memory_space<hbm>>) target(%dma_start3A_1638 : memref<16x128xf32, #tpu.memory_space<vmem>>) target_semaphore(%arg17 : memref<!tpu.dma_semaphore, #tpu.memory_space<semaphore_mem>>)
      %slice3A_1641 = vector.extract_strided_slice %get3A_614 {offsets = [13], sizes = [1], strides = [1]} : vector<16xi32> to vector<1xi32>
      %squeeze3A_1642 = vector.extract %slice3A_1641[0] : i32 from vector<1xi32>
      %slice3A_1643 = vector.extract_strided_slice %get3A_618 {offsets = [13], sizes = [1], strides = [1]} : vector<16xi32> to vector<1xi32>
      %squeeze3A_1644 = vector.extract %slice3A_1643[0] : i32 from vector<1xi32>
      %shift_right_logical3A_1645 = arith.constant 7 : i32
      %shift_right_logical3A_1646 = arith.shrui %squeeze3A_1642, %shift_right_logical3A_1645 : i32
      %shift_left3A_1647 = arith.constant 7 : i32
      %shift_left3A_1648 = arith.shli %shift_right_logical3A_1646, %shift_left3A_1647 : i32
      %multiple_of3A_1649 = tpu.assume_multiple %shift_left3A_1648, 128 : i32
      %dma_start3A_1650 = arith.constant 0 : i32
      %dma_start3A_1651 = arith.constant 1664 : i32
      %dma_start3A_1652 = tpu.memref_slice %arg10[%dma_start3A_1650, %dma_start3A_1651] : memref<16x2048xf32, #tpu.memory_space<vmem>> -> memref<16x128xf32, #tpu.memory_space<vmem>>
      %dma_start3A_1653 = arith.constant 0 : i32
      %dma_start3A_1654 = tpu.memref_slice %arg4[%dma_start3A_1653, %multiple_of3A_1649] : memref<16x1000000xf32, #tpu.memory_space<hbm>> -> memref<16x128xf32, #tpu.memory_space<hbm>>
      %dma_start3A_1655 = arith.constant 0 : i32
      %dma_start3A_1656 = arith.constant 1664 : i32
      %dma_start3A_1657 = tpu.memref_slice %arg10[%dma_start3A_1655, %dma_start3A_1656] : memref<16x2048xf32, #tpu.memory_space<vmem>> -> memref<16x128xf32, #tpu.memory_space<vmem>>
      %dma_start3A_1658 = arith.constant 0 : i32
      %dma_start3A_1659 = tpu.memref_slice %arg4[%dma_start3A_1658, %multiple_of3A_1649] : memref<16x1000000xf32, #tpu.memory_space<hbm>> -> memref<16x128xf32, #tpu.memory_space<hbm>>
      tpu.enqueue_dma source(%dma_start3A_1659 : memref<16x128xf32, #tpu.memory_space<hbm>>) target(%dma_start3A_1657 : memref<16x128xf32, #tpu.memory_space<vmem>>) target_semaphore(%arg16 : memref<!tpu.dma_semaphore, #tpu.memory_space<semaphore_mem>>)
      %shift_right_logical3A_1660 = arith.constant 7 : i32
      %shift_right_logical3A_1661 = arith.shrui %squeeze3A_1644, %shift_right_logical3A_1660 : i32
      %shift_left3A_1662 = arith.constant 7 : i32
      %shift_left3A_1663 = arith.shli %shift_right_logical3A_1661, %shift_left3A_1662 : i32
      %multiple_of3A_1664 = tpu.assume_multiple %shift_left3A_1663, 128 : i32
      %dma_start3A_1665 = arith.constant 0 : i32
      %dma_start3A_1666 = arith.constant 1664 : i32
      %dma_start3A_1667 = tpu.memref_slice %arg11[%dma_start3A_1665, %dma_start3A_1666] : memref<16x2048xf32, #tpu.memory_space<vmem>> -> memref<16x128xf32, #tpu.memory_space<vmem>>
      %dma_start3A_1668 = arith.constant 0 : i32
      %dma_start3A_1669 = tpu.memref_slice %arg5[%dma_start3A_1668, %multiple_of3A_1664] : memref<16x1000000xf32, #tpu.memory_space<hbm>> -> memref<16x128xf32, #tpu.memory_space<hbm>>
      %dma_start3A_1670 = arith.constant 0 : i32
      %dma_start3A_1671 = arith.constant 1664 : i32
      %dma_start3A_1672 = tpu.memref_slice %arg11[%dma_start3A_1670, %dma_start3A_1671] : memref<16x2048xf32, #tpu.memory_space<vmem>> -> memref<16x128xf32, #tpu.memory_space<vmem>>
      %dma_start3A_1673 = arith.constant 0 : i32
      %dma_start3A_1674 = tpu.memref_slice %arg5[%dma_start3A_1673, %multiple_of3A_1664] : memref<16x1000000xf32, #tpu.memory_space<hbm>> -> memref<16x128xf32, #tpu.memory_space<hbm>>
      tpu.enqueue_dma source(%dma_start3A_1674 : memref<16x128xf32, #tpu.memory_space<hbm>>) target(%dma_start3A_1672 : memref<16x128xf32, #tpu.memory_space<vmem>>) target_semaphore(%arg17 : memref<!tpu.dma_semaphore, #tpu.memory_space<semaphore_mem>>)
      %slice3A_1675 = vector.extract_strided_slice %get3A_614 {offsets = [14], sizes = [1], strides = [1]} : vector<16xi32> to vector<1xi32>
      %squeeze3A_1676 = vector.extract %slice3A_1675[0] : i32 from vector<1xi32>
      %slice3A_1677 = vector.extract_strided_slice %get3A_618 {offsets = [14], sizes = [1], strides = [1]} : vector<16xi32> to vector<1xi32>
      %squeeze3A_1678 = vector.extract %slice3A_1677[0] : i32 from vector<1xi32>
      %shift_right_logical3A_1679 = arith.constant 7 : i32
      %shift_right_logical3A_1680 = arith.shrui %squeeze3A_1676, %shift_right_logical3A_1679 : i32
      %shift_left3A_1681 = arith.constant 7 : i32
      %shift_left3A_1682 = arith.shli %shift_right_logical3A_1680, %shift_left3A_1681 : i32
      %multiple_of3A_1683 = tpu.assume_multiple %shift_left3A_1682, 128 : i32
      %dma_start3A_1684 = arith.constant 0 : i32
      %dma_start3A_1685 = arith.constant 1792 : i32
      %dma_start3A_1686 = tpu.memref_slice %arg10[%dma_start3A_1684, %dma_start3A_1685] : memref<16x2048xf32, #tpu.memory_space<vmem>> -> memref<16x128xf32, #tpu.memory_space<vmem>>
      %dma_start3A_1687 = arith.constant 0 : i32
      %dma_start3A_1688 = tpu.memref_slice %arg4[%dma_start3A_1687, %multiple_of3A_1683] : memref<16x1000000xf32, #tpu.memory_space<hbm>> -> memref<16x128xf32, #tpu.memory_space<hbm>>
      %dma_start3A_1689 = arith.constant 0 : i32
      %dma_start3A_1690 = arith.constant 1792 : i32
      %dma_start3A_1691 = tpu.memref_slice %arg10[%dma_start3A_1689, %dma_start3A_1690] : memref<16x2048xf32, #tpu.memory_space<vmem>> -> memref<16x128xf32, #tpu.memory_space<vmem>>
      %dma_start3A_1692 = arith.constant 0 : i32
      %dma_start3A_1693 = tpu.memref_slice %arg4[%dma_start3A_1692, %multiple_of3A_1683] : memref<16x1000000xf32, #tpu.memory_space<hbm>> -> memref<16x128xf32, #tpu.memory_space<hbm>>
      tpu.enqueue_dma source(%dma_start3A_1693 : memref<16x128xf32, #tpu.memory_space<hbm>>) target(%dma_start3A_1691 : memref<16x128xf32, #tpu.memory_space<vmem>>) target_semaphore(%arg16 : memref<!tpu.dma_semaphore, #tpu.memory_space<semaphore_mem>>)
      %shift_right_logical3A_1694 = arith.constant 7 : i32
      %shift_right_logical3A_1695 = arith.shrui %squeeze3A_1678, %shift_right_logical3A_1694 : i32
      %shift_left3A_1696 = arith.constant 7 : i32
      %shift_left3A_1697 = arith.shli %shift_right_logical3A_1695, %shift_left3A_1696 : i32
      %multiple_of3A_1698 = tpu.assume_multiple %shift_left3A_1697, 128 : i32
      %dma_start3A_1699 = arith.constant 0 : i32
      %dma_start3A_1700 = arith.constant 1792 : i32
      %dma_start3A_1701 = tpu.memref_slice %arg11[%dma_start3A_1699, %dma_start3A_1700] : memref<16x2048xf32, #tpu.memory_space<vmem>> -> memref<16x128xf32, #tpu.memory_space<vmem>>
      %dma_start3A_1702 = arith.constant 0 : i32
      %dma_start3A_1703 = tpu.memref_slice %arg5[%dma_start3A_1702, %multiple_of3A_1698] : memref<16x1000000xf32, #tpu.memory_space<hbm>> -> memref<16x128xf32, #tpu.memory_space<hbm>>
      %dma_start3A_1704 = arith.constant 0 : i32
      %dma_start3A_1705 = arith.constant 1792 : i32
      %dma_start3A_1706 = tpu.memref_slice %arg11[%dma_start3A_1704, %dma_start3A_1705] : memref<16x2048xf32, #tpu.memory_space<vmem>> -> memref<16x128xf32, #tpu.memory_space<vmem>>
      %dma_start3A_1707 = arith.constant 0 : i32
      %dma_start3A_1708 = tpu.memref_slice %arg5[%dma_start3A_1707, %multiple_of3A_1698] : memref<16x1000000xf32, #tpu.memory_space<hbm>> -> memref<16x128xf32, #tpu.memory_space<hbm>>
      tpu.enqueue_dma source(%dma_start3A_1708 : memref<16x128xf32, #tpu.memory_space<hbm>>) target(%dma_start3A_1706 : memref<16x128xf32, #tpu.memory_space<vmem>>) target_semaphore(%arg17 : memref<!tpu.dma_semaphore, #tpu.memory_space<semaphore_mem>>)
      %slice3A_1709 = vector.extract_strided_slice %get3A_614 {offsets = [15], sizes = [1], strides = [1]} : vector<16xi32> to vector<1xi32>
      %squeeze3A_1710 = vector.extract %slice3A_1709[0] : i32 from vector<1xi32>
      %slice3A_1711 = vector.extract_strided_slice %get3A_618 {offsets = [15], sizes = [1], strides = [1]} : vector<16xi32> to vector<1xi32>
      %squeeze3A_1712 = vector.extract %slice3A_1711[0] : i32 from vector<1xi32>
      %shift_right_logical3A_1713 = arith.constant 7 : i32
      %shift_right_logical3A_1714 = arith.shrui %squeeze3A_1710, %shift_right_logical3A_1713 : i32
      %shift_left3A_1715 = arith.constant 7 : i32
      %shift_left3A_1716 = arith.shli %shift_right_logical3A_1714, %shift_left3A_1715 : i32
      %multiple_of3A_1717 = tpu.assume_multiple %shift_left3A_1716, 128 : i32
      %dma_start3A_1718 = arith.constant 0 : i32
      %dma_start3A_1719 = arith.constant 1920 : i32
      %dma_start3A_1720 = tpu.memref_slice %arg10[%dma_start3A_1718, %dma_start3A_1719] : memref<16x2048xf32, #tpu.memory_space<vmem>> -> memref<16x128xf32, #tpu.memory_space<vmem>>
      %dma_start3A_1721 = arith.constant 0 : i32
      %dma_start3A_1722 = tpu.memref_slice %arg4[%dma_start3A_1721, %multiple_of3A_1717] : memref<16x1000000xf32, #tpu.memory_space<hbm>> -> memref<16x128xf32, #tpu.memory_space<hbm>>
      %dma_start3A_1723 = arith.constant 0 : i32
      %dma_start3A_1724 = arith.constant 1920 : i32
      %dma_start3A_1725 = tpu.memref_slice %arg10[%dma_start3A_1723, %dma_start3A_1724] : memref<16x2048xf32, #tpu.memory_space<vmem>> -> memref<16x128xf32, #tpu.memory_space<vmem>>
      %dma_start3A_1726 = arith.constant 0 : i32
      %dma_start3A_1727 = tpu.memref_slice %arg4[%dma_start3A_1726, %multiple_of3A_1717] : memref<16x1000000xf32, #tpu.memory_space<hbm>> -> memref<16x128xf32, #tpu.memory_space<hbm>>
      tpu.enqueue_dma source(%dma_start3A_1727 : memref<16x128xf32, #tpu.memory_space<hbm>>) target(%dma_start3A_1725 : memref<16x128xf32, #tpu.memory_space<vmem>>) target_semaphore(%arg16 : memref<!tpu.dma_semaphore, #tpu.memory_space<semaphore_mem>>)
      %shift_right_logical3A_1728 = arith.constant 7 : i32
      %shift_right_logical3A_1729 = arith.shrui %squeeze3A_1712, %shift_right_logical3A_1728 : i32
      %shift_left3A_1730 = arith.constant 7 : i32
      %shift_left3A_1731 = arith.shli %shift_right_logical3A_1729, %shift_left3A_1730 : i32
      %multiple_of3A_1732 = tpu.assume_multiple %shift_left3A_1731, 128 : i32
      %dma_start3A_1733 = arith.constant 0 : i32
      %dma_start3A_1734 = arith.constant 1920 : i32
      %dma_start3A_1735 = tpu.memref_slice %arg11[%dma_start3A_1733, %dma_start3A_1734] : memref<16x2048xf32, #tpu.memory_space<vmem>> -> memref<16x128xf32, #tpu.memory_space<vmem>>
      %dma_start3A_1736 = arith.constant 0 : i32
      %dma_start3A_1737 = tpu.memref_slice %arg5[%dma_start3A_1736, %multiple_of3A_1732] : memref<16x1000000xf32, #tpu.memory_space<hbm>> -> memref<16x128xf32, #tpu.memory_space<hbm>>
      %dma_start3A_1738 = arith.constant 0 : i32
      %dma_start3A_1739 = arith.constant 1920 : i32
      %dma_start3A_1740 = tpu.memref_slice %arg11[%dma_start3A_1738, %dma_start3A_1739] : memref<16x2048xf32, #tpu.memory_space<vmem>> -> memref<16x128xf32, #tpu.memory_space<vmem>>
      %dma_start3A_1741 = arith.constant 0 : i32
      %dma_start3A_1742 = tpu.memref_slice %arg5[%dma_start3A_1741, %multiple_of3A_1732] : memref<16x1000000xf32, #tpu.memory_space<hbm>> -> memref<16x128xf32, #tpu.memory_space<hbm>>
      tpu.enqueue_dma source(%dma_start3A_1742 : memref<16x128xf32, #tpu.memory_space<hbm>>) target(%dma_start3A_1740 : memref<16x128xf32, #tpu.memory_space<vmem>>) target_semaphore(%arg17 : memref<!tpu.dma_semaphore, #tpu.memory_space<semaphore_mem>>)
      %scan3A_1743 = arith.constant 0 : i32
      scf.yield %scan3A_1743 : i32
    }
    %scan3A_549 = arith.constant 32 : i32
    %dma_wait3A = arith.constant 0 : i32
    %dma_wait3A_550 = arith.constant 0 : i32
    %dma_wait3A_551 = tpu.memref_slice %arg10[%dma_wait3A, %dma_wait3A_550] : memref<16x2048xf32, #tpu.memory_space<vmem>> -> memref<16x1024xf32, #tpu.memory_space<vmem>>
    %dma_wait3A_552 = arith.constant 0 : i32
    %dma_wait3A_553 = arith.constant 0 : i32
    %dma_wait3A_554 = tpu.memref_slice %arg4[%dma_wait3A_552, %dma_wait3A_553] : memref<16x1000000xf32, #tpu.memory_space<hbm>> -> memref<16x1024xf32, #tpu.memory_space<hbm>>
    %dma_wait3A_555 = arith.constant 0 : i32
    %dma_wait3A_556 = arith.constant 0 : i32
    %dma_wait3A_557 = tpu.memref_slice %arg10[%dma_wait3A_555, %dma_wait3A_556] : memref<16x2048xf32, #tpu.memory_space<vmem>> -> memref<16x1024xf32, #tpu.memory_space<vmem>>
    %dma_wait3A_558 = arith.constant 0 : i32
    %dma_wait3A_559 = arith.constant 0 : i32
    %dma_wait3A_560 = tpu.memref_slice %arg4[%dma_wait3A_558, %dma_wait3A_559] : memref<16x1000000xf32, #tpu.memory_space<hbm>> -> memref<16x1024xf32, #tpu.memory_space<hbm>>
    tpu.wait_dma2 semaphore(%arg14 : memref<!tpu.dma_semaphore, #tpu.memory_space<semaphore_mem>>) src(%dma_wait3A_560 : memref<16x1024xf32, #tpu.memory_space<hbm>>) dst(%dma_wait3A_557 : memref<16x1024xf32, #tpu.memory_space<vmem>>)
    %dma_wait3A_561 = arith.constant 0 : i32
    %dma_wait3A_562 = arith.constant 0 : i32
    %dma_wait3A_563 = tpu.memref_slice %arg11[%dma_wait3A_561, %dma_wait3A_562] : memref<16x2048xf32, #tpu.memory_space<vmem>> -> memref<16x1024xf32, #tpu.memory_space<vmem>>
    %dma_wait3A_564 = arith.constant 0 : i32
    %dma_wait3A_565 = arith.constant 0 : i32
    %dma_wait3A_566 = tpu.memref_slice %arg5[%dma_wait3A_564, %dma_wait3A_565] : memref<16x1000000xf32, #tpu.memory_space<hbm>> -> memref<16x1024xf32, #tpu.memory_space<hbm>>
    %dma_wait3A_567 = arith.constant 0 : i32
    %dma_wait3A_568 = arith.constant 0 : i32
    %dma_wait3A_569 = tpu.memref_slice %arg11[%dma_wait3A_567, %dma_wait3A_568] : memref<16x2048xf32, #tpu.memory_space<vmem>> -> memref<16x1024xf32, #tpu.memory_space<vmem>>
    %dma_wait3A_570 = arith.constant 0 : i32
    %dma_wait3A_571 = arith.constant 0 : i32
    %dma_wait3A_572 = tpu.memref_slice %arg5[%dma_wait3A_570, %dma_wait3A_571] : memref<16x1000000xf32, #tpu.memory_space<hbm>> -> memref<16x1024xf32, #tpu.memory_space<hbm>>
    tpu.wait_dma2 semaphore(%arg15 : memref<!tpu.dma_semaphore, #tpu.memory_space<semaphore_mem>>) src(%dma_wait3A_572 : memref<16x1024xf32, #tpu.memory_space<hbm>>) dst(%dma_wait3A_569 : memref<16x1024xf32, #tpu.memory_space<vmem>>)
    %dma_wait3A_573 = arith.constant 0 : i32
    %dma_wait3A_574 = arith.constant 1024 : i32
    %dma_wait3A_575 = tpu.memref_slice %arg10[%dma_wait3A_573, %dma_wait3A_574] : memref<16x2048xf32, #tpu.memory_space<vmem>> -> memref<16x1024xf32, #tpu.memory_space<vmem>>
    %dma_wait3A_576 = arith.constant 0 : i32
    %dma_wait3A_577 = arith.constant 0 : i32
    %dma_wait3A_578 = tpu.memref_slice %arg4[%dma_wait3A_576, %dma_wait3A_577] : memref<16x1000000xf32, #tpu.memory_space<hbm>> -> memref<16x1024xf32, #tpu.memory_space<hbm>>
    %dma_wait3A_579 = arith.constant 0 : i32
    %dma_wait3A_580 = arith.constant 1024 : i32
    %dma_wait3A_581 = tpu.memref_slice %arg10[%dma_wait3A_579, %dma_wait3A_580] : memref<16x2048xf32, #tpu.memory_space<vmem>> -> memref<16x1024xf32, #tpu.memory_space<vmem>>
    %dma_wait3A_582 = arith.constant 0 : i32
    %dma_wait3A_583 = arith.constant 0 : i32
    %dma_wait3A_584 = tpu.memref_slice %arg4[%dma_wait3A_582, %dma_wait3A_583] : memref<16x1000000xf32, #tpu.memory_space<hbm>> -> memref<16x1024xf32, #tpu.memory_space<hbm>>
    tpu.wait_dma2 semaphore(%arg16 : memref<!tpu.dma_semaphore, #tpu.memory_space<semaphore_mem>>) src(%dma_wait3A_584 : memref<16x1024xf32, #tpu.memory_space<hbm>>) dst(%dma_wait3A_581 : memref<16x1024xf32, #tpu.memory_space<vmem>>)
    %dma_wait3A_585 = arith.constant 0 : i32
    %dma_wait3A_586 = arith.constant 1024 : i32
    %dma_wait3A_587 = tpu.memref_slice %arg11[%dma_wait3A_585, %dma_wait3A_586] : memref<16x2048xf32, #tpu.memory_space<vmem>> -> memref<16x1024xf32, #tpu.memory_space<vmem>>
    %dma_wait3A_588 = arith.constant 0 : i32
    %dma_wait3A_589 = arith.constant 0 : i32
    %dma_wait3A_590 = tpu.memref_slice %arg5[%dma_wait3A_588, %dma_wait3A_589] : memref<16x1000000xf32, #tpu.memory_space<hbm>> -> memref<16x1024xf32, #tpu.memory_space<hbm>>
    %dma_wait3A_591 = arith.constant 0 : i32
    %dma_wait3A_592 = arith.constant 1024 : i32
    %dma_wait3A_593 = tpu.memref_slice %arg11[%dma_wait3A_591, %dma_wait3A_592] : memref<16x2048xf32, #tpu.memory_space<vmem>> -> memref<16x1024xf32, #tpu.memory_space<vmem>>
    %dma_wait3A_594 = arith.constant 0 : i32
    %dma_wait3A_595 = arith.constant 0 : i32
    %dma_wait3A_596 = tpu.memref_slice %arg5[%dma_wait3A_594, %dma_wait3A_595] : memref<16x1000000xf32, #tpu.memory_space<hbm>> -> memref<16x1024xf32, #tpu.memory_space<hbm>>
    tpu.wait_dma2 semaphore(%arg17 : memref<!tpu.dma_semaphore, #tpu.memory_space<semaphore_mem>>) src(%dma_wait3A_596 : memref<16x1024xf32, #tpu.memory_space<hbm>>) dst(%dma_wait3A_593 : memref<16x1024xf32, #tpu.memory_space<vmem>>)
    %multiple_of3A_597 = tpu.assume_multiple %mul3A_2, 128 : i32
    "tpu.region"() ({
      %run_scoped3A = tpu.sem_alloc : memref<!tpu.dma_semaphore, #tpu.memory_space<semaphore_mem>>
      %dma_start3A_598 = arith.constant 0 : i32
      %dma_start3A_599 = tpu.memref_slice %arg6[%dma_start3A_598, %multiple_of3A_597] : memref<16x16384xf32, #tpu.memory_space<hbm>> -> memref<16x512xf32, #tpu.memory_space<hbm>>
      %dma_start3A_600 = arith.constant 0 : i32
      %dma_start3A_601 = tpu.memref_slice %arg6[%dma_start3A_600, %multiple_of3A_597] : memref<16x16384xf32, #tpu.memory_space<hbm>> -> memref<16x512xf32, #tpu.memory_space<hbm>>
      tpu.enqueue_dma source(%arg12 : memref<16x512xf32, #tpu.memory_space<vmem>>) target(%dma_start3A_601 : memref<16x512xf32, #tpu.memory_space<hbm>>) target_semaphore(%run_scoped3A : memref<!tpu.dma_semaphore, #tpu.memory_space<semaphore_mem>>)
      %dma_wait3A_602 = arith.constant 0 : i32
      %dma_wait3A_603 = tpu.memref_slice %arg6[%dma_wait3A_602, %multiple_of3A_597] : memref<16x16384xf32, #tpu.memory_space<hbm>> -> memref<16x512xf32, #tpu.memory_space<hbm>>
      %dma_wait3A_604 = arith.constant 0 : i32
      %dma_wait3A_605 = tpu.memref_slice %arg6[%dma_wait3A_604, %multiple_of3A_597] : memref<16x16384xf32, #tpu.memory_space<hbm>> -> memref<16x512xf32, #tpu.memory_space<hbm>>
      tpu.wait_dma2 semaphore(%run_scoped3A : memref<!tpu.dma_semaphore, #tpu.memory_space<semaphore_mem>>) src(%arg12 : memref<16x512xf32, #tpu.memory_space<vmem>>) dst(%dma_wait3A_605 : memref<16x512xf32, #tpu.memory_space<hbm>>)
      tpu.yield
    }) : () -> ()
    "tpu.region"() ({
      %run_scoped3A = tpu.sem_alloc : memref<!tpu.dma_semaphore, #tpu.memory_space<semaphore_mem>>
      %dma_start3A_598 = arith.constant 0 : i32
      %dma_start3A_599 = tpu.memref_slice %arg7[%dma_start3A_598, %multiple_of3A_597] : memref<16x16384xf32, #tpu.memory_space<hbm>> -> memref<16x512xf32, #tpu.memory_space<hbm>>
      %dma_start3A_600 = arith.constant 0 : i32
      %dma_start3A_601 = tpu.memref_slice %arg7[%dma_start3A_600, %multiple_of3A_597] : memref<16x16384xf32, #tpu.memory_space<hbm>> -> memref<16x512xf32, #tpu.memory_space<hbm>>
      tpu.enqueue_dma source(%arg13 : memref<16x512xf32, #tpu.memory_space<vmem>>) target(%dma_start3A_601 : memref<16x512xf32, #tpu.memory_space<hbm>>) target_semaphore(%run_scoped3A : memref<!tpu.dma_semaphore, #tpu.memory_space<semaphore_mem>>)
      %dma_wait3A_602 = arith.constant 0 : i32
      %dma_wait3A_603 = tpu.memref_slice %arg7[%dma_wait3A_602, %multiple_of3A_597] : memref<16x16384xf32, #tpu.memory_space<hbm>> -> memref<16x512xf32, #tpu.memory_space<hbm>>
      %dma_wait3A_604 = arith.constant 0 : i32
      %dma_wait3A_605 = tpu.memref_slice %arg7[%dma_wait3A_604, %multiple_of3A_597] : memref<16x16384xf32, #tpu.memory_space<hbm>> -> memref<16x512xf32, #tpu.memory_space<hbm>>
      tpu.wait_dma2 semaphore(%run_scoped3A : memref<!tpu.dma_semaphore, #tpu.memory_space<semaphore_mem>>) src(%arg13 : memref<16x512xf32, #tpu.memory_space<vmem>>) dst(%dma_wait3A_605 : memref<16x512xf32, #tpu.memory_space<hbm>>)
      tpu.yield
    }) : () -> ()
    return
  }
}

module attributes {stable_mosaic.version = 14 : i64} {
  func.func @_tc_body(%arg0: i32, %arg1: memref<16x8192xf32, #tpu.memory_space<vmem>>, %arg2: memref<16x8192xf32, #tpu.memory_space<vmem>>, %arg3: memref<64x16xf32, #tpu.memory_space<vmem>>, %arg4: memref<64x16xf32, #tpu.memory_space<vmem>>, %arg5: memref<64x1xf32, #tpu.memory_space<vmem>>, %arg6: memref<32x64xf32, #tpu.memory_space<vmem>>, %arg7: memref<32x1xf32, #tpu.memory_space<vmem>>, %arg8: memref<32x1xf32, #tpu.memory_space<vmem>>, %arg9: memref<1xf32, #tpu.memory_space<smem>>, %arg10: memref<8192xf32, #tpu.memory_space<vmem>>) attributes {dimension_semantics = [#tpu.dimension_semantics<arbitrary>], iteration_bounds = array<i64: 2>, scalar_prefetch = 0 : i64, scratch_operands = 0 : i64, tpu.core_type = #tpu.core_type<tc>, window_params = [{transform_indices = @transform_0, window_bounds = array<i64: 16, 8192>}, {transform_indices = @transform_1, window_bounds = array<i64: 16, 8192>}, {pipeline_mode = #tpu.pipeline_mode<synchronous>, transform_indices = @transform_2, window_bounds = array<i64: 64, 16>}, {pipeline_mode = #tpu.pipeline_mode<synchronous>, transform_indices = @transform_3, window_bounds = array<i64: 64, 16>}, {pipeline_mode = #tpu.pipeline_mode<synchronous>, transform_indices = @transform_4, window_bounds = array<i64: 64, 1>}, {pipeline_mode = #tpu.pipeline_mode<synchronous>, transform_indices = @transform_5, window_bounds = array<i64: 32, 64>}, {pipeline_mode = #tpu.pipeline_mode<synchronous>, transform_indices = @transform_6, window_bounds = array<i64: 32, 1>}, {pipeline_mode = #tpu.pipeline_mode<synchronous>, transform_indices = @transform_7, window_bounds = array<i64: 32, 1>}, {transform_indices = @transform_8, window_bounds = array<i64: 1>}, {transform_indices = @transform_9, window_bounds = array<i64: 8192>}]} {
    %get3A = arith.constant 0 : index
    %get3A_0 = arith.constant 0 : index
    %get3A_1 = vector.load %arg1[%get3A, %get3A_0] : memref<16x8192xf32, #tpu.memory_space<vmem>>, vector<16x8192xf32>
    %get3A_2 = arith.constant 0 : index
    %get3A_3 = arith.constant 0 : index
    %get3A_4 = vector.load %arg2[%get3A_2, %get3A_3] : memref<16x8192xf32, #tpu.memory_space<vmem>>, vector<16x8192xf32>
    %mul3A = arith.mulf %get3A_1, %get3A_4 : vector<16x8192xf32>
    %reduce_sum3A = arith.constant dense<0.000000e+00> : vector<8192xf32>
    %reduce_sum3A_5 = vector.multi_reduction <add>, %mul3A, %reduce_sum3A [0] : vector<16x8192xf32> to vector<8192xf32>
    %get3A_6 = arith.constant 0 : index
    %get3A_7 = arith.constant 0 : index
    %get3A_8 = vector.load %arg3[%get3A_6, %get3A_7] : memref<64x16xf32, #tpu.memory_space<vmem>>, vector<64x16xf32>
    %dot_general3A = arith.constant dense<0.000000e+00> : vector<64x8192xf32>
    %dot_general3A_9 = tpu.matmul %get3A_8, %get3A_1, %dot_general3A {dimension_numbers = #tpu.dot_dimension_numbers<[1], [0], [0], [1], [0, 0, 1, 1], [], []>, transpose_lhs_hint = false} : vector<64x16xf32>, vector<16x8192xf32>, vector<64x8192xf32> -> vector<64x8192xf32>
    %get3A_10 = arith.constant 0 : index
    %get3A_11 = arith.constant 0 : index
    %get3A_12 = vector.load %arg4[%get3A_10, %get3A_11] : memref<64x16xf32, #tpu.memory_space<vmem>>, vector<64x16xf32>
    %dot_general3A_13 = arith.constant dense<0.000000e+00> : vector<64x8192xf32>
    %dot_general3A_14 = tpu.matmul %get3A_12, %get3A_4, %dot_general3A_13 {dimension_numbers = #tpu.dot_dimension_numbers<[1], [0], [0], [1], [0, 0, 1, 1], [], []>, transpose_lhs_hint = false} : vector<64x16xf32>, vector<16x8192xf32>, vector<64x8192xf32> -> vector<64x8192xf32>
    %add3A = arith.addf %dot_general3A_9, %dot_general3A_14 : vector<64x8192xf32>
    %get3A_15 = arith.constant 0 : index
    %get3A_16 = arith.constant 0 : index
    %get3A_17 = vector.load %arg5[%get3A_15, %get3A_16] : memref<64x1xf32, #tpu.memory_space<vmem>>, vector<64x1xf32>
    %add3A_18 = vector.broadcast %get3A_17 : vector<64x1xf32> to vector<64x8192xf32>
    %add3A_19 = arith.addf %add3A, %add3A_18 : vector<64x8192xf32>
    %max3A = arith.constant 0.000000e+00 : f32
    %max3A_20 = vector.broadcast %max3A : f32 to vector<64x8192xf32>
    %max3A_21 = arith.maximumf %add3A_19, %max3A_20 : vector<64x8192xf32>
    %get3A_22 = arith.constant 0 : index
    %get3A_23 = arith.constant 0 : index
    %get3A_24 = vector.load %arg6[%get3A_22, %get3A_23] : memref<32x64xf32, #tpu.memory_space<vmem>>, vector<32x64xf32>
    %dot_general3A_25 = arith.constant dense<0.000000e+00> : vector<32x8192xf32>
    %dot_general3A_26 = tpu.matmul %get3A_24, %max3A_21, %dot_general3A_25 {dimension_numbers = #tpu.dot_dimension_numbers<[1], [0], [0], [1], [0, 0, 1, 1], [], []>, transpose_lhs_hint = false} : vector<32x64xf32>, vector<64x8192xf32>, vector<32x8192xf32> -> vector<32x8192xf32>
    %get3A_27 = arith.constant 0 : index
    %get3A_28 = arith.constant 0 : index
    %get3A_29 = vector.load %arg7[%get3A_27, %get3A_28] : memref<32x1xf32, #tpu.memory_space<vmem>>, vector<32x1xf32>
    %add3A_30 = vector.broadcast %get3A_29 : vector<32x1xf32> to vector<32x8192xf32>
    %add3A_31 = arith.addf %dot_general3A_26, %add3A_30 : vector<32x8192xf32>
    %max3A_32 = arith.constant 0.000000e+00 : f32
    %max3A_33 = vector.broadcast %max3A_32 : f32 to vector<32x8192xf32>
    %max3A_34 = arith.maximumf %add3A_31, %max3A_33 : vector<32x8192xf32>
    %get3A_35 = arith.constant 0 : index
    %get3A_36 = arith.constant 0 : index
    %get3A_37 = vector.load %arg8[%get3A_35, %get3A_36] : memref<32x1xf32, #tpu.memory_space<vmem>>, vector<32x1xf32>
    %mul3A_38 = vector.broadcast %get3A_37 : vector<32x1xf32> to vector<32x8192xf32>
    %mul3A_39 = arith.mulf %max3A_34, %mul3A_38 : vector<32x8192xf32>
    %reduce_sum3A_40 = arith.constant dense<0.000000e+00> : vector<8192xf32>
    %reduce_sum3A_41 = vector.multi_reduction <add>, %mul3A_39, %reduce_sum3A_40 [0] : vector<32x8192xf32> to vector<8192xf32>
    %add3A_42 = arith.addf %reduce_sum3A_5, %reduce_sum3A_41 : vector<8192xf32>
    %get3A_43 = arith.constant 0 : index
    %get3A_44 = memref.load %arg9[%get3A_43] : memref<1xf32, #tpu.memory_space<smem>>
    %add3A_45 = vector.broadcast %get3A_44 : f32 to vector<8192xf32>
    %add3A_46 = arith.addf %add3A_42, %add3A_45 : vector<8192xf32>
    %swap3A = arith.constant 0 : index
    %swap3A_47 = vector.load %arg10[%swap3A] : memref<8192xf32, #tpu.memory_space<vmem>>, vector<8192xf32>
    tpu.vector_store %arg10[%swap3A], %add3A_46 {strides = array<i32>} : memref<8192xf32, #tpu.memory_space<vmem>>, vector<8192xf32>,
    return
  }
  func.func @transform_0(%arg0: i32) -> (i32, i32) {
    %c0_i32 = arith.constant 0 : i32
    %c0_i32_0 = arith.constant 0 : i32
    return %c0_i32, %arg0 : i32, i32
  }
  func.func @transform_1(%arg0: i32) -> (i32, i32) {
    %c0_i32 = arith.constant 0 : i32
    %c0_i32_0 = arith.constant 0 : i32
    return %c0_i32, %arg0 : i32, i32
  }
  func.func @transform_2(%arg0: i32) -> (i32, i32) {
    %c0_i32 = arith.constant 0 : i32
    %c0_i32_0 = arith.constant 0 : i32
    %c0_i32_1 = arith.constant 0 : i32
    return %c0_i32, %c0_i32_0 : i32, i32
  }
  func.func @transform_3(%arg0: i32) -> (i32, i32) {
    %c0_i32 = arith.constant 0 : i32
    %c0_i32_0 = arith.constant 0 : i32
    %c0_i32_1 = arith.constant 0 : i32
    return %c0_i32, %c0_i32_0 : i32, i32
  }
  func.func @transform_4(%arg0: i32) -> (i32, i32) {
    %c0_i32 = arith.constant 0 : i32
    %c0_i32_0 = arith.constant 0 : i32
    %c0_i32_1 = arith.constant 0 : i32
    return %c0_i32, %c0_i32_0 : i32, i32
  }
  func.func @transform_5(%arg0: i32) -> (i32, i32) {
    %c0_i32 = arith.constant 0 : i32
    %c0_i32_0 = arith.constant 0 : i32
    %c0_i32_1 = arith.constant 0 : i32
    return %c0_i32, %c0_i32_0 : i32, i32
  }
  func.func @transform_6(%arg0: i32) -> (i32, i32) {
    %c0_i32 = arith.constant 0 : i32
    %c0_i32_0 = arith.constant 0 : i32
    %c0_i32_1 = arith.constant 0 : i32
    return %c0_i32, %c0_i32_0 : i32, i32
  }
  func.func @transform_7(%arg0: i32) -> (i32, i32) {
    %c0_i32 = arith.constant 0 : i32
    %c0_i32_0 = arith.constant 0 : i32
    %c0_i32_1 = arith.constant 0 : i32
    return %c0_i32, %c0_i32_0 : i32, i32
  }
  func.func @transform_8(%arg0: i32) -> i32 {
    %c0_i32 = arith.constant 0 : i32
    %c0_i32_0 = arith.constant 0 : i32
    return %c0_i32 : i32
  }
  func.func @transform_9(%arg0: i32) -> i32 {
    %c0_i32 = arith.constant 0 : i32
    return %arg0 : i32
  }
}

</mosaic_0001>

<sc_bundles>
// kernel: kernel.4.cloned.1.call-start
scs
__scs_entry_jumppad:
0x0: {  	(pc) =	sbr.rel $0x88, $3  }
0x1: {  	(tag) =	ssettag $0x0;
	lr =	simm.s32 $0x1  }
0x2: {  	[smem:$0x3F96] =	sst lr;
	_ =	strace $0xD0000000  }
0x3: {  	_ = 	snop  }
0x4: {  	_ = 	snop  }
0x5: {  	_ = 	snop  }
0x6: {  	_ = 	snop  }
0x7: {  	_ = 	snop  }
__scs_overlays_trampoline_lowered:
0x8: {  	[smem:$0x3FA5] =	sst s0  }
0x9: {  	[smem:$0x3FA6] =	sst s1  }
0xa: {  	[smem:$0x3FA7] =	sst s2  }
0xb: {  	[smem:$0x3FA8] =	sst s3  }
0xc: {  	[smem:$0x3FA9] =	sst s4  }
0xd: {  	[smem:$0x3FAA] =	sst s5  }
0xe: {  	[smem:$0x3FAB] =	sst s6  }
0xf: {  	[smem:$0x3FAC] =	sst s7  }
0x10: {  	[smem:$0x3FAD] =	sst s8  }
0x11: {  	[smem:$0x3FAE] =	sst s9;
	s0 =	simm.s32 @!p0 $0x0  }
0x12: {  	s1 =	sld [smem:$0x3F94];
	s0 =	simm.s32 @p0 $0x1  }
0x13: {  	[smem:$0x3FAF] =	sst s0;
	s0 =	simm.s32 @!p1 $0x0  }
0x14: {  	s2 =	sld [smem:$0x3F93];
	s0 =	simm.s32 @p1 $0x1  }
0x15: {  	[smem:$0x3FB0] =	sst s0;
	s0 =	simm.s32 @!p2 $0x0  }
0x16: {  	s3 =	sld [smem:$0x3FDB];
	s0 =	simm.s32 @p2 $0x1  }
0x17: {  	s4 =	simm.s32 $0x1BF5;
	[smem:$0x3FB2] =	sst s0  }
0x18: {  	s0 =	sld [smem:$0x3F95];
	_ =	swait.ge [sflag:s4], $0x0  }
0x19: {  	s7 =	sld [smem:$0x3F96]  }
0x1a: {  	s8 =	sadd.s32 $0xFFFFE003, lr  }
0x1b: {  	s9 =	sadd.s32 $0xFFFFFEF7, lr;
	s5 =	simm.s32 $0xFFFFFFFF;
	p2 =	slt.u32 s8, $0xFFFFF086  }
0x1c: {  	p1 =	slt.u32 s9, $0xF7A;
	s5 =	simm.s32 @!p2 $0x0  }
0x1d: {  	s5 =	simm.s32 @p1 $0x1;
	p0 =	seq.s32 s7, s2  }
0x1e: {  	s7 =	smul.u32 @!p0 $0xF7A, s2;
	p2 =	seq.s32 @!p0 s5, $0x0  }
0x1f: {  	s9 =	smul.u32 $0xF7A, s1;
	s8 =	simm.s32 @!p0 $0x1BF5;
	p2 =	por !p2, p0  }
0x20: {  	[sflag:s8] =	ssyncset.s32 @!p0 $0xFFFFF086;
	s6 =	sadd.s32 @!p0 s3, s7;
	s7 =	simm.s32 @!p0 $0x108  }
0x21: {  	s3 =	sadd.s32 s3, s9;
	s6 =	sadd.s32 @!p0 $0x88, s6;
	s7 =	simm.s32 @p2 $0x1082  }
0x22: {  	[simem:s7], [sflag:s8] =	dma.local @!p0 [hbm:s6], $0xF7A  }
0x23: {  	s9 =	sor.u32 $0xD0000000, s2;
	s6 =	simm.s32 $0x108;
	_ =	swait.ge @!p0 [sflag:s8], $0x0  }
0x24: {  	s3 =	sadd.s32 $0x88, s3;
	s6 =	simm.s32 @!p1 $0x1082;
	[sflag:s4] =	ssyncset.s32 $0xFFFFF086  }
0x25: {  	[simem:s6], [sflag:s4] =	dma.local [hbm:s3], $0xF7A  }
0x26: {  	[smem:$0x3F96] =	sst s1;
	(tag) =	ssettag s2;
	_ =	strace s9  }
0x27: {  	s1 =	sld [smem:$0x3FA6]  }
0x28: {  	s2 =	sld [smem:$0x3FA7]  }
0x29: {  	s4 =	sld [smem:$0x3FA9]  }
0x2a: {  	p0 =	seq.s32 s5, $0x0;
	s5 =	sld [smem:$0x3FAA]  }
0x2b: {  	s6 =	sld [smem:$0x3FAB]  }
0x2c: {  	s7 =	sld [smem:$0x3FAC]  }
0x2d: {  	s3 =	simm.s32 $0x108;
	s8 =	sld [smem:$0x3FAD]  }
0x2e: {  	s3 =	simm.s32 @!p0 $0x1082;
	s9 =	sld [smem:$0x3FAE]  }
0x2f: {  	lr =	sadd.s32 s0, s3;
	s0 =	sld [smem:$0x3FA5]  }
0x30: {  	s3 =	sld [smem:$0x3FA8]  }
0x31: {  	[smem:$0x3FB1] =	sst s10  }
0x32: {  	s10 =	sld [smem:$0x3FAF];
	_ =	sdelay $0x3  }
0x33: {  	p0 =	seq.s32 s10, $0x1;
	s10 =	sld [smem:$0x3FB1];
	_ =	sdelay $0x3  }
0x34: {  	[smem:$0x3FB1] =	sst s10  }
0x35: {  	s10 =	sld [smem:$0x3FB0];
	_ =	sdelay $0x3  }
0x36: {  	p1 =	seq.s32 s10, $0x1;
	s10 =	sld [smem:$0x3FB1];
	_ =	sdelay $0x3  }
0x37: {  	[smem:$0x3FB1] =	sst s10  }
0x38: {  	s10 =	sld [smem:$0x3FB2]  }
0x39: {  	_ = 	snop;
	(pc) =	sbr.ind lr, $3  }
0x3a: {  	_ = 	snop  }
0x3b: {  	_ = 	snop  }
0x3c: {  	p2 =	seq.s32 s10, $0x1;
	s10 =	sld [smem:$0x3FB1]  }
0x3d: {  	_ =	shalt  }
0x3e: {  	_ =	shalt  }
0x3f: {  	_ =	shalt  }
0x40: {  	_ =	shalt  }
0x41: {  	_ =	shalt  }
0x42: {  	_ =	shalt  }
0x43: {  	_ =	shalt  }
0x44: {  	_ =	shalt  }
0x45: {  	_ =	shalt  }
0x46: {  	_ =	shalt  }
0x47: {  	_ =	shalt  }
0x48: {  	_ =	shalt  }
0x49: {  	_ =	shalt  }
0x4a: {  	_ =	shalt  }
0x4b: {  	_ =	shalt  }
0x4c: {  	_ =	shalt  }
0x4d: {  	_ =	shalt  }
0x4e: {  	_ =	shalt  }
0x4f: {  	_ =	shalt  }
0x50: {  	_ =	shalt  }
0x51: {  	_ =	shalt  }
0x52: {  	_ =	shalt  }
0x53: {  	_ =	shalt  }
0x54: {  	_ =	shalt  }
0x55: {  	_ =	shalt  }
0x56: {  	_ =	shalt  }
0x57: {  	_ =	shalt  }
0x58: {  	_ =	shalt  }
0x59: {  	_ =	shalt  }
0x5a: {  	_ =	shalt  }
0x5b: {  	_ =	shalt  }
0x5c: {  	_ =	shalt  }
0x5d: {  	_ =	shalt  }
0x5e: {  	_ =	shalt  }
0x5f: {  	_ =	shalt  }
0x60: {  	_ =	shalt  }
0x61: {  	_ =	shalt  }
0x62: {  	_ =	shalt  }
0x63: {  	_ =	shalt  }
0x64: {  	_ =	shalt  }
0x65: {  	_ =	shalt  }
0x66: {  	_ =	shalt  }
0x67: {  	_ =	shalt  }
0x68: {  	_ =	shalt  }
0x69: {  	_ =	shalt  }
0x6a: {  	_ =	shalt  }
0x6b: {  	_ =	shalt  }
0x6c: {  	_ =	shalt  }
0x6d: {  	_ =	shalt  }
0x6e: {  	_ =	shalt  }
0x6f: {  	_ =	shalt  }
0x70: {  	_ =	shalt  }
0x71: {  	_ =	shalt  }
0x72: {  	_ =	shalt  }
0x73: {  	_ =	shalt  }
0x74: {  	_ =	shalt  }
0x75: {  	_ =	shalt  }
0x76: {  	_ =	shalt  }
0x77: {  	_ =	shalt  }
0x78: {  	_ =	shalt  }
0x79: {  	_ =	shalt  }
0x7a: {  	_ =	shalt  }
0x7b: {  	_ =	shalt  }
0x7c: {  	_ =	shalt  }
0x7d: {  	_ =	shalt  }
0x7e: {  	_ =	shalt  }
0x7f: {  	_ =	shalt  }
0x80: {  	_ =	shalt  }
0x81: {  	_ =	shalt  }
0x82: {  	_ =	shalt  }
0x83: {  	_ =	shalt  }
0x84: {  	_ =	shalt  }
0x85: {  	_ =	shalt  }
0x86: {  	_ =	shalt  }
0x87: {  	_ =	shalt  }
.Lfunc_end0:
.L_simem_size_0:
called_computation_lowered:
.L_overlay_start_0:
0x88: {  	s2 =	sld [smem:$0x3FD9]  }
0x89: {  	s3 =	sld [smem:$0x3FFE];
	_ =	sdelay $0x1  }
0x8a: {  	s1 =	srdreg.scid  }
0x8b: {  	s0 =	sand.u32 $0x1, s1  }
0x8c: {  	s17 =	sshll.u32 s0, $0xA;
	s2 =	sadd.s32 s3, s2  }
0x8d: {  	s2 =	sadd.s32 s2, s17  }
0x8e: {  	[smem:$0x3FBD] =	sst s2  }
0x8f: {  	_ = 	snop  }
0x90: {  	s2 =	sld [smem:$0x3FC9]  }
0x91: {  	s18 =	sld [smem:$0x3FC8]  }
0x92: {  	s4 =	sld [smem:$0x3FC7]  }
0x93: {  	s5 =	sld [smem:$0x3FC6];
	(tm) =	ssettm $0x1  }
0x94: {  	s6 =	sld [smem:$0x3FFB];
	_ =	sdelay $0x3  }
0x95: {  	_ =	strace s6  }
0x96: {  	s6 =	sld [smem:$0x3FFC];
	_ =	sdelay $0x3  }
0x97: {  	_ =	strace s6  }
0x98: {  	s6 =	sld [smem:$0x3FFD];
	_ =	sdelay $0x3  }
0x99: {  	_ =	strace s6  }
0x9a: {  	_ =	strace $0x8FFFFFFF  }
0x9b: {  	s19 =	sld [smem:$0x3FDB];
	_ =	sdelay $0x1  }
0x9c: {  	s7 =	simm.s32 $_scs_section_size  }
0x9d: {  	s8 =	simm.s32 $_size__tile_overlayer_lowered;
	s9 =	simm.s32 $_tile_overlayer_lowered  }
0x9e: {  	s22 =	simm.s32 $0x1BFF;
	s21 =	sshll.u32 s9, $0x1;
	s6 =	sadd.s32 s7, s19  }
0x9f: {  	s10 =	simm.s32 $0x0;
	s20 =	sshll.u32 s8, $0x1;
	s8 =	sadd.s32 s21, s6  }
0xa0: {  	[timem:s10], [sflag:s22] =	dma.local [hbm:s8], s20  }
0xa1: {  	_ =	swait.ge [sflag:s22], s20  }
0xa2: {  	s7 =	ssub.s32 $0x0, s20;
	[sflag:s22] =	ssyncset.done $0x0  }
0xa3: {  	[sflag:s22] =	ssyncadd.s32 s7;
	_ =	sdelay $0x1  }
0xa4: {  	s23 =	simm.s32 $0x1B8B  }
0xa5: {  	_ =	swait.ge [sflag:s23], $0x1  }
0xa6: {  	[sflag:s23] =	ssyncset.done $0x0  }
0xa7: {  	s25 =	simm.s32 $0x1B8E;
	s24 =	sld [smem:$0x3FFE];
	[sflag:s23] =	ssyncadd.s32 $0xFFFFFFFF  }
0xa8: {  	s26 =	simm.s32 $execute0_lowered;
	[smem:$0x3FD2] =	sst s25  }
0xa9: {  	s8 =	sshll.u32 s26, $0x1;
	_ =	strace $0x80000046;
	[dreg:$0x1] =	wrdreg $0xFFFFFFFF  }
0xaa: {  	s28 =	simm.s32 $_size_execute0_lowered;
	s6 =	sadd.s32 s6, s8;
	[dreg:$0x0] =	wrdreg $0x0  }
0xab: {  	s8 =	sshll.u32 s28, $0x1;
	[dreg:$0x2] =	wrdreg s6  }
0xac: {  	[dreg:$0x3] =	wrdreg s8  }
0xad: {  	[dreg:$0x4] =	wrdreg $0xC0  }
0xae: {  	_ =	task [dreg:s10], $0x5FFFF  }
0xaf: {  	[dreg:$0x1] =	wrdreg $0xFFFFFFFF  }
0xb0: {  	[dreg:$0x0] =	wrdreg $0x60  }
0xb1: {  	[dreg:$0x2] =	wrdreg s2  }
0xb2: {  	[dreg:$0x3] =	wrdreg s18  }
0xb3: {  	[dreg:$0x4] =	wrdreg s4  }
0xb4: {  	[dreg:$0x5] =	wrdreg s5  }
0xb5: {  	[dreg:$0x6] =	wrdreg s24  }
0xb6: {  	[dreg:$0x7] =	wrdreg $0x9  }
0xb7: {  	_ =	task.clear_ibuf [dreg:s10], $0x8FFFF;
	_ =	strace $0x90000046  }
0xb8: {  	s29 =	simm.s32 $0x9;
	_ =	strace $0x80000048  }
0xb9: {  	_ =	swait.ge [sflag:s29], $0x1  }
0xba: {  	[sflag:s29] =	ssyncadd.s32 $0xFFFFFFFF  }
0xbb: {  	_ =	strace $0x90000048  }
0xbc: {  	_ =	sfence  }
0xbd: {  	s30 =	sld [smem:$0x0];
	_ =	sdelay $0x2  }
0xbe: {  	s31 =	sshll.u32 s1, $0xD;
	s1 =	sshrl.u32 s1, $0x2  }
0xbf: {  	s3 =	sand.u32 $0x4000, s31;
	s1 =	sadd.s32 s1, s30  }
0xc0: {  	s0 =	sor.u32 s3, s0;
	s1 =	sshll.u32 s1, $0x11  }
0xc1: {  	s0 =	sor.u32 s1, s0  }
0xc2: {  	s0 =	sadd.s32 $0x8F2B, s0  }
0xc3: {  	[sflag:s0] =	ssyncadd.remote.s32 $0x1  }
0xc4: {  	_ =	sfence.sel $0xFFFF  }
0xc5: {  	[dreg:$0x0] =	wrdreg $0xFFFFFFFF;
	(pc) =	sbr.abs _section_cstart, $3  }
0xc6: {  	[dreg:$0x1] =	wrdreg $0xFFFFFFFF  }
0xc7: {  	_ =	task.clear_ibuf [dreg:s10], $0x2FFFF;
	_ =	strace $0x9FFFFFFF  }
0xc8: {  	(tm) =	ssettm $0x7FFFFFFF  }
0xc9: {  	_ =	shalt  }
tec
execute0_lowered:
.L_overlay_start_1:
0x0: {  	(tag) =	ssettag $0x1  }
0x1: {  	v0 =	vimm.s32 $0x4380;
	vm14 =	vcmask $0x300  }
0x2: {  	v1 =	vimm.s32 $0x1380;
	vm13 =	vcmask $0x704;
	vm12 =	vcmask $0xB08  }
0x3: {  	vm11 =	vcmask $0xF0C;
	vm10 =	vcmask $0x1310;
	vm9 =	vcmask $0x1714  }
0x4: {  	vm8 =	vcmask $0x1B18;
	vm7 =	vcmask $0x1F1C;
	vm6 =	vcmask $0x2320  }
0x5: {  	vm5 =	vcmask $0x2724;
	vm4 =	vcmask $0x2B28;
	vm3 =	vcmask $0x2F2C  }
0x6: {  	vm2 =	vcmask $0x3330;
	vm1 =	vcmask $0x3734;
	vm0 =	vcmask $0x3B38  }
0x7: {  	v2 =	vimm.s32 $0x4780;
	v3 =	vimm.s32 $0x4B80;
	v4 =	vimm.s32 $0x4F80  }
0x8: {  	v5 =	vimm.s32 $0x5380;
	v6 =	vimm.s32 $0x5780;
	v7 =	vimm.s32 $0x5B80  }
0x9: {  	v8 =	vimm.s32 $0x5F80;
	v9 =	vimm.s32 $0x6380;
	v10 =	vimm.s32 $0x6780  }
0xa: {  	v11 =	vimm.s32 $0x6B80;
	v12 =	vimm.s32 $0x6F80;
	v13 =	vimm.s32 $0x7380  }
0xb: {  	v14 =	vimm.s32 $0x7780;
	v15 =	vimm.s32 $0x7B80;
	v16 =	vimm.s32 $0x7F80  }
0xc: {  	v0 =	vsel vm14, $0x0, v0;
	v1 =	vsel vm14, $0x0, v1;
	v2 =	vsel vm14, $0x400, v2  }
0xd: {  	v3 =	vsel vm14, $0x800, v3;
	v4 =	vsel vm14, $0xC00, v4;
	v5 =	vsel vm14, $0x1000, v5  }
0xe: {  	v6 =	vsel vm14, $0x1400, v6;
	v7 =	vsel vm14, $0x1800, v7;
	v8 =	vsel vm14, $0x1C00, v8  }
0xf: {  	v9 =	vsel vm14, $0x2000, v9;
	v10 =	vsel vm14, $0x2400, v10;
	v11 =	vsel vm14, $0x2800, v11  }
0x10: {  	v12 =	vsel vm14, $0x2C00, v12;
	v13 =	vsel vm14, $0x3000, v13;
	v14 =	vsel vm14, $0x3400, v14  }
0x11: {  	v15 =	vsel vm14, $0x3800, v15;
	v16 =	vsel vm14, $0x3C00, v16;
	v0 =	vsel vm13, $0x80, v0  }
0x12: {  	v1 =	vsel vm13, $0x80, v1;
	v2 =	vsel vm13, $0x480, v2;
	v3 =	vsel vm13, $0x880, v3  }
0x13: {  	v4 =	vsel vm13, $0xC80, v4;
	v5 =	vsel vm13, $0x1080, v5;
	v6 =	vsel vm13, $0x1480, v6  }
0x14: {  	v7 =	vsel vm13, $0x1880, v7;
	v8 =	vsel vm13, $0x1C80, v8;
	v9 =	vsel vm13, $0x2080, v9  }
0x15: {  	v10 =	vsel vm13, $0x2480, v10;
	v11 =	vsel vm13, $0x2880, v11;
	v12 =	vsel vm13, $0x2C80, v12  }
0x16: {  	v13 =	vsel vm13, $0x3080, v13;
	v14 =	vsel vm13, $0x3480, v14;
	v15 =	vsel vm13, $0x3880, v15  }
0x17: {  	v16 =	vsel vm13, $0x3C80, v16;
	v0 =	vsel vm12, $0x100, v0;
	v1 =	vsel vm12, $0x100, v1  }
0x18: {  	v2 =	vsel vm12, $0x500, v2;
	v3 =	vsel vm12, $0x900, v3;
	v4 =	vsel vm12, $0xD00, v4  }
0x19: {  	v5 =	vsel vm12, $0x1100, v5;
	v6 =	vsel vm12, $0x1500, v6;
	v7 =	vsel vm12, $0x1900, v7  }
0x1a: {  	v8 =	vsel vm12, $0x1D00, v8;
	v9 =	vsel vm12, $0x2100, v9;
	v10 =	vsel vm12, $0x2500, v10  }
0x1b: {  	v11 =	vsel vm12, $0x2900, v11;
	v12 =	vsel vm12, $0x2D00, v12;
	v13 =	vsel vm12, $0x3100, v13  }
0x1c: {  	v14 =	vsel vm12, $0x3500, v14;
	v15 =	vsel vm12, $0x3900, v15;
	v16 =	vsel vm12, $0x3D00, v16  }
0x1d: {  	v0 =	vsel vm11, $0x180, v0;
	v1 =	vsel vm11, $0x180, v1;
	v2 =	vsel vm11, $0x580, v2  }
0x1e: {  	v3 =	vsel vm11, $0x980, v3;
	v4 =	vsel vm11, $0xD80, v4;
	v5 =	vsel vm11, $0x1180, v5  }
0x1f: {  	v6 =	vsel vm11, $0x1580, v6;
	v7 =	vsel vm11, $0x1980, v7;
	v8 =	vsel vm11, $0x1D80, v8  }
0x20: {  	v9 =	vsel vm11, $0x2180, v9;
	v10 =	vsel vm11, $0x2580, v10;
	v11 =	vsel vm11, $0x2980, v11  }
0x21: {  	v12 =	vsel vm11, $0x2D80, v12;
	v13 =	vsel vm11, $0x3180, v13;
	v14 =	vsel vm11, $0x3580, v14  }
0x22: {  	v15 =	vsel vm11, $0x3980, v15;
	v16 =	vsel vm11, $0x3D80, v16;
	v0 =	vsel vm10, $0x200, v0  }
0x23: {  	v1 =	vsel vm10, $0x200, v1;
	v2 =	vsel vm10, $0x600, v2;
	v3 =	vsel vm10, $0xA00, v3  }
0x24: {  	v4 =	vsel vm10, $0xE00, v4;
	v5 =	vsel vm10, $0x1200, v5;
	v6 =	vsel vm10, $0x1600, v6  }
0x25: {  	v7 =	vsel vm10, $0x1A00, v7;
	v8 =	vsel vm10, $0x1E00, v8;
	v9 =	vsel vm10, $0x2200, v9  }
0x26: {  	v10 =	vsel vm10, $0x2600, v10;
	v11 =	vsel vm10, $0x2A00, v11;
	v12 =	vsel vm10, $0x2E00, v12  }
0x27: {  	v13 =	vsel vm10, $0x3200, v13;
	v14 =	vsel vm10, $0x3600, v14;
	v15 =	vsel vm10, $0x3A00, v15  }
0x28: {  	v16 =	vsel vm10, $0x3E00, v16;
	v0 =	vsel vm9, $0x280, v0;
	v1 =	vsel vm9, $0x280, v1  }
0x29: {  	v2 =	vsel vm9, $0x680, v2;
	v3 =	vsel vm9, $0xA80, v3;
	v4 =	vsel vm9, $0xE80, v4  }
0x2a: {  	v5 =	vsel vm9, $0x1280, v5;
	v6 =	vsel vm9, $0x1680, v6;
	v7 =	vsel vm9, $0x1A80, v7  }
0x2b: {  	v8 =	vsel vm9, $0x1E80, v8;
	v9 =	vsel vm9, $0x2280, v9;
	v10 =	vsel vm9, $0x2680, v10  }
0x2c: {  	v11 =	vsel vm9, $0x2A80, v11;
	v12 =	vsel vm9, $0x2E80, v12;
	v13 =	vsel vm9, $0x3280, v13  }
0x2d: {  	v14 =	vsel vm9, $0x3680, v14;
	v15 =	vsel vm9, $0x3A80, v15;
	v16 =	vsel vm9, $0x3E80, v16  }
0x2e: {  	v0 =	vsel vm8, $0x300, v0;
	v1 =	vsel vm8, $0x300, v1;
	v2 =	vsel vm8, $0x700, v2  }
0x2f: {  	v3 =	vsel vm8, $0xB00, v3;
	v4 =	vsel vm8, $0xF00, v4;
	v5 =	vsel vm8, $0x1300, v5  }
0x30: {  	v6 =	vsel vm8, $0x1700, v6;
	v7 =	vsel vm8, $0x1B00, v7;
	v8 =	vsel vm8, $0x1F00, v8  }
0x31: {  	v9 =	vsel vm8, $0x2300, v9;
	v10 =	vsel vm8, $0x2700, v10;
	v11 =	vsel vm8, $0x2B00, v11  }
0x32: {  	v12 =	vsel vm8, $0x2F00, v12;
	v13 =	vsel vm8, $0x3300, v13;
	v14 =	vsel vm8, $0x3700, v14  }
0x33: {  	v15 =	vsel vm8, $0x3B00, v15;
	v16 =	vsel vm8, $0x3F00, v16;
	v0 =	vsel vm7, $0x380, v0  }
0x34: {  	v1 =	vsel vm7, $0x380, v1;
	v2 =	vsel vm7, $0x780, v2;
	v3 =	vsel vm7, $0xB80, v3  }
0x35: {  	v4 =	vsel vm7, $0xF80, v4;
	v5 =	vsel vm7, $0x1380, v5;
	v6 =	vsel vm7, $0x1780, v6  }
0x36: {  	v7 =	vsel vm7, $0x1B80, v7;
	v8 =	vsel vm7, $0x1F80, v8;
	v9 =	vsel vm7, $0x2380, v9  }
0x37: {  	v10 =	vsel vm7, $0x2780, v10;
	v11 =	vsel vm7, $0x2B80, v11;
	v12 =	vsel vm7, $0x2F80, v12  }
0x38: {  	v13 =	vsel vm7, $0x3380, v13;
	v14 =	vsel vm7, $0x3780, v14;
	v15 =	vsel vm7, $0x3B80, v15  }
0x39: {  	v16 =	vsel vm7, $0x3F80, v16;
	v0 =	vsel vm6, $0x4000, v0;
	v1 =	vsel vm6, $0x1000, v1  }
0x3a: {  	v2 =	vsel vm6, $0x4400, v2;
	v3 =	vsel vm6, $0x4800, v3;
	v4 =	vsel vm6, $0x4C00, v4  }
0x3b: {  	v5 =	vsel vm6, $0x5000, v5;
	v6 =	vsel vm6, $0x5400, v6;
	v7 =	vsel vm6, $0x5800, v7  }
0x3c: {  	v8 =	vsel vm6, $0x5C00, v8;
	v9 =	vsel vm6, $0x6000, v9;
	v10 =	vsel vm6, $0x6400, v10  }
0x3d: {  	v11 =	vsel vm6, $0x6800, v11;
	v12 =	vsel vm6, $0x6C00, v12;
	v13 =	vsel vm6, $0x7000, v13  }
0x3e: {  	v14 =	vsel vm6, $0x7400, v14;
	v15 =	vsel vm6, $0x7800, v15;
	v16 =	vsel vm6, $0x7C00, v16  }
0x3f: {  	v0 =	vsel vm5, $0x4080, v0;
	v1 =	vsel vm5, $0x1080, v1;
	v2 =	vsel vm5, $0x4480, v2  }
0x40: {  	v3 =	vsel vm5, $0x4880, v3;
	v4 =	vsel vm5, $0x4C80, v4;
	v5 =	vsel vm5, $0x5080, v5  }
0x41: {  	v6 =	vsel vm5, $0x5480, v6;
	v7 =	vsel vm5, $0x5880, v7;
	v8 =	vsel vm5, $0x5C80, v8  }
0x42: {  	v9 =	vsel vm5, $0x6080, v9;
	v10 =	vsel vm5, $0x6480, v10;
	v11 =	vsel vm5, $0x6880, v11  }
0x43: {  	v12 =	vsel vm5, $0x6C80, v12;
	v13 =	vsel vm5, $0x7080, v13;
	v14 =	vsel vm5, $0x7480, v14  }
0x44: {  	v15 =	vsel vm5, $0x7880, v15;
	v16 =	vsel vm5, $0x7C80, v16;
	v0 =	vsel vm4, $0x4100, v0  }
0x45: {  	v1 =	vsel vm4, $0x1100, v1;
	v2 =	vsel vm4, $0x4500, v2;
	v3 =	vsel vm4, $0x4900, v3  }
0x46: {  	v4 =	vsel vm4, $0x4D00, v4;
	v5 =	vsel vm4, $0x5100, v5;
	v6 =	vsel vm4, $0x5500, v6  }
0x47: {  	v7 =	vsel vm4, $0x5900, v7;
	v8 =	vsel vm4, $0x5D00, v8;
	v9 =	vsel vm4, $0x6100, v9  }
0x48: {  	v10 =	vsel vm4, $0x6500, v10;
	v11 =	vsel vm4, $0x6900, v11;
	v12 =	vsel vm4, $0x6D00, v12  }
0x49: {  	v13 =	vsel vm4, $0x7100, v13;
	v14 =	vsel vm4, $0x7500, v14;
	v15 =	vsel vm4, $0x7900, v15  }
0x4a: {  	v16 =	vsel vm4, $0x7D00, v16;
	v0 =	vsel vm3, $0x4180, v0;
	v1 =	vsel vm3, $0x1180, v1  }
0x4b: {  	s2 =	rddreg [dreg:$0x0];
	v2 =	vsel vm3, $0x4580, v2;
	v3 =	vsel vm3, $0x4980, v3;
	v4 =	vsel vm3, $0x4D80, v4  }
0x4c: {  	s4 =	rddreg [dreg:$0x1];
	v5 =	vsel vm3, $0x5180, v5;
	v6 =	vsel vm3, $0x5580, v6;
	v7 =	vsel vm3, $0x5980, v7  }
0x4d: {  	s0 =	rddreg [dreg:$0x2];
	v8 =	vsel vm3, $0x5D80, v8;
	v9 =	vsel vm3, $0x6180, v9;
	v10 =	vsel vm3, $0x6580, v10  }
0x4e: {  	s1 =	rddreg [dreg:$0x3];
	v11 =	vsel vm3, $0x6980, v11;
	v12 =	vsel vm3, $0x6D80, v12;
	v13 =	vsel vm3, $0x7180, v13  }
0x4f: {  	s5 =	rddreg [dreg:$0x4];
	v14 =	vsel vm3, $0x7580, v14;
	v15 =	vsel vm3, $0x7980, v15;
	v16 =	vsel vm3, $0x7D80, v16  }
0x50: {  	s3 =	simm.s32 $0x0;
	s6 =	srdreg.scid;
	s7 =	stileid.u32;
	v0 =	vsel vm2, $0x4200, v0;
	v1 =	vsel vm2, $0x1200, v1;
	v2 =	vsel vm2, $0x4600, v2  }
0x51: {  	s11 =	simm.s32 $0x400;
	s13 =	simm.s32 $0x8400;
	s9 =	simm.s32 $0x8800;
	v3 =	vsel vm2, $0x4A00, v3;
	v4 =	vsel vm2, $0x4E00, v4;
	v5 =	vsel vm2, $0x5200, v5  }
0x52: {  	s10 =	simm.s32 $0xC800;
	s12 =	simm.s32 $0xC00;
	s14 =	simm.s32 $0x4C00;
	v6 =	vsel vm2, $0x5600, v6;
	v7 =	vsel vm2, $0x5A00, v7;
	v8 =	vsel vm2, $0x5E00, v8  }
0x53: {  	s15 =	simm.s32 $0x8C00;
	s16 =	simm.s32 $0xCC00;
	s19 =	simm.s32 $0x1000;
	v9 =	vsel vm2, $0x6200, v9;
	v10 =	vsel vm2, $0x6600, v10;
	v11 =	vsel vm2, $0x6A00, v11  }
0x54: {  	s17 =	simm.s32 $0x5000;
	s18 =	simm.s32 $0x9000;
	s20 =	simm.s32 $0xD000;
	v12 =	vsel vm2, $0x6E00, v12;
	v13 =	vsel vm2, $0x7200, v13;
	v14 =	vsel vm2, $0x7600, v14  }
0x55: {  	s21 =	simm.s32 $0x1400;
	s28 =	simm.s32 $0x12400;
	s29 =	simm.s32 $0x3;
	v15 =	vsel vm2, $0x7A00, v15;
	v16 =	vsel vm2, $0x7E00, v16;
	v0 =	vsel vm1, $0x4280, v0  }
0x56: {  	s30 =	simm.s32 $0x4;
	s31 =	simm.s32 $0x0;
	s6 =	sand.u32 $0x1, s6;
	v1 =	vsel vm1, $0x1280, v1;
	v2 =	vsel vm1, $0x4680, v2;
	v3 =	vsel vm1, $0x4A80, v3  }
0x57: {  	[smem:$0x7FF] =	sst s3;
	s7 =	sshll.u32 s7, $0xA;
	s8 =	sshll.u32 s6, $0x9;
	v4 =	vsel vm1, $0x4E80, v4;
	v5 =	vsel vm1, $0x5280, v5;
	v6 =	vsel vm1, $0x5680, v6  }
0x58: {  	s6 =	ssub.s32 $0x2, s6;
	_ =	strace $0x80000047;
	s7 =	sor.u32 s8, s7;
	v7 =	vsel vm1, $0x5A80, v7;
	v8 =	vsel vm1, $0x5E80, v8;
	v9 =	vsel vm1, $0x6280, v9  }
0x59: {  	s22 =	sshrl.u32 s6, $0x1;
	s5 =	sadd.s32 s7, s5;
	s7 =	sshrl.u32 s7, $0x3;
	v10 =	vsel vm1, $0x6680, v10;
	v11 =	vsel vm1, $0x6A80, v11;
	v12 =	vsel vm1, $0x6E80, v12  }
0x5a: {  	s8 =	simm.s32 $0x4800;
	s6 =	ssub.s32 s6, s22;
	s2 =	sadd.s32 s2, s7;
	v13 =	vsel vm1, $0x7280, v13;
	v14 =	vsel vm1, $0x7680, v14;
	v15 =	vsel vm1, $0x7A80, v15  }
0x5b: {  	s22 =	simm.s32 $0x5400;
	s23 =	sadd.s32 s4, s7;
	[dreg:$0x6] =	wrdreg s2;
	v16 =	vsel vm1, $0x7E80, v16;
	v0 =	vsel vm0, $0x4300, v0;
	v1 =	vsel vm0, $0x1300, v1  }
0x5c: {  	s24 =	sadd.s32 $0x1800, s5;
	s25 =	sadd.s32 $0x9800, s5;
	[dreg:$0x7] =	wrdreg s23;
	v2 =	vsel vm0, $0x4700, v2;
	v3 =	vsel vm0, $0x4B00, v3;
	v4 =	vsel vm0, $0x4F00, v4  }
0x5d: {  	s26 =	smax.u32 s6, $0x1;
	s4 =	simm.s32 $0x5;
	[dreg:$0x8] =	wrdreg s24;
	v5 =	vsel vm0, $0x5300, v5;
	v6 =	vsel vm0, $0x5700, v6;
	v7 =	vsel vm0, $0x5B00, v7  }
0x5e: {  	s5 =	simm.s32 $0x4400;
	s6 =	simm.s32 $0xC400;
	[dreg:$0x9] =	wrdreg s25;
	v8 =	vsel vm0, $0x5F00, v8;
	v9 =	vsel vm0, $0x6300, v9;
	v10 =	vsel vm0, $0x6700, v10  }
0x5f: {  	s7 =	simm.s32 $0x800;
	[dreg:$0xa] =	wrdreg s26;
	s23 =	simm.s32 $0x9400;
	v11 =	vsel vm0, $0x6B00, v11;
	v12 =	vsel vm0, $0x6F00, v12;
	v13 =	vsel vm0, $0x7300, v13  }
0x60: {  	s24 =	simm.s32 $0x1;
	s25 =	simm.s32 $0x2;
	s26 =	simm.s32 $0x10400;
	v14 =	vsel vm0, $0x7700, v14;
	v15 =	vsel vm0, $0x7B00, v15;
	v16 =	vsel vm0, $0x7F00, v16  }
.LBB2_1:
0x61: {  	[dreg:$0xb] =	wrdreg s31  }
0x62: {  	s2 =	rddreg [dreg:$0x6]  }
0x63: {  	[tilespmem:s3], [sflag:$0x5] =	stream.linear.gather [hbm4b:s2+s3], $0x200, $0x38;
	[tilespmem:$0x14400] =	vst v63  }
0x64: {  	_ =	swait.ge [sflag:s4], $0x200  }
0x65: {  	[sflag:s4] =	ssyncset.done $0x0  }
0x66: {  	s31 =	simm.s32 $0x200;
	s2 =	rddreg [dreg:$0x7];
	[sflag:s4] =	ssyncadd.s32 $0xFFFFFE00  }
0x67: {  	[tilespmem:s31], [sflag:$0x5] =	stream.linear.gather [hbm4b:s2+s3], $0x200, $0x38;
	[tilespmem:$0x14400] =	vst v63  }
0x68: {  	_ =	swait.ge [sflag:s4], $0x200  }
0x69: {  	[sflag:s4] =	ssyncset.done $0x0  }
0x6a: {  	[sflag:s4] =	ssyncadd.s32 $0xFFFFFE00  }
0x6b: {  	v18 =	vld [tilespmem:$0x0];
	_ =	sdelay $0x4  }
0x6c: {  	(v2sf) =	vpush v18, $0x0  }
0x6d: {  	v17 =	vld [tilespmem:$0x200];
	_ =	sdelay $0x4  }
0x6e: {  	(v2sf) =	vpush v17, $0x0;
	_ =	sdelay $0x5  }
0x6f: {  	(v2sf) =	vpush v18, $0x1;
	_ =	sdelay $0x2  }
0x70: {  	s4 =	spop (v2sf)  }
0x71: {  	s2 =	sand.u32 $0xFFFFF80, s4  }
0x72: {  	s2 =	sadd.s32 s0, s2  }
0x73: {  	(v2sf) =	vpush v17, $0x1;
	[tilespmem:s11], [sflag:$0x1] =	stream.linear.gather [hbm4b:s2+s3], $0x400, $0x38;
	[tilespmem:$0x14400] =	vst v63  }
0x74: {  	s2 =	sadd.s32 $0xF4280, s2  }
0x75: {  	[tilespmem:s5], [sflag:$0x1] =	stream.linear.gather [hbm4b:s2+s3], $0x400, $0x38;
	[tilespmem:$0x14400] =	vst v63  }
0x76: {  	s5 =	spop (v2sf)  }
0x77: {  	s2 =	sand.u32 $0xFFFFF80, s5  }
0x78: {  	s2 =	sadd.s32 s1, s2  }
0x79: {  	(v2sf) =	vpush v18, $0x2;
	[tilespmem:s13], [sflag:$0x2] =	stream.linear.gather [hbm4b:s2+s3], $0x400, $0x38;
	[tilespmem:$0x14400] =	vst v63  }
0x7a: {  	s2 =	sadd.s32 $0xF4280, s2  }
0x7b: {  	[tilespmem:s6], [sflag:$0x2] =	stream.linear.gather [hbm4b:s2+s3], $0x400, $0x38;
	[tilespmem:$0x14400] =	vst v63  }
0x7c: {  	s6 =	spop (v2sf)  }
0x7d: {  	s2 =	sand.u32 $0xFFFFF80, s6  }
0x7e: {  	s2 =	sadd.s32 s0, s2  }
0x7f: {  	(v2sf) =	vpush v17, $0x2;
	[tilespmem:s7], [sflag:$0x1] =	stream.linear.gather [hbm4b:s2+s3], $0x400, $0x38;
	[tilespmem:$0x14400] =	vst v63  }
0x80: {  	s2 =	sadd.s32 $0xF4280, s2  }
0x81: {  	[tilespmem:s8], [sflag:$0x1] =	stream.linear.gather [hbm4b:s2+s3], $0x400, $0x38;
	[tilespmem:$0x14400] =	vst v63  }
0x82: {  	s8 =	spop (v2sf)  }
0x83: {  	s2 =	sand.u32 $0xFFFFF80, s8  }
0x84: {  	s2 =	sadd.s32 s1, s2  }
0x85: {  	(v2sf) =	vpush v18, $0x3;
	[tilespmem:s9], [sflag:$0x2] =	stream.linear.gather [hbm4b:s2+s3], $0x400, $0x38;
	[tilespmem:$0x14400] =	vst v63  }
0x86: {  	s2 =	sadd.s32 $0xF4280, s2  }
0x87: {  	[tilespmem:s10], [sflag:$0x2] =	stream.linear.gather [hbm4b:s2+s3], $0x400, $0x38;
	[tilespmem:$0x14400] =	vst v63  }
0x88: {  	s10 =	spop (v2sf)  }
0x89: {  	s2 =	sand.u32 $0xFFFFF80, s10  }
0x8a: {  	s2 =	sadd.s32 s0, s2  }
0x8b: {  	(v2sf) =	vpush v17, $0x3;
	[tilespmem:s12], [sflag:$0x1] =	stream.linear.gather [hbm4b:s2+s3], $0x400, $0x38;
	[tilespmem:$0x14400] =	vst v63  }
0x8c: {  	s2 =	sadd.s32 $0xF4280, s2  }
0x8d: {  	[tilespmem:s14], [sflag:$0x1] =	stream.linear.gather [hbm4b:s2+s3], $0x400, $0x38;
	[tilespmem:$0x14400] =	vst v63  }
0x8e: {  	s14 =	spop (v2sf)  }
0x8f: {  	s2 =	sand.u32 $0xFFFFF80, s14  }
0x90: {  	s2 =	sadd.s32 s1, s2  }
0x91: {  	(v2sf) =	vpush v18, $0x4;
	[tilespmem:s15], [sflag:$0x2] =	stream.linear.gather [hbm4b:s2+s3], $0x400, $0x38;
	[tilespmem:$0x14400] =	vst v63  }
0x92: {  	s2 =	sadd.s32 $0xF4280, s2  }
0x93: {  	[tilespmem:s16], [sflag:$0x2] =	stream.linear.gather [hbm4b:s2+s3], $0x400, $0x38;
	[tilespmem:$0x14400] =	vst v63  }
0x94: {  	s16 =	spop (v2sf)  }
0x95: {  	s2 =	sand.u32 $0xFFFFF80, s16  }
0x96: {  	s2 =	sadd.s32 s0, s2  }
0x97: {  	(v2sf) =	vpush v17, $0x4;
	[tilespmem:s19], [sflag:$0x1] =	stream.linear.gather [hbm4b:s2+s3], $0x400, $0x38;
	[tilespmem:$0x14400] =	vst v63  }
0x98: {  	s2 =	sadd.s32 $0xF4280, s2  }
0x99: {  	[tilespmem:s17], [sflag:$0x1] =	stream.linear.gather [hbm4b:s2+s3], $0x400, $0x38;
	[tilespmem:$0x14400] =	vst v63  }
0x9a: {  	s17 =	spop (v2sf)  }
0x9b: {  	s2 =	sand.u32 $0xFFFFF80, s17  }
0x9c: {  	s2 =	sadd.s32 s1, s2  }
0x9d: {  	(v2sf) =	vpush v18, $0x5;
	[tilespmem:s18], [sflag:$0x2] =	stream.linear.gather [hbm4b:s2+s3], $0x400, $0x38;
	[tilespmem:$0x14400] =	vst v63  }
0x9e: {  	s2 =	sadd.s32 $0xF4280, s2  }
0x9f: {  	[tilespmem:s20], [sflag:$0x2] =	stream.linear.gather [hbm4b:s2+s3], $0x400, $0x38;
	[tilespmem:$0x14400] =	vst v63  }
0xa0: {  	s4 =	spop (v2sf)  }
0xa1: {  	s2 =	sand.u32 $0xFFFFF80, s4  }
0xa2: {  	s2 =	sadd.s32 s0, s2  }
0xa3: {  	(v2sf) =	vpush v17, $0x5;
	[tilespmem:s21], [sflag:$0x1] =	stream.linear.gather [hbm4b:s2+s3], $0x400, $0x38;
	[tilespmem:$0x14400] =	vst v63  }
0xa4: {  	s2 =	sadd.s32 $0xF4280, s2  }
0xa5: {  	[tilespmem:s22], [sflag:$0x1] =	stream.linear.gather [hbm4b:s2+s3], $0x400, $0x38;
	[tilespmem:$0x14400] =	vst v63  }
0xa6: {  	s5 =	spop (v2sf)  }
0xa7: {  	s2 =	sand.u32 $0xFFFFF80, s5  }
0xa8: {  	s2 =	sadd.s32 s1, s2  }
0xa9: {  	(v2sf) =	vpush v18, $0x6;
	[tilespmem:s23], [sflag:$0x2] =	stream.linear.gather [hbm4b:s2+s3], $0x400, $0x38;
	[tilespmem:$0x14400] =	vst v63  }
0xaa: {  	s6 =	simm.s32 $0xD400;
	s2 =	sadd.s32 $0xF4280, s2  }
0xab: {  	[tilespmem:s6], [sflag:$0x2] =	stream.linear.gather [hbm4b:s2+s3], $0x400, $0x38;
	[tilespmem:$0x14400] =	vst v63  }
0xac: {  	s7 =	spop (v2sf)  }
0xad: {  	s2 =	sand.u32 $0xFFFFF80, s7  }
0xae: {  	s8 =	simm.s32 $0x1800;
	s2 =	sadd.s32 s0, s2  }
0xaf: {  	(v2sf) =	vpush v17, $0x6;
	[tilespmem:s8], [sflag:$0x1] =	stream.linear.gather [hbm4b:s2+s3], $0x400, $0x38;
	[tilespmem:$0x14400] =	vst v63  }
0xb0: {  	s9 =	simm.s32 $0x5800;
	s2 =	sadd.s32 $0xF4280, s2  }
0xb1: {  	[tilespmem:s9], [sflag:$0x1] =	stream.linear.gather [hbm4b:s2+s3], $0x400, $0x38;
	[tilespmem:$0x14400] =	vst v63  }
0xb2: {  	s10 =	spop (v2sf)  }
0xb3: {  	s2 =	sand.u32 $0xFFFFF80, s10  }
0xb4: {  	s12 =	simm.s32 $0x9800;
	s2 =	sadd.s32 s1, s2  }
0xb5: {  	(v2sf) =	vpush v18, $0x7;
	[tilespmem:s12], [sflag:$0x2] =	stream.linear.gather [hbm4b:s2+s3], $0x400, $0x38;
	[tilespmem:$0x14400] =	vst v63  }
0xb6: {  	s14 =	simm.s32 $0xD800;
	s2 =	sadd.s32 $0xF4280, s2  }
0xb7: {  	[tilespmem:s14], [sflag:$0x2] =	stream.linear.gather [hbm4b:s2+s3], $0x400, $0x38;
	[tilespmem:$0x14400] =	vst v63  }
0xb8: {  	s15 =	spop (v2sf)  }
0xb9: {  	s2 =	sand.u32 $0xFFFFF80, s15  }
0xba: {  	s16 =	simm.s32 $0x1C00;
	s2 =	sadd.s32 s0, s2  }
0xbb: {  	(v2sf) =	vpush v17, $0x7;
	[tilespmem:s16], [sflag:$0x1] =	stream.linear.gather [hbm4b:s2+s3], $0x400, $0x38;
	[tilespmem:$0x14400] =	vst v63  }
0xbc: {  	s17 =	simm.s32 $0x5C00;
	s2 =	sadd.s32 $0xF4280, s2  }
0xbd: {  	[tilespmem:s17], [sflag:$0x1] =	stream.linear.gather [hbm4b:s2+s3], $0x400, $0x38;
	[tilespmem:$0x14400] =	vst v63  }
0xbe: {  	s18 =	spop (v2sf)  }
0xbf: {  	s2 =	sand.u32 $0xFFFFF80, s18  }
0xc0: {  	s20 =	simm.s32 $0x9C00;
	s2 =	sadd.s32 s1, s2  }
0xc1: {  	(v2sf) =	vpush v18, $0x8;
	[tilespmem:s20], [sflag:$0x2] =	stream.linear.gather [hbm4b:s2+s3], $0x400, $0x38;
	[tilespmem:$0x14400] =	vst v63  }
0xc2: {  	s21 =	simm.s32 $0xDC00;
	s2 =	sadd.s32 $0xF4280, s2  }
0xc3: {  	[tilespmem:s21], [sflag:$0x2] =	stream.linear.gather [hbm4b:s2+s3], $0x400, $0x38;
	[tilespmem:$0x14400] =	vst v63  }
0xc4: {  	s22 =	spop (v2sf)  }
0xc5: {  	s2 =	sand.u32 $0xFFFFF80, s22  }
0xc6: {  	s23 =	simm.s32 $0x2000;
	s2 =	sadd.s32 s0, s2  }
0xc7: {  	(v2sf) =	vpush v17, $0x8;
	[tilespmem:s23], [sflag:$0x1] =	stream.linear.gather [hbm4b:s2+s3], $0x400, $0x38;
	[tilespmem:$0x14400] =	vst v63  }
0xc8: {  	s5 =	simm.s32 $0x6000;
	s2 =	sadd.s32 $0xF4280, s2  }
0xc9: {  	[tilespmem:s5], [sflag:$0x1] =	stream.linear.gather [hbm4b:s2+s3], $0x400, $0x38;
	[tilespmem:$0x14400] =	vst v63  }
0xca: {  	s6 =	spop (v2sf)  }
0xcb: {  	s2 =	sand.u32 $0xFFFFF80, s6  }
0xcc: {  	s7 =	simm.s32 $0xA000;
	s2 =	sadd.s32 s1, s2  }
0xcd: {  	(v2sf) =	vpush v18, $0x9;
	[tilespmem:s7], [sflag:$0x2] =	stream.linear.gather [hbm4b:s2+s3], $0x400, $0x38;
	[tilespmem:$0x14400] =	vst v63  }
0xce: {  	s8 =	simm.s32 $0xE000;
	s2 =	sadd.s32 $0xF4280, s2  }
0xcf: {  	[tilespmem:s8], [sflag:$0x2] =	stream.linear.gather [hbm4b:s2+s3], $0x400, $0x38;
	[tilespmem:$0x14400] =	vst v63  }
0xd0: {  	s9 =	spop (v2sf)  }
0xd1: {  	s2 =	sand.u32 $0xFFFFF80, s9  }
0xd2: {  	s10 =	simm.s32 $0x2400;
	s2 =	sadd.s32 s0, s2  }
0xd3: {  	(v2sf) =	vpush v17, $0x9;
	[tilespmem:s10], [sflag:$0x3] =	stream.linear.gather [hbm4b:s2+s3], $0x400, $0x38;
	[tilespmem:$0x14400] =	vst v63  }
0xd4: {  	s12 =	simm.s32 $0x6400;
	s2 =	sadd.s32 $0xF4280, s2  }
0xd5: {  	[tilespmem:s12], [sflag:$0x3] =	stream.linear.gather [hbm4b:s2+s3], $0x400, $0x38;
	[tilespmem:$0x14400] =	vst v63  }
0xd6: {  	s14 =	spop (v2sf)  }
0xd7: {  	s2 =	sand.u32 $0xFFFFF80, s14  }
0xd8: {  	s15 =	simm.s32 $0xA400;
	s2 =	sadd.s32 s1, s2  }
0xd9: {  	(v2sf) =	vpush v18, $0xA;
	[tilespmem:s15], [sflag:$0x4] =	stream.linear.gather [hbm4b:s2+s3], $0x400, $0x38;
	[tilespmem:$0x14400] =	vst v63  }
0xda: {  	s16 =	simm.s32 $0xE400;
	s2 =	sadd.s32 $0xF4280, s2  }
0xdb: {  	[tilespmem:s16], [sflag:$0x4] =	stream.linear.gather [hbm4b:s2+s3], $0x400, $0x38;
	[tilespmem:$0x14400] =	vst v63  }
0xdc: {  	s17 =	spop (v2sf)  }
0xdd: {  	s2 =	sand.u32 $0xFFFFF80, s17  }
0xde: {  	s18 =	simm.s32 $0x2800;
	s2 =	sadd.s32 s0, s2  }
0xdf: {  	(v2sf) =	vpush v17, $0xA;
	[tilespmem:s18], [sflag:$0x3] =	stream.linear.gather [hbm4b:s2+s3], $0x400, $0x38;
	[tilespmem:$0x14400] =	vst v63  }
0xe0: {  	s20 =	simm.s32 $0x6800;
	s2 =	sadd.s32 $0xF4280, s2  }
0xe1: {  	[tilespmem:s20], [sflag:$0x3] =	stream.linear.gather [hbm4b:s2+s3], $0x400, $0x38;
	[tilespmem:$0x14400] =	vst v63  }
0xe2: {  	s21 =	spop (v2sf)  }
0xe3: {  	s2 =	sand.u32 $0xFFFFF80, s21  }
0xe4: {  	s22 =	simm.s32 $0xA800;
	s2 =	sadd.s32 s1, s2  }
0xe5: {  	(v2sf) =	vpush v18, $0xB;
	[tilespmem:s22], [sflag:$0x4] =	stream.linear.gather [hbm4b:s2+s3], $0x400, $0x38;
	[tilespmem:$0x14400] =	vst v63  }
0xe6: {  	s23 =	simm.s32 $0xE800;
	s2 =	sadd.s32 $0xF4280, s2  }
0xe7: {  	[tilespmem:s23], [sflag:$0x4] =	stream.linear.gather [hbm4b:s2+s3], $0x400, $0x38;
	[tilespmem:$0x14400] =	vst v63  }
0xe8: {  	s4 =	spop (v2sf)  }
0xe9: {  	s2 =	sand.u32 $0xFFFFF80, s4  }
0xea: {  	s5 =	simm.s32 $0x2C00;
	s2 =	sadd.s32 s0, s2  }
0xeb: {  	(v2sf) =	vpush v17, $0xB;
	[tilespmem:s5], [sflag:$0x3] =	stream.linear.gather [hbm4b:s2+s3], $0x400, $0x38;
	[tilespmem:$0x14400] =	vst v63  }
0xec: {  	s6 =	simm.s32 $0x6C00;
	s2 =	sadd.s32 $0xF4280, s2  }
0xed: {  	[tilespmem:s6], [sflag:$0x3] =	stream.linear.gather [hbm4b:s2+s3], $0x400, $0x38;
	[tilespmem:$0x14400] =	vst v63  }
0xee: {  	s7 =	spop (v2sf)  }
0xef: {  	s2 =	sand.u32 $0xFFFFF80, s7  }
0xf0: {  	s8 =	simm.s32 $0xAC00;
	s2 =	sadd.s32 s1, s2  }
0xf1: {  	(v2sf) =	vpush v18, $0xC;
	[tilespmem:s8], [sflag:$0x4] =	stream.linear.gather [hbm4b:s2+s3], $0x400, $0x38;
	[tilespmem:$0x14400] =	vst v63  }
0xf2: {  	s9 =	simm.s32 $0xEC00;
	s2 =	sadd.s32 $0xF4280, s2  }
0xf3: {  	[tilespmem:s9], [sflag:$0x4] =	stream.linear.gather [hbm4b:s2+s3], $0x400, $0x38;
	[tilespmem:$0x14400] =	vst v63  }
0xf4: {  	s10 =	spop (v2sf)  }
0xf5: {  	s2 =	sand.u32 $0xFFFFF80, s10  }
0xf6: {  	s12 =	simm.s32 $0x3000;
	s2 =	sadd.s32 s0, s2  }
0xf7: {  	(v2sf) =	vpush v17, $0xC;
	[tilespmem:s12], [sflag:$0x3] =	stream.linear.gather [hbm4b:s2+s3], $0x400, $0x38;
	[tilespmem:$0x14400] =	vst v63  }
0xf8: {  	s14 =	simm.s32 $0x7000;
	s2 =	sadd.s32 $0xF4280, s2  }
0xf9: {  	[tilespmem:s14], [sflag:$0x3] =	stream.linear.gather [hbm4b:s2+s3], $0x400, $0x38;
	[tilespmem:$0x14400] =	vst v63  }
0xfa: {  	s15 =	spop (v2sf)  }
0xfb: {  	s2 =	sand.u32 $0xFFFFF80, s15  }
0xfc: {  	s16 =	simm.s32 $0xB000;
	s2 =	sadd.s32 s1, s2  }
0xfd: {  	(v2sf) =	vpush v18, $0xD;
	[tilespmem:s16], [sflag:$0x4] =	stream.linear.gather [hbm4b:s2+s3], $0x400, $0x38;
	[tilespmem:$0x14400] =	vst v63  }
0xfe: {  	s17 =	simm.s32 $0xF000;
	s2 =	sadd.s32 $0xF4280, s2  }
0xff: {  	[tilespmem:s17], [sflag:$0x4] =	stream.linear.gather [hbm4b:s2+s3], $0x400, $0x38;
	[tilespmem:$0x14400] =	vst v63  }
0x100: {  	s18 =	spop (v2sf)  }
0x101: {  	s2 =	sand.u32 $0xFFFFF80, s18  }
0x102: {  	s20 =	simm.s32 $0x3400;
	s2 =	sadd.s32 s0, s2  }
0x103: {  	(v2sf) =	vpush v17, $0xD;
	[tilespmem:s20], [sflag:$0x3] =	stream.linear.gather [hbm4b:s2+s3], $0x400, $0x38;
	[tilespmem:$0x14400] =	vst v63  }
0x104: {  	s21 =	simm.s32 $0x7400;
	s2 =	sadd.s32 $0xF4280, s2  }
0x105: {  	[tilespmem:s21], [sflag:$0x3] =	stream.linear.gather [hbm4b:s2+s3], $0x400, $0x38;
	[tilespmem:$0x14400] =	vst v63  }
0x106: {  	s22 =	spop (v2sf)  }
0x107: {  	s2 =	sand.u32 $0xFFFFF80, s22  }
0x108: {  	s23 =	simm.s32 $0xB400;
	s2 =	sadd.s32 s1, s2  }
0x109: {  	(v2sf) =	vpush v18, $0xE;
	[tilespmem:s23], [sflag:$0x4] =	stream.linear.gather [hbm4b:s2+s3], $0x400, $0x38;
	[tilespmem:$0x14400] =	vst v63  }
0x10a: {  	s5 =	simm.s32 $0xF400;
	s2 =	sadd.s32 $0xF4280, s2  }
0x10b: {  	[tilespmem:s5], [sflag:$0x4] =	stream.linear.gather [hbm4b:s2+s3], $0x400, $0x38;
	[tilespmem:$0x14400] =	vst v63  }
0x10c: {  	s6 =	spop (v2sf)  }
0x10d: {  	(v2sf) =	vpush v17, $0xE;
	s2 =	sand.u32 $0xFFFFF80, s6  }
0x10e: {  	s7 =	simm.s32 $0x3800;
	s2 =	sadd.s32 s0, s2  }
0x10f: {  	[tilespmem:s7], [sflag:$0x3] =	stream.linear.gather [hbm4b:s2+s3], $0x400, $0x38;
	[tilespmem:$0x14400] =	vst v63  }
0x110: {  	s8 =	simm.s32 $0x7800;
	s2 =	sadd.s32 $0xF4280, s2  }
0x111: {  	[tilespmem:s8], [sflag:$0x3] =	stream.linear.gather [hbm4b:s2+s3], $0x400, $0x38;
	[tilespmem:$0x14400] =	vst v63  }
0x112: {  	s9 =	spop (v2sf);
	(v2sf) =	vpush v18, $0xF  }
0x113: {  	s2 =	sand.u32 $0xFFFFF80, s9  }
0x114: {  	s10 =	simm.s32 $0xB800;
	s2 =	sadd.s32 s1, s2  }
0x115: {  	[tilespmem:s10], [sflag:$0x4] =	stream.linear.gather [hbm4b:s2+s3], $0x400, $0x38;
	[tilespmem:$0x14400] =	vst v63  }
0x116: {  	s12 =	simm.s32 $0xF800;
	s2 =	sadd.s32 $0xF4280, s2  }
0x117: {  	[tilespmem:s12], [sflag:$0x4] =	stream.linear.gather [hbm4b:s2+s3], $0x400, $0x38;
	[tilespmem:$0x14400] =	vst v63  }
0x118: {  	s14 =	spop (v2sf)  }
0x119: {  	(v2sf) =	vpush v17, $0xF;
	s2 =	sand.u32 $0xFFFFF80, s14  }
0x11a: {  	s15 =	simm.s32 $0x3C00;
	s2 =	sadd.s32 s0, s2  }
0x11b: {  	[tilespmem:s15], [sflag:$0x3] =	stream.linear.gather [hbm4b:s2+s3], $0x400, $0x38;
	[tilespmem:$0x14400] =	vst v63  }
0x11c: {  	s17 =	simm.s32 $0x7C00;
	s2 =	sadd.s32 $0xF4280, s2;
	s16 =	spop (v2sf)  }
0x11d: {  	[tilespmem:s17], [sflag:$0x3] =	stream.linear.gather [hbm4b:s2+s3], $0x400, $0x38;
	[tilespmem:$0x14400] =	vst v63  }
0x11e: {  	s18 =	sand.u32 $0xFFFFF80, s16  }
0x11f: {  	s20 =	simm.s32 $0xBC00;
	s2 =	sadd.s32 s1, s18  }
0x120: {  	[tilespmem:s20], [sflag:$0x4] =	stream.linear.gather [hbm4b:s2+s3], $0x400, $0x38;
	[tilespmem:$0x14400] =	vst v63  }
0x121: {  	s15 =	simm.s32 $0xFC00;
	s2 =	sadd.s32 $0xF4280, s2;
	s21 =	spop (v2sf)  }
0x122: {  	[tilespmem:s15], [sflag:$0x4] =	stream.linear.gather [hbm4b:s2+s3], $0x400, $0x38;
	[tilespmem:$0x14400] =	vst v63  }
0x123: {  	s22 =	sand.u32 $0xFFFFF80, s21  }
0x124: {  	s4 =	simm.s32 $0x0;
	s20 =	simm.s32 $0x4000;
	s2 =	sadd.s32 s0, s22  }
0x125: {  	[tilespmem:s20], [sflag:$0x3] =	stream.linear.gather [hbm4b:s2+s3], $0x400, $0x38;
	[tilespmem:$0x14400] =	vst v63  }
0x126: {  	s5 =	simm.s32 $0x1;
	s7 =	simm.s32 $0x8000;
	s2 =	sadd.s32 $0xF4280, s2  }
0x127: {  	[tilespmem:s7], [sflag:$0x3] =	stream.linear.gather [hbm4b:s2+s3], $0x400, $0x38;
	[tilespmem:$0x14400] =	vst v63  }
0x128: {  	s8 =	simm.s32 $0xC400;
	s9 =	simm.s32 $0x5400;
	s23 =	spop (v2sf)  }
0x129: {  	s10 =	simm.s32 $0x4800;
	s12 =	simm.s32 $0xC000;
	s2 =	sand.u32 $0xFFFFF80, s23  }
0x12a: {  	s14 =	simm.s32 $0xC800;
	s17 =	simm.s32 $0x10000;
	s2 =	sadd.s32 s1, s2  }
0x12b: {  	[tilespmem:s12], [sflag:$0x4] =	stream.linear.gather [hbm4b:s2+s3], $0x400, $0x38;
	[tilespmem:$0x14400] =	vst v63  }
0x12c: {  	s16 =	simm.s32 $0x4C00;
	s18 =	simm.s32 $0xCC00;
	s2 =	sadd.s32 $0xF4280, s2  }
0x12d: {  	[tilespmem:s17], [sflag:$0x4] =	stream.linear.gather [hbm4b:s2+s3], $0x400, $0x38;
	[tilespmem:$0x14400] =	vst v63  }
0x12e: {  	s21 =	simm.s32 $0x9000;
	s22 =	simm.s32 $0x1400;
	s2 =	simm.s32 $0xF  }
.LBB2_2:
0x12f: {  	v19 =	vld [tilespmem:s4+$0x0];
	s6 =	smin.u32 s5, $0x1F  }
0x130: {  	v20 =	vld [tilespmem:s31+$0x0];
	s6 =	sshll.u32 s6, $0x4  }
0x131: {  	v18 =	vld [tilespmem:s6+$0x0]  }
0x132: {  	v17 =	vld [tilespmem:s6+$0x200];
	_ =	swait.ge [sflag:s24], $0x4000  }
0x133: {  	[sflag:s24] =	ssyncset.done $0x0  }
0x134: {  	[sflag:s24] =	ssyncadd.s32 $0xFFFFC000  }
0x135: {  	_ =	swait.ge [sflag:s25], $0x4000  }
0x136: {  	(v2sf) =	vpush v19, $0x0;
	_ =	sdelay $0x5  }
0x137: {  	(v2sf) =	vpush v20, $0x0;
	_ =	sdelay $0x8  }
0x138: {  	s23 =	spop (v2sf)  }
0x139: {  	s6 =	sand.u32 $0x7F, s23  }
0x13a: {  	s23 =	sadd.s32 $0xFFFFFFF1, s2;
	v21 =	vor.u32 s6, v0  }
0x13b: {  	v22 =	vmov s23  }
0x13c: {  	v23 =	vshll.u32 v22, $0x3  }
0x13d: {  	[sflag:s25] =	ssyncset.done $0x0;
	v22 =	vand.u32 $0x70, v22;
	v23 =	vand.u32 $0xC00, v23  }
0x13e: {  	[sflag:s25] =	ssyncadd.s32 $0xFFFFC000;
	s23 =	spop (v2sf);
	v22 =	vor.u32 v23, v22  }
0x13f: {  	s6 =	sand.u32 $0x7F, s23;
	v22 =	vor.u32 v1, v22;
	v21 =	vld.idx.msk [tilespmem:v21+s11+$0x0], $0xffff  }
0x140: {  	v32 =	vor.u32 s6, v0;
	_ =	sdelay $0x2  }
0x141: {  	v19 =	vand.u32 $0x7F, v19  }
0x142: {  	v33 =	vbroadcast v19, $0x1;
	[tilespmem:v22+s26+$0x0] =	vst.idx.msk $0xffff, v21  }
0x143: {  	v23 =	vld.idx.msk [tilespmem:v32+s13+$0x0], $0xffff  }
0x144: {  	s23 =	sadd.s32 $0xFFFFFFF2, s2;
	v21 =	vor.u32 v2, v33  }
0x145: {  	v24 =	vmov s23  }
0x146: {  	v25 =	vshll.u32 v24, $0x3  }
0x147: {  	v20 =	vand.u32 $0x7F, v20;
	v24 =	vand.u32 $0x71, v24;
	v25 =	vand.u32 $0xC00, v25  }
0x148: {  	v35 =	vbroadcast v20, $0x1;
	v34 =	vor.u32 v25, v24;
	[tilespmem:v22+s28+$0x0] =	vst.idx.msk $0xffff, v23  }
0x149: {  	v22 =	vor.u32 v1, v34;
	v21 =	vld.idx.msk [tilespmem:v21+s11+$0x0], $0xffff  }
0x14a: {  	v23 =	vor.u32 v2, v35;
	_ =	sdelay $0x3  }
0x14b: {  	v36 =	vbroadcast v19, $0x2;
	[tilespmem:v22+s26+$0x0] =	vst.idx.msk $0xffff, v21  }
0x14c: {  	v23 =	vld.idx.msk [tilespmem:v23+s13+$0x0], $0xffff  }
0x14d: {  	s23 =	sadd.s32 $0xFFFFFFF3, s2;
	v21 =	vor.u32 v3, v36  }
0x14e: {  	v37 =	vmov s23  }
0x14f: {  	v38 =	vshll.u32 v37, $0x3  }
0x150: {  	v24 =	vand.u32 $0x72, v37;
	v25 =	vand.u32 $0xC00, v38  }
0x151: {  	v40 =	vbroadcast v20, $0x2;
	v39 =	vor.u32 v25, v24;
	[tilespmem:v22+s28+$0x0] =	vst.idx.msk $0xffff, v23  }
0x152: {  	v22 =	vor.u32 v1, v39;
	v21 =	vld.idx.msk [tilespmem:v21+s11+$0x0], $0xffff  }
0x153: {  	v23 =	vor.u32 v3, v40;
	_ =	sdelay $0x3  }
0x154: {  	v41 =	vbroadcast v19, $0x3;
	[tilespmem:v22+s26+$0x0] =	vst.idx.msk $0xffff, v21  }
0x155: {  	v23 =	vld.idx.msk [tilespmem:v23+s13+$0x0], $0xffff  }
0x156: {  	s23 =	sadd.s32 $0xFFFFFFF4, s2;
	v21 =	vor.u32 v4, v41  }
0x157: {  	v42 =	vmov s23  }
0x158: {  	v43 =	vshll.u32 v42, $0x3  }
0x159: {  	v24 =	vand.u32 $0x73, v42;
	v25 =	vand.u32 $0xC00, v43  }
0x15a: {  	v45 =	vbroadcast v20, $0x3;
	v44 =	vor.u32 v25, v24;
	[tilespmem:v22+s28+$0x0] =	vst.idx.msk $0xffff, v23  }
0x15b: {  	v22 =	vor.u32 v1, v44;
	v21 =	vld.idx.msk [tilespmem:v21+s11+$0x0], $0xffff  }
0x15c: {  	v23 =	vor.u32 v4, v45;
	_ =	sdelay $0x3  }
0x15d: {  	v46 =	vbroadcast v19, $0x4;
	[tilespmem:v22+s26+$0x0] =	vst.idx.msk $0xffff, v21  }
0x15e: {  	v23 =	vld.idx.msk [tilespmem:v23+s13+$0x0], $0xffff  }
0x15f: {  	s23 =	sadd.s32 $0xFFFFFFF5, s2;
	v21 =	vor.u32 v5, v46  }
0x160: {  	v47 =	vmov s23  }
0x161: {  	v48 =	vshll.u32 v47, $0x3  }
0x162: {  	v24 =	vand.u32 $0x74, v47;
	v25 =	vand.u32 $0xC00, v48  }
0x163: {  	v50 =	vbroadcast v20, $0x4;
	v49 =	vor.u32 v25, v24;
	[tilespmem:v22+s28+$0x0] =	vst.idx.msk $0xffff, v23  }
0x164: {  	v22 =	vor.u32 v1, v49;
	v21 =	vld.idx.msk [tilespmem:v21+s11+$0x0], $0xffff  }
0x165: {  	v23 =	vor.u32 v5, v50;
	_ =	sdelay $0x3  }
0x166: {  	v51 =	vbroadcast v19, $0x5;
	[tilespmem:v22+s26+$0x0] =	vst.idx.msk $0xffff, v21  }
0x167: {  	v23 =	vld.idx.msk [tilespmem:v23+s13+$0x0], $0xffff  }
0x168: {  	s23 =	sadd.s32 $0xFFFFFFF6, s2;
	v21 =	vor.u32 v6, v51  }
0x169: {  	v52 =	vmov s23  }
0x16a: {  	v53 =	vshll.u32 v52, $0x3  }
0x16b: {  	v24 =	vand.u32 $0x75, v52;
	v25 =	vand.u32 $0xC00, v53  }
0x16c: {  	v55 =	vbroadcast v20, $0x5;
	v54 =	vor.u32 v25, v24;
	[tilespmem:v22+s28+$0x0] =	vst.idx.msk $0xffff, v23  }
0x16d: {  	v22 =	vor.u32 v1, v54;
	v21 =	vld.idx.msk [tilespmem:v21+s11+$0x0], $0xffff  }
0x16e: {  	v23 =	vor.u32 v6, v55;
	_ =	sdelay $0x3  }
0x16f: {  	v56 =	vbroadcast v19, $0x6;
	[tilespmem:v22+s26+$0x0] =	vst.idx.msk $0xffff, v21  }
0x170: {  	v23 =	vld.idx.msk [tilespmem:v23+s13+$0x0], $0xffff  }
0x171: {  	s23 =	sadd.s32 $0xFFFFFFF7, s2;
	v21 =	vor.u32 v7, v56  }
0x172: {  	v57 =	vmov s23  }
0x173: {  	v58 =	vshll.u32 v57, $0x3  }
0x174: {  	v24 =	vand.u32 $0x76, v57;
	v25 =	vand.u32 $0xC00, v58  }
0x175: {  	v60 =	vbroadcast v20, $0x6;
	v59 =	vor.u32 v25, v24;
	[tilespmem:v22+s28+$0x0] =	vst.idx.msk $0xffff, v23  }
0x176: {  	v22 =	vor.u32 v1, v59;
	v21 =	vld.idx.msk [tilespmem:v21+s11+$0x0], $0xffff  }
0x177: {  	v23 =	vor.u32 v7, v60;
	_ =	sdelay $0x3  }
0x178: {  	v61 =	vbroadcast v19, $0x7;
	[tilespmem:v22+s26+$0x0] =	vst.idx.msk $0xffff, v21  }
0x179: {  	(v2sf) =	vpush v18, $0x0;
	v23 =	vld.idx.msk [tilespmem:v23+s13+$0x0], $0xffff  }
0x17a: {  	s23 =	sadd.s32 $0xFFFFFFF8, s2;
	v21 =	vor.u32 v8, v61  }
0x17b: {  	v62 =	vmov s23  }
0x17c: {  	v63 =	vshll.u32 v62, $0x3  }
0x17d: {  	v24 =	vand.u32 $0x77, v62;
	v25 =	vand.u32 $0xC00, v63  }
0x17e: {  	v26 =	vbroadcast v20, $0x7;
	v25 =	vor.u32 v25, v24;
	[tilespmem:v22+s28+$0x0] =	vst.idx.msk $0xffff, v23  }
0x17f: {  	(v2sf) =	vpush v17, $0x0;
	v22 =	vor.u32 v1, v25;
	v21 =	vld.idx.msk [tilespmem:v21+s11+$0x0], $0xffff  }
0x180: {  	v23 =	vor.u32 v8, v26;
	_ =	sdelay $0x2  }
0x181: {  	(v2sf) =	vpush v18, $0x1  }
0x182: {  	[tilespmem:v22+s26+$0x0] =	vst.idx.msk $0xffff, v21  }
0x183: {  	v21 =	vld.idx.msk [tilespmem:v23+s13+$0x0], $0xffff;
	_ =	sdelay $0x2  }
0x184: {  	s23 =	spop (v2sf);
	(v2sf) =	vpush v17, $0x1  }
0x185: {  	s6 =	sand.u32 $0xFFFFF80, s23  }
0x186: {  	s6 =	sadd.s32 s0, s6;
	[tilespmem:v22+s28+$0x0] =	vst.idx.msk $0xffff, v21  }
0x187: {  	[tilespmem:s11], [sflag:$0x1] =	stream.linear.gather [hbm4b:s6+s3], $0x400, $0x38;
	[tilespmem:$0x14400] =	vst v63  }
0x188: {  	s23 =	simm.s32 $0x4400;
	s6 =	sadd.s32 $0xF4280, s6  }
0x189: {  	[tilespmem:s23], [sflag:$0x1] =	stream.linear.gather [hbm4b:s6+s3], $0x400, $0x38;
	[tilespmem:$0x14400] =	vst v63  }
0x18a: {  	s23 =	spop (v2sf)  }
0x18b: {  	(v2sf) =	vpush v18, $0x2;
	s6 =	sand.u32 $0xFFFFF80, s23  }
0x18c: {  	s6 =	sadd.s32 s1, s6  }
0x18d: {  	[tilespmem:s13], [sflag:$0x2] =	stream.linear.gather [hbm4b:s6+s3], $0x400, $0x38;
	[tilespmem:$0x14400] =	vst v63  }
0x18e: {  	s23 =	spop (v2sf);
	s6 =	sadd.s32 $0xF4280, s6  }
0x18f: {  	(v2sf) =	vpush v17, $0x2;
	[tilespmem:s8], [sflag:$0x2] =	stream.linear.gather [hbm4b:s6+s3], $0x400, $0x38;
	[tilespmem:$0x14400] =	vst v63  }
0x190: {  	s6 =	sand.u32 $0xFFFFF80, s23  }
0x191: {  	s23 =	simm.s32 $0x800;
	s6 =	sadd.s32 s0, s6  }
0x192: {  	[tilespmem:s23], [sflag:$0x1] =	stream.linear.gather [hbm4b:s6+s3], $0x400, $0x38;
	[tilespmem:$0x14400] =	vst v63  }
0x193: {  	s6 =	sadd.s32 $0xF4280, s6;
	s23 =	spop (v2sf)  }
0x194: {  	(v2sf) =	vpush v18, $0x3;
	[tilespmem:s10], [sflag:$0x1] =	stream.linear.gather [hbm4b:s6+s3], $0x400, $0x38;
	[tilespmem:$0x14400] =	vst v63  }
0x195: {  	s6 =	sand.u32 $0xFFFFF80, s23  }
0x196: {  	s23 =	simm.s32 $0x8800;
	s6 =	sadd.s32 s1, s6  }
0x197: {  	[tilespmem:s23], [sflag:$0x2] =	stream.linear.gather [hbm4b:s6+s3], $0x400, $0x38;
	[tilespmem:$0x14400] =	vst v63  }
0x198: {  	s6 =	sadd.s32 $0xF4280, s6  }
0x199: {  	[tilespmem:s14], [sflag:$0x2] =	stream.linear.gather [hbm4b:s6+s3], $0x400, $0x38;
	[tilespmem:$0x14400] =	vst v63  }
0x19a: {  	s23 =	spop (v2sf)  }
0x19b: {  	(v2sf) =	vpush v17, $0x3;
	s6 =	sand.u32 $0xFFFFF80, s23  }
0x19c: {  	s23 =	simm.s32 $0xC00;
	s6 =	sadd.s32 s0, s6  }
0x19d: {  	[tilespmem:s23], [sflag:$0x1] =	stream.linear.gather [hbm4b:s6+s3], $0x400, $0x38;
	[tilespmem:$0x14400] =	vst v63  }
0x19e: {  	s6 =	sadd.s32 $0xF4280, s6;
	s23 =	spop (v2sf)  }
0x19f: {  	[tilespmem:s16], [sflag:$0x1] =	stream.linear.gather [hbm4b:s6+s3], $0x400, $0x38;
	[tilespmem:$0x14400] =	vst v63  }
0x1a0: {  	s6 =	sand.u32 $0xFFFFF80, s23  }
0x1a1: {  	(v2sf) =	vpush v18, $0x4;
	s23 =	simm.s32 $0x8C00;
	s6 =	sadd.s32 s1, s6  }
0x1a2: {  	[tilespmem:s23], [sflag:$0x2] =	stream.linear.gather [hbm4b:s6+s3], $0x400, $0x38;
	[tilespmem:$0x14400] =	vst v63  }
0x1a3: {  	s6 =	sadd.s32 $0xF4280, s6;
	s23 =	spop (v2sf)  }
0x1a4: {  	[tilespmem:s18], [sflag:$0x2] =	stream.linear.gather [hbm4b:s6+s3], $0x400, $0x38;
	[tilespmem:$0x14400] =	vst v63  }
0x1a5: {  	(v2sf) =	vpush v17, $0x4;
	s6 =	sand.u32 $0xFFFFF80, s23  }
0x1a6: {  	s6 =	sadd.s32 s0, s6  }
0x1a7: {  	[tilespmem:s19], [sflag:$0x1] =	stream.linear.gather [hbm4b:s6+s3], $0x400, $0x38;
	[tilespmem:$0x14400] =	vst v63  }
0x1a8: {  	s23 =	simm.s32 $0x5000;
	s6 =	sadd.s32 $0xF4280, s6  }
0x1a9: {  	[tilespmem:s23], [sflag:$0x1] =	stream.linear.gather [hbm4b:s6+s3], $0x400, $0x38;
	[tilespmem:$0x14400] =	vst v63  }
0x1aa: {  	s23 =	spop (v2sf)  }
0x1ab: {  	s6 =	sand.u32 $0xFFFFF80, s23  }
0x1ac: {  	(v2sf) =	vpush v18, $0x5;
	s6 =	sadd.s32 s1, s6  }
0x1ad: {  	[tilespmem:s21], [sflag:$0x2] =	stream.linear.gather [hbm4b:s6+s3], $0x400, $0x38;
	[tilespmem:$0x14400] =	vst v63  }
0x1ae: {  	s23 =	simm.s32 $0xD000;
	s6 =	sadd.s32 $0xF4280, s6  }
0x1af: {  	[tilespmem:s23], [sflag:$0x2] =	stream.linear.gather [hbm4b:s6+s3], $0x400, $0x38;
	[tilespmem:$0x14400] =	vst v63  }
0x1b0: {  	s23 =	spop (v2sf)  }
0x1b1: {  	s6 =	sand.u32 $0xFFFFF80, s23  }
0x1b2: {  	(v2sf) =	vpush v17, $0x5;
	s6 =	sadd.s32 s0, s6  }
0x1b3: {  	[tilespmem:s22], [sflag:$0x1] =	stream.linear.gather [hbm4b:s6+s3], $0x400, $0x38;
	[tilespmem:$0x14400] =	vst v63  }
0x1b4: {  	s23 =	spop (v2sf);
	s6 =	sadd.s32 $0xF4280, s6  }
0x1b5: {  	[tilespmem:s9], [sflag:$0x1] =	stream.linear.gather [hbm4b:s6+s3], $0x400, $0x38;
	[tilespmem:$0x14400] =	vst v63  }
0x1b6: {  	s6 =	sand.u32 $0xFFFFF80, s23  }
0x1b7: {  	s23 =	simm.s32 $0x9400;
	s6 =	sadd.s32 s1, s6  }
0x1b8: {  	(v2sf) =	vpush v18, $0x6;
	[tilespmem:s23], [sflag:$0x2] =	stream.linear.gather [hbm4b:s6+s3], $0x400, $0x38;
	[tilespmem:$0x14400] =	vst v63  }
0x1b9: {  	s6 =	sadd.s32 $0xF4280, s6;
	s23 =	simm.s32 $0xD400  }
0x1ba: {  	[tilespmem:s23], [sflag:$0x2] =	stream.linear.gather [hbm4b:s6+s3], $0x400, $0x38;
	[tilespmem:$0x14400] =	vst v63  }
0x1bb: {  	s23 =	spop (v2sf)  }
0x1bc: {  	s6 =	sand.u32 $0xFFFFF80, s23  }
0x1bd: {  	s23 =	simm.s32 $0x1800;
	s6 =	sadd.s32 s0, s6  }
0x1be: {  	(v2sf) =	vpush v17, $0x6;
	[tilespmem:s23], [sflag:$0x1] =	stream.linear.gather [hbm4b:s6+s3], $0x400, $0x38;
	[tilespmem:$0x14400] =	vst v63  }
0x1bf: {  	s6 =	sadd.s32 $0xF4280, s6;
	s23 =	simm.s32 $0x5800  }
0x1c0: {  	[tilespmem:s23], [sflag:$0x1] =	stream.linear.gather [hbm4b:s6+s3], $0x400, $0x38;
	[tilespmem:$0x14400] =	vst v63  }
0x1c1: {  	s23 =	spop (v2sf)  }
0x1c2: {  	s6 =	sand.u32 $0xFFFFF80, s23  }
0x1c3: {  	s23 =	simm.s32 $0x9800;
	s6 =	sadd.s32 s1, s6  }
0x1c4: {  	(v2sf) =	vpush v18, $0x7;
	[tilespmem:s23], [sflag:$0x2] =	stream.linear.gather [hbm4b:s6+s3], $0x400, $0x38;
	[tilespmem:$0x14400] =	vst v63  }
0x1c5: {  	s6 =	sadd.s32 $0xF4280, s6;
	s23 =	simm.s32 $0xD800  }
0x1c6: {  	[tilespmem:s23], [sflag:$0x2] =	stream.linear.gather [hbm4b:s6+s3], $0x400, $0x38;
	[tilespmem:$0x14400] =	vst v63  }
0x1c7: {  	s23 =	spop (v2sf)  }
0x1c8: {  	s6 =	sand.u32 $0xFFFFF80, s23  }
0x1c9: {  	s23 =	simm.s32 $0x1C00;
	s6 =	sadd.s32 s0, s6  }
0x1ca: {  	(v2sf) =	vpush v17, $0x7;
	[tilespmem:s23], [sflag:$0x1] =	stream.linear.gather [hbm4b:s6+s3], $0x400, $0x38;
	[tilespmem:$0x14400] =	vst v63  }
0x1cb: {  	s6 =	sadd.s32 $0xF4280, s6;
	s23 =	simm.s32 $0x5C00  }
0x1cc: {  	[tilespmem:s23], [sflag:$0x1] =	stream.linear.gather [hbm4b:s6+s3], $0x400, $0x38;
	[tilespmem:$0x14400] =	vst v63  }
0x1cd: {  	s23 =	spop (v2sf)  }
0x1ce: {  	s6 =	sand.u32 $0xFFFFF80, s23  }
0x1cf: {  	s23 =	simm.s32 $0x9C00;
	s6 =	sadd.s32 s1, s6  }
0x1d0: {  	[tilespmem:s23], [sflag:$0x2] =	stream.linear.gather [hbm4b:s6+s3], $0x400, $0x38;
	[tilespmem:$0x14400] =	vst v63  }
0x1d1: {  	s6 =	sadd.s32 $0xF4280, s6;
	s23 =	simm.s32 $0xDC00  }
0x1d2: {  	[tilespmem:s23], [sflag:$0x2] =	stream.linear.gather [hbm4b:s6+s3], $0x400, $0x38;
	[tilespmem:$0x14400] =	vst v63  }
0x1d3: {  	s23 =	spop (v2sf)  }
0x1d4: {  	s6 =	sand.u32 $0xFFFFF80, s23  }
0x1d5: {  	s23 =	simm.s32 $0x2000;
	s6 =	sadd.s32 s0, s6  }
0x1d6: {  	[tilespmem:s23], [sflag:$0x1] =	stream.linear.gather [hbm4b:s6+s3], $0x400, $0x38;
	[tilespmem:$0x14400] =	vst v63  }
0x1d7: {  	s6 =	sadd.s32 $0xF4280, s6;
	s23 =	simm.s32 $0x6000  }
0x1d8: {  	[tilespmem:s23], [sflag:$0x1] =	stream.linear.gather [hbm4b:s6+s3], $0x400, $0x38;
	[tilespmem:$0x14400] =	vst v63  }
0x1d9: {  	s23 =	spop (v2sf)  }
0x1da: {  	s6 =	sand.u32 $0xFFFFF80, s23  }
0x1db: {  	s23 =	simm.s32 $0xA000;
	s6 =	sadd.s32 s1, s6  }
0x1dc: {  	[tilespmem:s23], [sflag:$0x2] =	stream.linear.gather [hbm4b:s6+s3], $0x400, $0x38;
	[tilespmem:$0x14400] =	vst v63  }
0x1dd: {  	s6 =	sadd.s32 $0xF4280, s6;
	s23 =	simm.s32 $0xE000  }
0x1de: {  	v27 =	vbroadcast v19, $0x8;
	[tilespmem:s23], [sflag:$0x2] =	stream.linear.gather [hbm4b:s6+s3], $0x400, $0x38;
	[tilespmem:$0x14400] =	vst v63  }
0x1df: {  	_ =	swait.ge [sflag:s29], $0x4000  }
0x1e0: {  	v21 =	vor.u32 v9, v27;
	s23 =	sadd.s32 $0xFFFFFFF9, s2;
	[sflag:s29] =	ssyncset.done $0x0  }
0x1e1: {  	v28 =	vmov s23;
	[sflag:s29] =	ssyncadd.s32 $0xFFFFC000  }
0x1e2: {  	v29 =	vshll.u32 v28, $0x3;
	_ =	swait.ge [sflag:s30], $0x4000  }
0x1e3: {  	v22 =	vand.u32 $0x78, v28;
	v23 =	vand.u32 $0xC00, v29;
	[sflag:s30] =	ssyncset.done $0x0  }
0x1e4: {  	v30 =	vbroadcast v20, $0x8;
	v22 =	vor.u32 v23, v22;
	[sflag:s30] =	ssyncadd.s32 $0xFFFFC000  }
0x1e5: {  	v22 =	vor.u32 v1, v22;
	v21 =	vld.idx.msk [tilespmem:v21+s11+$0x0], $0xffff  }
0x1e6: {  	v23 =	vor.u32 v9, v30;
	_ =	sdelay $0x3  }
0x1e7: {  	v31 =	vbroadcast v19, $0x9;
	[tilespmem:v22+s26+$0x0] =	vst.idx.msk $0xffff, v21  }
0x1e8: {  	v23 =	vld.idx.msk [tilespmem:v23+s13+$0x0], $0xffff  }
0x1e9: {  	s23 =	sadd.s32 $0xFFFFFFFA, s2;
	v21 =	vor.u32 v10, v31  }
0x1ea: {  	v32 =	vmov s23  }
0x1eb: {  	v33 =	vshll.u32 v32, $0x3  }
0x1ec: {  	v24 =	vand.u32 $0x79, v32;
	v25 =	vand.u32 $0xC00, v33  }
0x1ed: {  	v35 =	vbroadcast v20, $0x9;
	v34 =	vor.u32 v25, v24;
	[tilespmem:v22+s28+$0x0] =	vst.idx.msk $0xffff, v23  }
0x1ee: {  	v22 =	vor.u32 v1, v34;
	v21 =	vld.idx.msk [tilespmem:v21+s11+$0x0], $0xffff  }
0x1ef: {  	v23 =	vor.u32 v10, v35;
	_ =	sdelay $0x3  }
0x1f0: {  	v36 =	vbroadcast v19, $0xA;
	[tilespmem:v22+s26+$0x0] =	vst.idx.msk $0xffff, v21  }
0x1f1: {  	v23 =	vld.idx.msk [tilespmem:v23+s13+$0x0], $0xffff  }
0x1f2: {  	s23 =	sadd.s32 $0xFFFFFFFB, s2;
	v21 =	vor.u32 v11, v36  }
0x1f3: {  	v37 =	vmov s23  }
0x1f4: {  	v38 =	vshll.u32 v37, $0x3  }
0x1f5: {  	v24 =	vand.u32 $0x7A, v37;
	v25 =	vand.u32 $0xC00, v38  }
0x1f6: {  	v40 =	vbroadcast v20, $0xA;
	v39 =	vor.u32 v25, v24;
	[tilespmem:v22+s28+$0x0] =	vst.idx.msk $0xffff, v23  }
0x1f7: {  	v22 =	vor.u32 v1, v39;
	v21 =	vld.idx.msk [tilespmem:v21+s11+$0x0], $0xffff  }
0x1f8: {  	v23 =	vor.u32 v11, v40;
	_ =	sdelay $0x3  }
0x1f9: {  	v41 =	vbroadcast v19, $0xB;
	[tilespmem:v22+s26+$0x0] =	vst.idx.msk $0xffff, v21  }
0x1fa: {  	v23 =	vld.idx.msk [tilespmem:v23+s13+$0x0], $0xffff  }
0x1fb: {  	s23 =	sadd.s32 $0xFFFFFFFC, s2;
	v21 =	vor.u32 v12, v41  }
0x1fc: {  	v42 =	vmov s23  }
0x1fd: {  	v43 =	vshll.u32 v42, $0x3  }
0x1fe: {  	v24 =	vand.u32 $0x7B, v42;
	v25 =	vand.u32 $0xC00, v43  }
0x1ff: {  	v45 =	vbroadcast v20, $0xB;
	v44 =	vor.u32 v25, v24;
	[tilespmem:v22+s28+$0x0] =	vst.idx.msk $0xffff, v23  }
0x200: {  	v22 =	vor.u32 v1, v44;
	v21 =	vld.idx.msk [tilespmem:v21+s11+$0x0], $0xffff  }
0x201: {  	v23 =	vor.u32 v12, v45;
	_ =	sdelay $0x3  }
0x202: {  	v46 =	vbroadcast v19, $0xC;
	[tilespmem:v22+s26+$0x0] =	vst.idx.msk $0xffff, v21  }
0x203: {  	v23 =	vld.idx.msk [tilespmem:v23+s13+$0x0], $0xffff  }
0x204: {  	s23 =	sadd.s32 $0xFFFFFFFD, s2;
	v21 =	vor.u32 v13, v46  }
0x205: {  	v47 =	vmov s23  }
0x206: {  	v48 =	vshll.u32 v47, $0x3  }
0x207: {  	v24 =	vand.u32 $0x7C, v47;
	v25 =	vand.u32 $0xC00, v48  }
0x208: {  	v50 =	vbroadcast v20, $0xC;
	v49 =	vor.u32 v25, v24;
	[tilespmem:v22+s28+$0x0] =	vst.idx.msk $0xffff, v23  }
0x209: {  	v22 =	vor.u32 v1, v49;
	v21 =	vld.idx.msk [tilespmem:v21+s11+$0x0], $0xffff  }
0x20a: {  	v23 =	vor.u32 v13, v50;
	_ =	sdelay $0x3  }
0x20b: {  	v51 =	vbroadcast v19, $0xD;
	[tilespmem:v22+s26+$0x0] =	vst.idx.msk $0xffff, v21  }
0x20c: {  	v23 =	vld.idx.msk [tilespmem:v23+s13+$0x0], $0xffff  }
0x20d: {  	s23 =	sadd.s32 $0xFFFFFFFE, s2;
	v21 =	vor.u32 v14, v51  }
0x20e: {  	v52 =	vmov s23  }
0x20f: {  	v53 =	vshll.u32 v52, $0x3  }
0x210: {  	v24 =	vand.u32 $0x7D, v52;
	v25 =	vand.u32 $0xC00, v53  }
0x211: {  	v55 =	vbroadcast v20, $0xD;
	v54 =	vor.u32 v25, v24;
	[tilespmem:v22+s28+$0x0] =	vst.idx.msk $0xffff, v23  }
0x212: {  	v22 =	vor.u32 v1, v54;
	v21 =	vld.idx.msk [tilespmem:v21+s11+$0x0], $0xffff  }
0x213: {  	v23 =	vor.u32 v14, v55;
	_ =	sdelay $0x3  }
0x214: {  	v56 =	vbroadcast v19, $0xE;
	[tilespmem:v22+s26+$0x0] =	vst.idx.msk $0xffff, v21  }
0x215: {  	v23 =	vld.idx.msk [tilespmem:v23+s13+$0x0], $0xffff  }
0x216: {  	s23 =	sadd.s32 $0xFFFFFFFF, s2;
	v21 =	vor.u32 v15, v56  }
0x217: {  	v57 =	vmov s23  }
0x218: {  	v58 =	vshll.u32 v57, $0x3  }
0x219: {  	v24 =	vand.u32 $0x7E, v57;
	v25 =	vand.u32 $0xC00, v58  }
0x21a: {  	v60 =	vbroadcast v20, $0xE;
	v59 =	vor.u32 v25, v24;
	[tilespmem:v22+s28+$0x0] =	vst.idx.msk $0xffff, v23  }
0x21b: {  	v22 =	vor.u32 v1, v59;
	v21 =	vld.idx.msk [tilespmem:v21+s11+$0x0], $0xffff  }
0x21c: {  	v23 =	vor.u32 v15, v60;
	_ =	sdelay $0x3  }
0x21d: {  	v19 =	vbroadcast v19, $0xF;
	[tilespmem:v22+s26+$0x0] =	vst.idx.msk $0xffff, v21  }
0x21e: {  	(v2sf) =	vpush v18, $0x8;
	v21 =	vld.idx.msk [tilespmem:v23+s13+$0x0], $0xffff  }
0x21f: {  	v19 =	vor.u32 v16, v19  }
0x220: {  	v61 =	vmov s2  }
0x221: {  	v62 =	vshll.u32 v61, $0x3  }
0x222: {  	v24 =	vand.u32 $0xC00, v62;
	v23 =	vand.u32 $0x7F, v61  }
0x223: {  	v20 =	vbroadcast v20, $0xF;
	v63 =	vor.u32 v24, v23;
	[tilespmem:v22+s28+$0x0] =	vst.idx.msk $0xffff, v21  }
0x224: {  	(v2sf) =	vpush v17, $0x8;
	v21 =	vor.u32 v1, v63;
	v19 =	vld.idx.msk [tilespmem:v19+s11+$0x0], $0xffff  }
0x225: {  	v20 =	vor.u32 v16, v20;
	_ =	sdelay $0x3  }
0x226: {  	[tilespmem:v21+s26+$0x0] =	vst.idx.msk $0xffff, v19  }
0x227: {  	(v2sf) =	vpush v18, $0x9;
	v19 =	vld.idx.msk [tilespmem:v20+s13+$0x0], $0xffff;
	_ =	sdelay $0x2  }
0x228: {  	s23 =	spop (v2sf)  }
0x229: {  	s6 =	sand.u32 $0xFFFFF80, s23  }
0x22a: {  	s23 =	simm.s32 $0x2400;
	s6 =	sadd.s32 s0, s6;
	[tilespmem:v21+s28+$0x0] =	vst.idx.msk $0xffff, v19  }
0x22b: {  	(v2sf) =	vpush v17, $0x9;
	[tilespmem:s23], [sflag:$0x3] =	stream.linear.gather [hbm4b:s6+s3], $0x400, $0x38;
	[tilespmem:$0x14400] =	vst v63  }
0x22c: {  	s6 =	sadd.s32 $0xF4280, s6;
	s23 =	simm.s32 $0x6400  }
0x22d: {  	[tilespmem:s23], [sflag:$0x3] =	stream.linear.gather [hbm4b:s6+s3], $0x400, $0x38;
	[tilespmem:$0x14400] =	vst v63  }
0x22e: {  	s23 =	spop (v2sf)  }
0x22f: {  	s6 =	sand.u32 $0xFFFFF80, s23  }
0x230: {  	s23 =	simm.s32 $0xA400;
	s6 =	sadd.s32 s1, s6  }
0x231: {  	(v2sf) =	vpush v18, $0xA;
	[tilespmem:s23], [sflag:$0x4] =	stream.linear.gather [hbm4b:s6+s3], $0x400, $0x38;
	[tilespmem:$0x14400] =	vst v63  }
0x232: {  	s6 =	sadd.s32 $0xF4280, s6;
	s23 =	simm.s32 $0xE400  }
0x233: {  	[tilespmem:s23], [sflag:$0x4] =	stream.linear.gather [hbm4b:s6+s3], $0x400, $0x38;
	[tilespmem:$0x14400] =	vst v63  }
0x234: {  	s23 =	spop (v2sf)  }
0x235: {  	s6 =	sand.u32 $0xFFFFF80, s23  }
0x236: {  	s23 =	simm.s32 $0x2800;
	s6 =	sadd.s32 s0, s6  }
0x237: {  	(v2sf) =	vpush v17, $0xA;
	[tilespmem:s23], [sflag:$0x3] =	stream.linear.gather [hbm4b:s6+s3], $0x400, $0x38;
	[tilespmem:$0x14400] =	vst v63  }
0x238: {  	s6 =	sadd.s32 $0xF4280, s6;
	s23 =	simm.s32 $0x6800  }
0x239: {  	[tilespmem:s23], [sflag:$0x3] =	stream.linear.gather [hbm4b:s6+s3], $0x400, $0x38;
	[tilespmem:$0x14400] =	vst v63  }
0x23a: {  	s23 =	spop (v2sf)  }
0x23b: {  	s6 =	sand.u32 $0xFFFFF80, s23  }
0x23c: {  	s23 =	simm.s32 $0xA800;
	s6 =	sadd.s32 s1, s6  }
0x23d: {  	(v2sf) =	vpush v18, $0xB;
	[tilespmem:s23], [sflag:$0x4] =	stream.linear.gather [hbm4b:s6+s3], $0x400, $0x38;
	[tilespmem:$0x14400] =	vst v63  }
0x23e: {  	s6 =	sadd.s32 $0xF4280, s6;
	s23 =	simm.s32 $0xE800  }
0x23f: {  	[tilespmem:s23], [sflag:$0x4] =	stream.linear.gather [hbm4b:s6+s3], $0x400, $0x38;
	[tilespmem:$0x14400] =	vst v63  }
0x240: {  	s23 =	spop (v2sf)  }
0x241: {  	s6 =	sand.u32 $0xFFFFF80, s23  }
0x242: {  	s23 =	simm.s32 $0x2C00;
	s6 =	sadd.s32 s0, s6  }
0x243: {  	(v2sf) =	vpush v17, $0xB;
	[tilespmem:s23], [sflag:$0x3] =	stream.linear.gather [hbm4b:s6+s3], $0x400, $0x38;
	[tilespmem:$0x14400] =	vst v63  }
0x244: {  	s6 =	sadd.s32 $0xF4280, s6;
	s23 =	simm.s32 $0x6C00  }
0x245: {  	[tilespmem:s23], [sflag:$0x3] =	stream.linear.gather [hbm4b:s6+s3], $0x400, $0x38;
	[tilespmem:$0x14400] =	vst v63  }
0x246: {  	s23 =	spop (v2sf)  }
0x247: {  	s6 =	sand.u32 $0xFFFFF80, s23  }
0x248: {  	s23 =	simm.s32 $0xAC00;
	s6 =	sadd.s32 s1, s6  }
0x249: {  	(v2sf) =	vpush v18, $0xC;
	[tilespmem:s23], [sflag:$0x4] =	stream.linear.gather [hbm4b:s6+s3], $0x400, $0x38;
	[tilespmem:$0x14400] =	vst v63  }
0x24a: {  	s6 =	sadd.s32 $0xF4280, s6;
	s23 =	simm.s32 $0xEC00  }
0x24b: {  	[tilespmem:s23], [sflag:$0x4] =	stream.linear.gather [hbm4b:s6+s3], $0x400, $0x38;
	[tilespmem:$0x14400] =	vst v63  }
0x24c: {  	s23 =	spop (v2sf)  }
0x24d: {  	s6 =	sand.u32 $0xFFFFF80, s23  }
0x24e: {  	s23 =	simm.s32 $0x3000;
	s6 =	sadd.s32 s0, s6  }
0x24f: {  	(v2sf) =	vpush v17, $0xC;
	[tilespmem:s23], [sflag:$0x3] =	stream.linear.gather [hbm4b:s6+s3], $0x400, $0x38;
	[tilespmem:$0x14400] =	vst v63  }
0x250: {  	s6 =	sadd.s32 $0xF4280, s6;
	s23 =	simm.s32 $0x7000  }
0x251: {  	[tilespmem:s23], [sflag:$0x3] =	stream.linear.gather [hbm4b:s6+s3], $0x400, $0x38;
	[tilespmem:$0x14400] =	vst v63  }
0x252: {  	s23 =	spop (v2sf)  }
0x253: {  	s6 =	sand.u32 $0xFFFFF80, s23  }
0x254: {  	s23 =	simm.s32 $0xB000;
	s6 =	sadd.s32 s1, s6  }
0x255: {  	(v2sf) =	vpush v18, $0xD;
	[tilespmem:s23], [sflag:$0x4] =	stream.linear.gather [hbm4b:s6+s3], $0x400, $0x38;
	[tilespmem:$0x14400] =	vst v63  }
0x256: {  	s6 =	sadd.s32 $0xF4280, s6;
	s23 =	simm.s32 $0xF000  }
0x257: {  	[tilespmem:s23], [sflag:$0x4] =	stream.linear.gather [hbm4b:s6+s3], $0x400, $0x38;
	[tilespmem:$0x14400] =	vst v63  }
0x258: {  	s23 =	spop (v2sf)  }
0x259: {  	s6 =	sand.u32 $0xFFFFF80, s23  }
0x25a: {  	s23 =	simm.s32 $0x3400;
	s6 =	sadd.s32 s0, s6  }
0x25b: {  	(v2sf) =	vpush v17, $0xD;
	[tilespmem:s23], [sflag:$0x3] =	stream.linear.gather [hbm4b:s6+s3], $0x400, $0x38;
	[tilespmem:$0x14400] =	vst v63  }
0x25c: {  	s6 =	sadd.s32 $0xF4280, s6;
	s23 =	simm.s32 $0x7400  }
0x25d: {  	[tilespmem:s23], [sflag:$0x3] =	stream.linear.gather [hbm4b:s6+s3], $0x400, $0x38;
	[tilespmem:$0x14400] =	vst v63  }
0x25e: {  	s23 =	spop (v2sf)  }
0x25f: {  	s6 =	sand.u32 $0xFFFFF80, s23  }
0x260: {  	s23 =	simm.s32 $0xB400;
	s6 =	sadd.s32 s1, s6  }
0x261: {  	(v2sf) =	vpush v18, $0xE;
	[tilespmem:s23], [sflag:$0x4] =	stream.linear.gather [hbm4b:s6+s3], $0x400, $0x38;
	[tilespmem:$0x14400] =	vst v63  }
0x262: {  	s6 =	sadd.s32 $0xF4280, s6;
	s23 =	simm.s32 $0xF400  }
0x263: {  	[tilespmem:s23], [sflag:$0x4] =	stream.linear.gather [hbm4b:s6+s3], $0x400, $0x38;
	[tilespmem:$0x14400] =	vst v63  }
0x264: {  	s23 =	spop (v2sf)  }
0x265: {  	s6 =	sand.u32 $0xFFFFF80, s23  }
0x266: {  	s23 =	simm.s32 $0x3800;
	s6 =	sadd.s32 s0, s6  }
0x267: {  	(v2sf) =	vpush v17, $0xE;
	[tilespmem:s23], [sflag:$0x3] =	stream.linear.gather [hbm4b:s6+s3], $0x400, $0x38;
	[tilespmem:$0x14400] =	vst v63  }
0x268: {  	s6 =	sadd.s32 $0xF4280, s6;
	s23 =	simm.s32 $0x7800  }
0x269: {  	[tilespmem:s23], [sflag:$0x3] =	stream.linear.gather [hbm4b:s6+s3], $0x400, $0x38;
	[tilespmem:$0x14400] =	vst v63  }
0x26a: {  	s23 =	spop (v2sf)  }
0x26b: {  	s6 =	sand.u32 $0xFFFFF80, s23  }
0x26c: {  	s23 =	simm.s32 $0xB800;
	s6 =	sadd.s32 s1, s6  }
0x26d: {  	(v2sf) =	vpush v18, $0xF;
	[tilespmem:s23], [sflag:$0x4] =	stream.linear.gather [hbm4b:s6+s3], $0x400, $0x38;
	[tilespmem:$0x14400] =	vst v63  }
0x26e: {  	s6 =	sadd.s32 $0xF4280, s6;
	s23 =	simm.s32 $0xF800  }
0x26f: {  	[tilespmem:s23], [sflag:$0x4] =	stream.linear.gather [hbm4b:s6+s3], $0x400, $0x38;
	[tilespmem:$0x14400] =	vst v63  }
0x270: {  	s23 =	spop (v2sf)  }
0x271: {  	s6 =	sand.u32 $0xFFFFF80, s23  }
0x272: {  	s23 =	simm.s32 $0x3C00;
	s6 =	sadd.s32 s0, s6  }
0x273: {  	(v2sf) =	vpush v17, $0xF;
	[tilespmem:s23], [sflag:$0x3] =	stream.linear.gather [hbm4b:s6+s3], $0x400, $0x38;
	[tilespmem:$0x14400] =	vst v63  }
0x274: {  	s6 =	sadd.s32 $0xF4280, s6;
	s23 =	simm.s32 $0x7C00  }
0x275: {  	[tilespmem:s23], [sflag:$0x3] =	stream.linear.gather [hbm4b:s6+s3], $0x400, $0x38;
	[tilespmem:$0x14400] =	vst v63  }
0x276: {  	s23 =	spop (v2sf)  }
0x277: {  	s6 =	sand.u32 $0xFFFFF80, s23  }
0x278: {  	s23 =	simm.s32 $0xBC00;
	s6 =	sadd.s32 s1, s6  }
0x279: {  	[tilespmem:s23], [sflag:$0x4] =	stream.linear.gather [hbm4b:s6+s3], $0x400, $0x38;
	[tilespmem:$0x14400] =	vst v63  }
0x27a: {  	s6 =	sadd.s32 $0xF4280, s6  }
0x27b: {  	[tilespmem:s15], [sflag:$0x4] =	stream.linear.gather [hbm4b:s6+s3], $0x400, $0x38;
	[tilespmem:$0x14400] =	vst v63  }
0x27c: {  	s23 =	spop (v2sf)  }
0x27d: {  	s6 =	sand.u32 $0xFFFFF80, s23  }
0x27e: {  	s6 =	sadd.s32 s0, s6  }
0x27f: {  	[tilespmem:s20], [sflag:$0x3] =	stream.linear.gather [hbm4b:s6+s3], $0x400, $0x38;
	[tilespmem:$0x14400] =	vst v63  }
0x280: {  	s6 =	sadd.s32 $0xF4280, s6  }
0x281: {  	[tilespmem:s7], [sflag:$0x3] =	stream.linear.gather [hbm4b:s6+s3], $0x400, $0x38;
	[tilespmem:$0x14400] =	vst v63  }
0x282: {  	p0 =	sne.s32 s2, $0x1FF;
	s23 =	spop (v2sf)  }
.Ltmp0:
0x283: {  	s6 =	sand.u32 $0xFFFFF80, s23;
	(pc) =	sbr.rel @p0 .LBB2_2-.Ltmp0, $4  }
0x284: {  	s5 =	sadd.s32 $0x1, s5;
	s4 =	sadd.s32 $0x10, s4;
	s6 =	sadd.s32 s1, s6  }
0x285: {  	[tilespmem:s12], [sflag:$0x4] =	stream.linear.gather [hbm4b:s6+s3], $0x400, $0x38;
	[tilespmem:$0x14400] =	vst v63  }
0x286: {  	s31 =	sadd.s32 $0x10, s31;
	s2 =	sadd.s32 $0x10, s2;
	s6 =	sadd.s32 $0xF4280, s6  }
0x287: {  	[tilespmem:s17], [sflag:$0x4] =	stream.linear.gather [hbm4b:s6+s3], $0x400, $0x38;
	[tilespmem:$0x14400] =	vst v63  }
0x288: {  	_ =	swait.ge [sflag:s24], $0x4000  }
0x289: {  	[sflag:s24] =	ssyncset.done $0x0  }
0x28a: {  	[sflag:s24] =	ssyncadd.s32 $0xFFFFC000  }
0x28b: {  	_ =	swait.ge [sflag:s25], $0x4000  }
0x28c: {  	[sflag:s25] =	ssyncset.done $0x0  }
0x28d: {  	[sflag:s25] =	ssyncadd.s32 $0xFFFFC000  }
0x28e: {  	_ =	swait.ge [sflag:s29], $0x4000  }
0x28f: {  	[sflag:s29] =	ssyncset.done $0x0  }
0x290: {  	[sflag:s29] =	ssyncadd.s32 $0xFFFFC000  }
0x291: {  	_ =	swait.ge [sflag:s30], $0x4000  }
0x292: {  	s5 =	simm.s32 $0x1000;
	s6 =	simm.s32 $0x20000;
	[sflag:s30] =	ssyncset.done $0x0  }
0x293: {  	s4 =	simm.s32 $0x5;
	s2 =	rddreg [dreg:$0x8];
	[sflag:s30] =	ssyncadd.s32 $0xFFFFC000  }
0x294: {  	[hbm4b:s2+s5] =	stream.strided.scatter [tilespmem:s26], [sflag:$0x5], $0x2000, s6, s5, $0x38;
	[tilespmem:$0x14400] =	vst v63  }
0x295: {  	_ =	swait.ge [sflag:s4], $0x2000  }
0x296: {  	[sflag:s4] =	ssyncset.done $0x0  }
0x297: {  	s22 =	rddreg [dreg:$0x9];
	[sflag:s4] =	ssyncadd.s32 $0xFFFFE000  }
0x298: {  	[hbm4b:s22+s5] =	stream.strided.scatter [tilespmem:s28], [sflag:$0x5], $0x2000, s6, s5, $0x38;
	[tilespmem:$0x14400] =	vst v63  }
0x299: {  	_ =	swait.ge [sflag:s4], $0x2000  }
0x29a: {  	s19 =	simm.s32 $0x1000;
	s7 =	simm.s32 $0x800;
	s31 =	rddreg [dreg:$0xb]  }
0x29b: {  	s8 =	simm.s32 $0x4800;
	s23 =	rddreg [dreg:$0xa];
	s31 =	sadd.s32 $0x1, s31  }
0x29c: {  	s9 =	simm.s32 $0x8800;
	s10 =	simm.s32 $0xC800;
	p0 =	sne.s32 s31, s23  }
.Ltmp1:
0x29d: {  	s12 =	simm.s32 $0xC00;
	s14 =	simm.s32 $0x4C00;
	(pc) =	sbr.rel @p0 .LBB2_1-.Ltmp1, $4  }
0x29e: {  	s15 =	simm.s32 $0x8C00;
	s16 =	simm.s32 $0xCC00;
	s17 =	simm.s32 $0x5000  }
0x29f: {  	s18 =	simm.s32 $0x9000;
	s20 =	simm.s32 $0xD000;
	s21 =	simm.s32 $0x1400  }
0x2a0: {  	s5 =	simm.s32 $0x4400;
	s6 =	simm.s32 $0xC400;
	[sflag:s4] =	ssyncset.done $0x0  }
0x2a1: {  	s22 =	simm.s32 $0x5400;
	[sflag:s4] =	ssyncadd.s32 $0xFFFFE000;
	s23 =	simm.s32 $0x9400  }
0x2a2: {  	_ =	sfence.sel $0x180000  }
0x2a3: {  	[bflag:$0x0] =	sbarrier.arrive $0xFFFF  }
0x2a4: {  	_ =	strace $0x90000047  }
0x2a5: {  	s0 =	stileid.u32;
	[bflag:$0x2] =	sbarrier.arrive $0xFFFF  }
0x2a6: {  	p0 =	sne.s32 s0, $0x0;
	s0 =	rddreg [dreg:$0x5]  }
0x2a7: {  	s0 =	sadd.s32 @!p0 $0x100000, s0  }
0x2a8: {  	[sflag:s0] =	ssyncadd.tile.s32 @!p0 $0x1;
	_ =	shalt  }
.Lfunc_end2:
_tile_overlayer_lowered:
.L_overlay_start_2:
0x2a9: {  	(tag) =	ssettag $0x2  }
0x2aa: {  	s0 =	rddreg [dreg:$0x0];
	s2 =	stileid.u32  }
0x2ab: {  	s1 =	rddreg [dreg:$0x1];
	p0 =	sne.s32 s2, $0x0  }
0x2ac: {  	s3 =	rddreg [dreg:$0x2];
	[bflag:$0x3] =	sbarrier.arrive $0xFFFF;
	s2 =	simm.s32 @!p0 $0x1C05  }
0x2ad: {  	[timem:s3], [sflag:s2] =	dma.local @!p0 [hbm:s0], s1  }
0x2ae: {  	s0 =	simm.s32 @!p0 $0x5  }
0x2af: {  	_ =	swait.ge @!p0 [sflag:s0], s1  }
0x2b0: {  	s1 =	ssub.s32 @!p0 $0x0, s1;
	[sflag:s0] =	ssyncset.done @!p0 $0x0  }
0x2b1: {  	[sflag:s0] =	ssyncadd.s32 @!p0 s1  }
0x2b2: {  	[bflag:$0x3] =	sbarrier.arrive $0xFFFF  }
0x2b3: {  	_ =	shalt  }

</sc_bundles>
